<compile_context>
chip_gen: v7x
topology: tpu7x:2x2x1
jax: 0.10.2.dev20260603
libtpu: 0.0.44.dev20260713+nightly
codegen_flags: <defaults>
</compile_context>

<pallas_src>
import functools
import jax
import jax.numpy as jnp
from jax import lax
from jax.experimental import pallas as pl
from jax.experimental.pallas import tpu as pltpu
from jax.experimental.pallas import tpu_sc as plsc

B = 8
M = 64
G = 64
F = 192
R = B * M

NC = 2
NW = 32

_DOT_RT = (((1,), (1,)), ((), ()))
_DOT_LT = (((0,), (0,)), ((), ()))


def _sc_argmin(pts_hbm, gsplat):
    mesh = plsc.VectorSubcoreMesh(core_axis_name="c", subcore_axis_name="s")

    @functools.partial(
        pl.kernel, mesh=mesh,
        out_type=jax.ShapeDtypeStruct((R,), jnp.int32),
        scratch_types=[
            pltpu.VMEM((3, G, 16), jnp.float32),
            pltpu.VMEM((3, 16), jnp.float32),
            pltpu.VMEM((16,), jnp.int32),
        ],
    )
    def k(pts_ref, gs_ref, out_ref, gs_v, xyz_v, idx_v):
        wid = lax.axis_index("s") * NC + lax.axis_index("c")
        b = wid // 4
        ch = wid % 4
        pltpu.sync_copy(gs_ref, gs_v)
        for k3 in range(3):
            pltpu.sync_copy(pts_ref.at[k3, b, pl.ds(ch * 16, 16)],
                            xyz_v.at[k3])
        x = xyz_v[0]
        y = xyz_v[1]
        z = xyz_v[2]
        best = jnp.full((16,), 3.4e38, jnp.float32)
        bidx = jnp.zeros((16,), jnp.int32)
        for g in range(G):
            dx = x - gs_v[0, g]
            dy = y - gs_v[1, g]
            dz = z - gs_v[2, g]
            dist = dx * dx + dy * dy + dz * dz
            m = dist < best
            best = jnp.where(m, dist, best)
            bidx = jnp.where(m, jnp.full((16,), g, jnp.int32), bidx)
        idx_v[...] = bidx
        pltpu.sync_copy(idx_v, out_ref.at[pl.ds(wid * 16, 16)])

    return k(pts_hbm, gsplat)


def _qc_kernel(pc_ref, nm_ref, co_ref, idx_ref,
               ptw1_ref, ptb1_ref, ptw2_ref, ptb2_ref, ptw3_ref, ptb3_ref,
               nmw1_ref, nmb1_ref, nmw2_ref, nmb2_ref, nmw3_ref, nmb3_ref,
               txw1_ref, txb1_ref, txw2_ref, txb2_ref, txw3_ref, txb3_ref,
               dnw1t_ref, dnb1_ref, dnw2_ref, dnb2_ref,
               clw1t_ref, clb1_ref, clw2t_ref, clb2_ref,
               svw1t_ref, svb1_ref, svw2t_ref, svb2_ref,
               probs_ref, sev_ref, proc_ref, gf_ref):
    def coords(ref):
        x24 = ref[...].reshape(3 * B, 128)
        rows = [
            jnp.concatenate([x24[k * B + b:k * B + b + 1, :M]
                             for b in range(B)], axis=1)
            for k in range(3)
        ]
        return jnp.concatenate(rows, axis=0)

    pts3 = coords(pc_ref)
    nrm3 = coords(nm_ref)
    col3 = coords(co_ref)

    def rowvec(ref):
        return ref[...].reshape(1, -1)

    def matT(x, wt_ref):
        return jax.lax.dot_general(x, wt_ref[...], _DOT_RT,
                                   preferred_element_type=jnp.float32)

    def mlp(x3, w1, b1, w2, b2, w3, b3):
        h = jax.lax.dot_general(x3, w1[...], _DOT_LT,
                                preferred_element_type=jnp.float32)
        h = jnp.maximum(h + rowvec(b1), 0.0)
        h = jnp.maximum(h @ w2[...] + rowvec(b2), 0.0)
        return h @ w3[...] + rowvec(b3)

    pf = mlp(pts3, ptw1_ref, ptb1_ref, ptw2_ref, ptb2_ref, ptw3_ref, ptb3_ref)
    nf = mlp(nrm3, nmw1_ref, nmb1_ref, nmw2_ref, nmb2_ref, nmw3_ref, nmb3_ref)
    tf = mlp(col3, txw1_ref, txb1_ref, txw2_ref, txb2_ref, txw3_ref, txb3_ref)
    comb = jnp.concatenate([pf, nf, tf], axis=1)

    idx = idx_ref[...].reshape(1, R)

    cell_col = jax.lax.broadcasted_iota(jnp.int32, (G, M), 0)
    lane_io = jax.lax.broadcasted_iota(jnp.int32, (G, M), 1)

    gfs = []
    for b in range(B):
        idx_b = idx[:, b * M:(b + 1) * M]
        onehot = cell_col == idx_b
        val = jnp.where(onehot, lane_io + 1, 0)
        wins = jnp.max(val, axis=1, keepdims=True)
        sel = ((val == wins) & (wins > 0)).astype(jnp.float32)
        gf_b = sel @ comb[b * M:(b + 1) * M]
        gf_ref[b, :, :] = gf_b
        gfs.append(gf_b)
    gf = jnp.concatenate(gfs, axis=0)

    hd = jnp.maximum(matT(gf, dnw1t_ref) + rowvec(dnb1_ref), 0.0)
    defect = hd @ dnw2_ref[...] + rowvec(dnb2_ref)

    proc_ref[...] = jnp.transpose(defect.reshape(B, G, 64), (0, 2, 1))

    hc = jnp.maximum(matT(defect, clw1t_ref) + rowvec(clb1_ref), 0.0)
    logits = matT(hc, clw2t_ref) + rowvec(clb2_ref)
    probs = jax.nn.softmax(logits, axis=-1)
    probs3 = jnp.transpose(probs.reshape(B, M, 5), (0, 2, 1))
    for b in range(B):
        probs_ref[:, b, :] = probs3[b]

    hs = jnp.maximum(matT(defect, svw1t_ref) + rowvec(svb1_ref), 0.0)
    sev_pre = jnp.sum(hs * rowvec(svw2t_ref), axis=1, keepdims=True)
    sev = jax.nn.sigmoid(sev_pre + svb2_ref[...])
    sev3 = jnp.transpose(sev.reshape(B, M, 1), (0, 2, 1))
    for b in range(B):
        sev_ref[b:b + 1, :] = sev3[b]


def kernel(point_cloud, normals, colors, grid_points, params):
    t = jnp.transpose
    pts_t = t(point_cloud, (2, 0, 1))
    nrm_t = t(normals, (2, 0, 1))
    col_t = t(colors, (2, 0, 1))

    gsplat = jnp.broadcast_to(t(grid_points).reshape(3, G, 1), (3, G, 16))
    idx = _sc_argmin(pts_t, gsplat)

    p = params
    weight_args = [
        p["pt_W1"], p["pt_b1"], p["pt_W2"], p["pt_b2"], p["pt_W3"], p["pt_b3"],
        p["nm_W1"], p["nm_b1"], p["nm_W2"], p["nm_b2"], p["nm_W3"], p["nm_b3"],
        p["tx_W1"], p["tx_b1"], p["tx_W2"], p["tx_b2"], p["tx_W3"], p["tx_b3"],
        t(p["dn_W1"]), p["dn_b1"], p["dn_W2"], p["dn_b2"],
        t(p["cl_W1"]), p["cl_b1"], t(p["cl_W2"]), p["cl_b2"],
        t(p["sv_W1"]), p["sv_b1"], t(p["sv_W2"]), p["sv_b2"].reshape(1, 1),
    ]

    out_shapes = (
        jax.ShapeDtypeStruct((5, B, G), jnp.float32),
        jax.ShapeDtypeStruct((B, G), jnp.float32),
        jax.ShapeDtypeStruct((B, 64, G), jnp.float32),
        jax.ShapeDtypeStruct((B, G, F), jnp.float32),
    )

    first64 = pl.BlockSpec((3, B, 128), lambda i: (0, 0, 0))
    full = lambda a: pl.BlockSpec(a.shape, lambda i: (0,) * a.ndim)

    probs5, sev, proc, gf = pl.pallas_call(
        _qc_kernel,
        out_shape=out_shapes,
        grid=(1,),
        in_specs=[first64, first64, first64, full(idx)]
        + [full(w) for w in weight_args],
        out_specs=tuple(
            pl.BlockSpec(s.shape, lambda i, n=len(s.shape): (0,) * n)
            for s in out_shapes),
    )(pts_t, nrm_t, col_t, idx, *weight_args)

    return (jnp.transpose(probs5, (1, 2, 0)), sev, proc,
            jnp.transpose(gf, (0, 2, 1)))

# --- scband reference (transcript-rebuilt; emitter-appended) ---
"""Pipeline reference for scband-quality-control-detector-73547019976743 (READ-ONLY COPY).

The authoritative reference and input builder live on the scoring server;
editing this copy changes nothing except your own understanding.
"""

import jax, jax.numpy as jnp
import numpy as np

HIDDEN = 64

def _mlp3(x, p, pre):
    h = jax.nn.relu(x @ p[pre + "_W1"] + p[pre + "_b1"])
    h = jax.nn.relu(h @ p[pre + "_W2"] + p[pre + "_b2"])
    return h @ p[pre + "_W3"] + p[pre + "_b3"]

def setup_inputs(seed: int = 0) -> dict:
    key = jax.random.key(seed)
    ks = jax.random.split(key, 32)
    B, N = 8, 16384
    point_cloud = jax.random.normal(ks[0], (B, N, 3), dtype=jnp.float32)
    normals = jax.random.normal(ks[1], (B, N, 3), dtype=jnp.float32)
    colors = jax.random.uniform(ks[2], (B, N, 3), dtype=jnp.float32)
    grid_points = jax.random.normal(ks[3], (64, 3), dtype=jnp.float32)
    def lin(k, i, o):
        return jax.random.normal(k, (i, o), dtype=jnp.float32) * 0.05
    params = {}
    i = 4
    for pre in ["pt", "nm", "tx"]:
        params[pre + "_W1"] = lin(ks[i], 3, HIDDEN // 4); params[pre + "_b1"] = jnp.zeros(HIDDEN // 4, jnp.float32); i += 1
        params[pre + "_W2"] = lin(ks[i], HIDDEN // 4, HIDDEN // 2); params[pre + "_b2"] = jnp.zeros(HIDDEN // 2, jnp.float32); i += 1
        params[pre + "_W3"] = lin(ks[i], HIDDEN // 2, HIDDEN); params[pre + "_b3"] = jnp.zeros(HIDDEN, jnp.float32); i += 1
    params["dn_W1"] = lin(ks[i], HIDDEN * 3, HIDDEN); params["dn_b1"] = jnp.zeros(HIDDEN, jnp.float32); i += 1
    params["dn_W2"] = lin(ks[i], HIDDEN, HIDDEN); params["dn_b2"] = jnp.zeros(HIDDEN, jnp.float32); i += 1
    params["cl_W1"] = lin(ks[i], HIDDEN, HIDDEN // 2); params["cl_b1"] = jnp.zeros(HIDDEN // 2, jnp.float32); i += 1
    params["cl_W2"] = lin(ks[i], HIDDEN // 2, 5); params["cl_b2"] = jnp.zeros(5, jnp.float32); i += 1
    params["sv_W1"] = lin(ks[i], HIDDEN, HIDDEN // 2); params["sv_b1"] = jnp.zeros(HIDDEN // 2, jnp.float32); i += 1
    params["sv_W2"] = lin(ks[i], HIDDEN // 2, 1); params["sv_b2"] = jnp.zeros(1, jnp.float32); i += 1
    return {"point_cloud": point_cloud, "normals": normals, "colors": colors,
            "grid_points": grid_points, "params": params}

def _forward(point_cloud, normals, colors, grid_points, params):
    B, N, _ = point_cloud.shape
    pf = _mlp3(point_cloud, params, "pt")
    nf = _mlp3(normals, params, "nm")
    tf = _mlp3(colors, params, "tx")
    combined = jnp.concatenate([pf, nf, tf], axis=-1)  # [B, N, 3H]
    M = min(N, 64)
    pts = point_cloud[:, :M]  # [B, M, 3]
    d = jnp.sum((pts[:, :, None, :] - grid_points[None, None, :, :]) ** 2, axis=-1)  # [B, M, 64]
    idx = jnp.argmin(d, axis=-1)  # [B, M] nearest grid point per point
    F = combined.shape[-1]
    grid_feats = jnp.zeros((B, 64, F), dtype=combined.dtype)
    # scatter-overwrite: grid_features[b, grid_idx] = features[b, i]
    grid_feats = grid_feats.at[jnp.arange(B)[:, None], idx].set(combined[:, :M])
    gf_t = jnp.transpose(grid_feats, (0, 2, 1))  # torch grid_features after transpose(1,2): [B, 3H, 64]
    # TetrahedralAGINetwork stand-in: two 1x1 channel-mixing layers 3H->H->H
    h = jax.nn.relu(grid_feats @ params["dn_W1"] + params["dn_b1"])
    defect_features = h @ params["dn_W2"] + params["dn_b2"]  # [B, 64, H]
    processed = jnp.transpose(defect_features, (0, 2, 1))  # [B, H, 64]
    hc = jax.nn.relu(defect_features @ params["cl_W1"] + params["cl_b1"])
    logits = hc @ params["cl_W2"] + params["cl_b2"]
    probs = jax.nn.softmax(logits, axis=-1)  # [B, 64, 5]
    hs = jax.nn.relu(defect_features @ params["sv_W1"] + params["sv_b1"])
    severity = jax.nn.sigmoid(hs @ params["sv_W2"] + params["sv_b2"])[..., 0]  # [B, 64]
    return probs, severity, processed, gf_t

def reference(point_cloud, normals, colors, grid_points, params):
    return _forward(point_cloud, normals, colors, grid_points, params)

if __name__ == "__main__":
    import jax
    _d = setup_inputs()
    print(jax.jit(kernel)(*tuple(_d.values())))

</pallas_src>

<mosaic_0001>
#map = affine_map<(d0, d1) -> (0, 0, 0)>
#map1 = affine_map<(d0, d1) -> (0)>
module attributes {stable_mosaic.version = 14 : i64} {
  func.func @k(%arg0: i32, %arg1: i32, %arg2: memref<3x8x16384xf32, #tpu.memory_space<hbm>>, %arg3: memref<3x64x16xf32, #tpu.memory_space<hbm>>, %arg4: memref<512xi32, #tpu.memory_space<hbm>>, %arg5: memref<3x64x16xf32, #tpu.memory_space<vmem>>, %arg6: memref<3x16xf32, #tpu.memory_space<vmem>>, %arg7: memref<16xi32, #tpu.memory_space<vmem>>) attributes {dimension_semantics = [#tpu.dimension_semantics<core_parallel>, #tpu.dimension_semantics<subcore_parallel>], iteration_bounds = array<i64: 2, 16>, scalar_prefetch = 0 : i64, scratch_operands = 3 : i64, tpu.core_type = #tpu.core_type<sc_vector_subcore>, window_params = [{transform_indices = #map}, {transform_indices = #map}, {transform_indices = #map1}]} {
    %mul3A = arith.constant 2 : i32
    %mul3A_0 = arith.muli %arg1, %mul3A : i32
    %add3A = arith.addi %mul3A_0, %arg0 : i32
    %jit3A = arith.constant 4 : i32
    %div3A = arith.divsi %add3A, %jit3A : i32
    %sign3A = arith.constant 0 : i32
    %sign3A_1 = arith.cmpi sgt, %add3A, %sign3A : i32
    %sign3A_2 = arith.extui %sign3A_1 : i1 to i32
    %sign3A_3 = arith.constant 0 : i32
    %sign3A_4 = arith.cmpi slt, %add3A, %sign3A_3 : i32
    %sign3A_5 = arith.extui %sign3A_4 : i1 to i32
    %sign3A_6 = arith.subi %sign3A_2, %sign3A_5 : i32
    %sign3A_7 = arith.constant 0 : i32
    %sign3A_8 = arith.cmpi sgt, %jit3A, %sign3A_7 : i32
    %sign3A_9 = arith.extui %sign3A_8 : i1 to i32
    %sign3A_10 = arith.constant 0 : i32
    %sign3A_11 = arith.cmpi slt, %jit3A, %sign3A_10 : i32
    %sign3A_12 = arith.extui %sign3A_11 : i1 to i32
    %sign3A_13 = arith.subi %sign3A_9, %sign3A_12 : i32
    %ne3A = arith.cmpi ne, %sign3A_6, %sign3A_13 : i32
    %rem3A = arith.remsi %add3A, %jit3A : i32
    %ne3A_14 = arith.constant 0 : i32
    %ne3A_15 = arith.cmpi ne, %rem3A, %ne3A_14 : i32
    %and3A = arith.andi %ne3A, %ne3A_15 : i1
    %sub3A = arith.constant 1 : i32
    %sub3A_16 = arith.subi %div3A, %sub3A : i32
    %select_n3A = arith.select %and3A, %sub3A_16, %div3A : i32
    %jit3A_17 = arith.constant 4 : i32
    %eq3A = arith.constant 0 : i32
    %eq3A_18 = arith.cmpi eq, %jit3A_17, %eq3A : i32
    %jit3A_19 = arith.constant 1 : i32
    %select_n3A_20 = arith.select %eq3A_18, %jit3A_19, %jit3A_17 : i32
    %rem3A_21 = arith.remsi %add3A, %select_n3A_20 : i32
    %ne3A_22 = arith.constant 0 : i32
    %ne3A_23 = arith.cmpi ne, %rem3A_21, %ne3A_22 : i32
    %lt3A = arith.constant 0 : i32
    %lt3A_24 = arith.cmpi slt, %rem3A_21, %lt3A : i32
    %lt3A_25 = arith.constant 0 : i32
    %lt3A_26 = arith.cmpi slt, %select_n3A_20, %lt3A_25 : i32
    %ne3A_27 = arith.xori %lt3A_24, %lt3A_26 : i1
    %and3A_28 = arith.andi %ne3A_27, %ne3A_23 : i1
    %add3A_29 = arith.addi %rem3A_21, %select_n3A_20 : i32
    %select_n3A_30 = arith.select %and3A_28, %add3A_29, %rem3A_21 : i32
    "tpu.region"() ({
      %run_scoped3A_2240 = tpu.sem_alloc : memref<!tpu.dma_semaphore, #tpu.memory_space<semaphore_mem>>
      tpu.enqueue_dma source(%arg3 : memref<3x64x16xf32, #tpu.memory_space<hbm>>) target(%arg5 : memref<3x64x16xf32, #tpu.memory_space<vmem>>) target_semaphore(%run_scoped3A_2240 : memref<!tpu.dma_semaphore, #tpu.memory_space<semaphore_mem>>)
      tpu.wait_dma2 semaphore(%run_scoped3A_2240 : memref<!tpu.dma_semaphore, #tpu.memory_space<semaphore_mem>>) src(%arg3 : memref<3x64x16xf32, #tpu.memory_space<hbm>>) dst(%arg5 : memref<3x64x16xf32, #tpu.memory_space<vmem>>)
      tpu.yield
    }) : () -> ()
    %mul3A_31 = arith.constant 16 : i32
    %mul3A_32 = arith.muli %select_n3A_30, %mul3A_31 : i32
    %run_scoped3A = arith.constant 0 : i32
    %run_scoped3A_33 = arith.constant 0 : i32
    "tpu.region"() ({
      %run_scoped3A_2240 = tpu.sem_alloc : memref<!tpu.dma_semaphore, #tpu.memory_space<semaphore_mem>>
      %dma_start3A = arith.constant 0 : i32
      %dma_start3A_2241 = tpu.memref_slice %arg6[%run_scoped3A_33, %dma_start3A] : memref<3x16xf32, #tpu.memory_space<vmem>> -> memref<1x16xf32, #tpu.memory_space<vmem>>
      %dma_start3A_2242 = tpu.memref_squeeze %dma_start3A_2241 : memref<1x16xf32, #tpu.memory_space<vmem>> -> memref<16xf32, #tpu.memory_space<vmem>>
      %dma_start3A_2243 = tpu.memref_slice %arg2[%run_scoped3A, %select_n3A, %mul3A_32] : memref<3x8x16384xf32, #tpu.memory_space<hbm>> -> memref<1x1x16xf32, #tpu.memory_space<hbm>>
      %dma_start3A_2244 = tpu.memref_squeeze %dma_start3A_2243 : memref<1x1x16xf32, #tpu.memory_space<hbm>> -> memref<16xf32, #tpu.memory_space<hbm>>
      %dma_start3A_2245 = arith.constant 0 : i32
      %dma_start3A_2246 = tpu.memref_slice %arg6[%run_scoped3A_33, %dma_start3A_2245] : memref<3x16xf32, #tpu.memory_space<vmem>> -> memref<1x16xf32, #tpu.memory_space<vmem>>
      %dma_start3A_2247 = tpu.memref_squeeze %dma_start3A_2246 : memref<1x16xf32, #tpu.memory_space<vmem>> -> memref<16xf32, #tpu.memory_space<vmem>>
      %dma_start3A_2248 = tpu.memref_slice %arg2[%run_scoped3A, %select_n3A, %mul3A_32] : memref<3x8x16384xf32, #tpu.memory_space<hbm>> -> memref<1x1x16xf32, #tpu.memory_space<hbm>>
      %dma_start3A_2249 = tpu.memref_squeeze %dma_start3A_2248 : memref<1x1x16xf32, #tpu.memory_space<hbm>> -> memref<16xf32, #tpu.memory_space<hbm>>
      tpu.enqueue_dma source(%dma_start3A_2249 : memref<16xf32, #tpu.memory_space<hbm>>) target(%dma_start3A_2247 : memref<16xf32, #tpu.memory_space<vmem>>) target_semaphore(%run_scoped3A_2240 : memref<!tpu.dma_semaphore, #tpu.memory_space<semaphore_mem>>)
      %dma_wait3A = arith.constant 0 : i32
      %dma_wait3A_2250 = tpu.memref_slice %arg6[%run_scoped3A_33, %dma_wait3A] : memref<3x16xf32, #tpu.memory_space<vmem>> -> memref<1x16xf32, #tpu.memory_space<vmem>>
      %dma_wait3A_2251 = tpu.memref_squeeze %dma_wait3A_2250 : memref<1x16xf32, #tpu.memory_space<vmem>> -> memref<16xf32, #tpu.memory_space<vmem>>
      %dma_wait3A_2252 = tpu.memref_slice %arg2[%run_scoped3A, %select_n3A, %mul3A_32] : memref<3x8x16384xf32, #tpu.memory_space<hbm>> -> memref<1x1x16xf32, #tpu.memory_space<hbm>>
      %dma_wait3A_2253 = tpu.memref_squeeze %dma_wait3A_2252 : memref<1x1x16xf32, #tpu.memory_space<hbm>> -> memref<16xf32, #tpu.memory_space<hbm>>
      %dma_wait3A_2254 = arith.constant 0 : i32
      %dma_wait3A_2255 = tpu.memref_slice %arg6[%run_scoped3A_33, %dma_wait3A_2254] : memref<3x16xf32, #tpu.memory_space<vmem>> -> memref<1x16xf32, #tpu.memory_space<vmem>>
      %dma_wait3A_2256 = tpu.memref_squeeze %dma_wait3A_2255 : memref<1x16xf32, #tpu.memory_space<vmem>> -> memref<16xf32, #tpu.memory_space<vmem>>
      %dma_wait3A_2257 = tpu.memref_slice %arg2[%run_scoped3A, %select_n3A, %mul3A_32] : memref<3x8x16384xf32, #tpu.memory_space<hbm>> -> memref<1x1x16xf32, #tpu.memory_space<hbm>>
      %dma_wait3A_2258 = tpu.memref_squeeze %dma_wait3A_2257 : memref<1x1x16xf32, #tpu.memory_space<hbm>> -> memref<16xf32, #tpu.memory_space<hbm>>
      tpu.wait_dma2 semaphore(%run_scoped3A_2240 : memref<!tpu.dma_semaphore, #tpu.memory_space<semaphore_mem>>) src(%dma_wait3A_2258 : memref<16xf32, #tpu.memory_space<hbm>>) dst(%dma_wait3A_2256 : memref<16xf32, #tpu.memory_space<vmem>>)
      tpu.yield
    }) : () -> ()
    %mul3A_34 = arith.constant 16 : i32
    %mul3A_35 = arith.muli %select_n3A_30, %mul3A_34 : i32
    %run_scoped3A_36 = arith.constant 1 : i32
    %run_scoped3A_37 = arith.constant 1 : i32
    "tpu.region"() ({
      %run_scoped3A_2240 = tpu.sem_alloc : memref<!tpu.dma_semaphore, #tpu.memory_space<semaphore_mem>>
      %dma_start3A = arith.constant 0 : i32
      %dma_start3A_2241 = tpu.memref_slice %arg6[%run_scoped3A_37, %dma_start3A] : memref<3x16xf32, #tpu.memory_space<vmem>> -> memref<1x16xf32, #tpu.memory_space<vmem>>
      %dma_start3A_2242 = tpu.memref_squeeze %dma_start3A_2241 : memref<1x16xf32, #tpu.memory_space<vmem>> -> memref<16xf32, #tpu.memory_space<vmem>>
      %dma_start3A_2243 = tpu.memref_slice %arg2[%run_scoped3A_36, %select_n3A, %mul3A_35] : memref<3x8x16384xf32, #tpu.memory_space<hbm>> -> memref<1x1x16xf32, #tpu.memory_space<hbm>>
      %dma_start3A_2244 = tpu.memref_squeeze %dma_start3A_2243 : memref<1x1x16xf32, #tpu.memory_space<hbm>> -> memref<16xf32, #tpu.memory_space<hbm>>
      %dma_start3A_2245 = arith.constant 0 : i32
      %dma_start3A_2246 = tpu.memref_slice %arg6[%run_scoped3A_37, %dma_start3A_2245] : memref<3x16xf32, #tpu.memory_space<vmem>> -> memref<1x16xf32, #tpu.memory_space<vmem>>
      %dma_start3A_2247 = tpu.memref_squeeze %dma_start3A_2246 : memref<1x16xf32, #tpu.memory_space<vmem>> -> memref<16xf32, #tpu.memory_space<vmem>>
      %dma_start3A_2248 = tpu.memref_slice %arg2[%run_scoped3A_36, %select_n3A, %mul3A_35] : memref<3x8x16384xf32, #tpu.memory_space<hbm>> -> memref<1x1x16xf32, #tpu.memory_space<hbm>>
      %dma_start3A_2249 = tpu.memref_squeeze %dma_start3A_2248 : memref<1x1x16xf32, #tpu.memory_space<hbm>> -> memref<16xf32, #tpu.memory_space<hbm>>
      tpu.enqueue_dma source(%dma_start3A_2249 : memref<16xf32, #tpu.memory_space<hbm>>) target(%dma_start3A_2247 : memref<16xf32, #tpu.memory_space<vmem>>) target_semaphore(%run_scoped3A_2240 : memref<!tpu.dma_semaphore, #tpu.memory_space<semaphore_mem>>)
      %dma_wait3A = arith.constant 0 : i32
      %dma_wait3A_2250 = tpu.memref_slice %arg6[%run_scoped3A_37, %dma_wait3A] : memref<3x16xf32, #tpu.memory_space<vmem>> -> memref<1x16xf32, #tpu.memory_space<vmem>>
      %dma_wait3A_2251 = tpu.memref_squeeze %dma_wait3A_2250 : memref<1x16xf32, #tpu.memory_space<vmem>> -> memref<16xf32, #tpu.memory_space<vmem>>
      %dma_wait3A_2252 = tpu.memref_slice %arg2[%run_scoped3A_36, %select_n3A, %mul3A_35] : memref<3x8x16384xf32, #tpu.memory_space<hbm>> -> memref<1x1x16xf32, #tpu.memory_space<hbm>>
      %dma_wait3A_2253 = tpu.memref_squeeze %dma_wait3A_2252 : memref<1x1x16xf32, #tpu.memory_space<hbm>> -> memref<16xf32, #tpu.memory_space<hbm>>
      %dma_wait3A_2254 = arith.constant 0 : i32
      %dma_wait3A_2255 = tpu.memref_slice %arg6[%run_scoped3A_37, %dma_wait3A_2254] : memref<3x16xf32, #tpu.memory_space<vmem>> -> memref<1x16xf32, #tpu.memory_space<vmem>>
      %dma_wait3A_2256 = tpu.memref_squeeze %dma_wait3A_2255 : memref<1x16xf32, #tpu.memory_space<vmem>> -> memref<16xf32, #tpu.memory_space<vmem>>
      %dma_wait3A_2257 = tpu.memref_slice %arg2[%run_scoped3A_36, %select_n3A, %mul3A_35] : memref<3x8x16384xf32, #tpu.memory_space<hbm>> -> memref<1x1x16xf32, #tpu.memory_space<hbm>>
      %dma_wait3A_2258 = tpu.memref_squeeze %dma_wait3A_2257 : memref<1x1x16xf32, #tpu.memory_space<hbm>> -> memref<16xf32, #tpu.memory_space<hbm>>
      tpu.wait_dma2 semaphore(%run_scoped3A_2240 : memref<!tpu.dma_semaphore, #tpu.memory_space<semaphore_mem>>) src(%dma_wait3A_2258 : memref<16xf32, #tpu.memory_space<hbm>>) dst(%dma_wait3A_2256 : memref<16xf32, #tpu.memory_space<vmem>>)
      tpu.yield
    }) : () -> ()
    %mul3A_38 = arith.constant 16 : i32
    %mul3A_39 = arith.muli %select_n3A_30, %mul3A_38 : i32
    %run_scoped3A_40 = arith.constant 2 : i32
    %run_scoped3A_41 = arith.constant 2 : i32
    "tpu.region"() ({
      %run_scoped3A_2240 = tpu.sem_alloc : memref<!tpu.dma_semaphore, #tpu.memory_space<semaphore_mem>>
      %dma_start3A = arith.constant 0 : i32
      %dma_start3A_2241 = tpu.memref_slice %arg6[%run_scoped3A_41, %dma_start3A] : memref<3x16xf32, #tpu.memory_space<vmem>> -> memref<1x16xf32, #tpu.memory_space<vmem>>
      %dma_start3A_2242 = tpu.memref_squeeze %dma_start3A_2241 : memref<1x16xf32, #tpu.memory_space<vmem>> -> memref<16xf32, #tpu.memory_space<vmem>>
      %dma_start3A_2243 = tpu.memref_slice %arg2[%run_scoped3A_40, %select_n3A, %mul3A_39] : memref<3x8x16384xf32, #tpu.memory_space<hbm>> -> memref<1x1x16xf32, #tpu.memory_space<hbm>>
      %dma_start3A_2244 = tpu.memref_squeeze %dma_start3A_2243 : memref<1x1x16xf32, #tpu.memory_space<hbm>> -> memref<16xf32, #tpu.memory_space<hbm>>
      %dma_start3A_2245 = arith.constant 0 : i32
      %dma_start3A_2246 = tpu.memref_slice %arg6[%run_scoped3A_41, %dma_start3A_2245] : memref<3x16xf32, #tpu.memory_space<vmem>> -> memref<1x16xf32, #tpu.memory_space<vmem>>
      %dma_start3A_2247 = tpu.memref_squeeze %dma_start3A_2246 : memref<1x16xf32, #tpu.memory_space<vmem>> -> memref<16xf32, #tpu.memory_space<vmem>>
      %dma_start3A_2248 = tpu.memref_slice %arg2[%run_scoped3A_40, %select_n3A, %mul3A_39] : memref<3x8x16384xf32, #tpu.memory_space<hbm>> -> memref<1x1x16xf32, #tpu.memory_space<hbm>>
      %dma_start3A_2249 = tpu.memref_squeeze %dma_start3A_2248 : memref<1x1x16xf32, #tpu.memory_space<hbm>> -> memref<16xf32, #tpu.memory_space<hbm>>
      tpu.enqueue_dma source(%dma_start3A_2249 : memref<16xf32, #tpu.memory_space<hbm>>) target(%dma_start3A_2247 : memref<16xf32, #tpu.memory_space<vmem>>) target_semaphore(%run_scoped3A_2240 : memref<!tpu.dma_semaphore, #tpu.memory_space<semaphore_mem>>)
      %dma_wait3A = arith.constant 0 : i32
      %dma_wait3A_2250 = tpu.memref_slice %arg6[%run_scoped3A_41, %dma_wait3A] : memref<3x16xf32, #tpu.memory_space<vmem>> -> memref<1x16xf32, #tpu.memory_space<vmem>>
      %dma_wait3A_2251 = tpu.memref_squeeze %dma_wait3A_2250 : memref<1x16xf32, #tpu.memory_space<vmem>> -> memref<16xf32, #tpu.memory_space<vmem>>
      %dma_wait3A_2252 = tpu.memref_slice %arg2[%run_scoped3A_40, %select_n3A, %mul3A_39] : memref<3x8x16384xf32, #tpu.memory_space<hbm>> -> memref<1x1x16xf32, #tpu.memory_space<hbm>>
      %dma_wait3A_2253 = tpu.memref_squeeze %dma_wait3A_2252 : memref<1x1x16xf32, #tpu.memory_space<hbm>> -> memref<16xf32, #tpu.memory_space<hbm>>
      %dma_wait3A_2254 = arith.constant 0 : i32
      %dma_wait3A_2255 = tpu.memref_slice %arg6[%run_scoped3A_41, %dma_wait3A_2254] : memref<3x16xf32, #tpu.memory_space<vmem>> -> memref<1x16xf32, #tpu.memory_space<vmem>>
      %dma_wait3A_2256 = tpu.memref_squeeze %dma_wait3A_2255 : memref<1x16xf32, #tpu.memory_space<vmem>> -> memref<16xf32, #tpu.memory_space<vmem>>
      %dma_wait3A_2257 = tpu.memref_slice %arg2[%run_scoped3A_40, %select_n3A, %mul3A_39] : memref<3x8x16384xf32, #tpu.memory_space<hbm>> -> memref<1x1x16xf32, #tpu.memory_space<hbm>>
      %dma_wait3A_2258 = tpu.memref_squeeze %dma_wait3A_2257 : memref<1x1x16xf32, #tpu.memory_space<hbm>> -> memref<16xf32, #tpu.memory_space<hbm>>
      tpu.wait_dma2 semaphore(%run_scoped3A_2240 : memref<!tpu.dma_semaphore, #tpu.memory_space<semaphore_mem>>) src(%dma_wait3A_2258 : memref<16xf32, #tpu.memory_space<hbm>>) dst(%dma_wait3A_2256 : memref<16xf32, #tpu.memory_space<vmem>>)
      tpu.yield
    }) : () -> ()
    %get3A = arith.constant 0 : i32
    %get3A_42 = arith.index_cast %get3A : i32 to index
    %get3A_43 = arith.constant 0 : index
    %get3A_44 = tpu.vector_load %arg6[%get3A_42, %get3A_43] {strides = array<i32>} : memref<3x16xf32, #tpu.memory_space<vmem>>, vector<1x16xf32>,
    %get3A_45 = vector.shape_cast %get3A_44 : vector<1x16xf32> to vector<16xf32>
    %get3A_46 = arith.constant 1 : i32
    %get3A_47 = arith.index_cast %get3A_46 : i32 to index
    %get3A_48 = arith.constant 0 : index
    %get3A_49 = tpu.vector_load %arg6[%get3A_47, %get3A_48] {strides = array<i32>} : memref<3x16xf32, #tpu.memory_space<vmem>>, vector<1x16xf32>,
    %get3A_50 = vector.shape_cast %get3A_49 : vector<1x16xf32> to vector<16xf32>
    %get3A_51 = arith.constant 2 : i32
    %get3A_52 = arith.index_cast %get3A_51 : i32 to index
    %get3A_53 = arith.constant 0 : index
    %get3A_54 = tpu.vector_load %arg6[%get3A_52, %get3A_53] {strides = array<i32>} : memref<3x16xf32, #tpu.memory_space<vmem>>, vector<1x16xf32>,
    %get3A_55 = vector.shape_cast %get3A_54 : vector<1x16xf32> to vector<16xf32>
    %broadcast_in_dim3A = arith.constant 3.400000e+38 : f32
    %broadcast_in_dim3A_56 = vector.broadcast %broadcast_in_dim3A : f32 to vector<16xf32>
    %broadcast_in_dim3A_57 = arith.constant 0 : i32
    %broadcast_in_dim3A_58 = vector.broadcast %broadcast_in_dim3A_57 : i32 to vector<16xi32>
    %get3A_59 = arith.constant 0 : i32
    %get3A_60 = arith.constant 0 : i32
    %get3A_61 = arith.index_cast %get3A_59 : i32 to index
    %get3A_62 = arith.index_cast %get3A_60 : i32 to index
    %get3A_63 = arith.constant 0 : index
    %get3A_64 = tpu.vector_load %arg5[%get3A_61, %get3A_62, %get3A_63] {strides = array<i32>} : memref<3x64x16xf32, #tpu.memory_space<vmem>>, vector<1x1x16xf32>,
    %get3A_65 = vector.shape_cast %get3A_64 : vector<1x1x16xf32> to vector<16xf32>
    %sub3A_66 = arith.subf %get3A_45, %get3A_65 : vector<16xf32>
    %get3A_67 = arith.constant 1 : i32
    %get3A_68 = arith.constant 0 : i32
    %get3A_69 = arith.index_cast %get3A_67 : i32 to index
    %get3A_70 = arith.index_cast %get3A_68 : i32 to index
    %get3A_71 = arith.constant 0 : index
    %get3A_72 = tpu.vector_load %arg5[%get3A_69, %get3A_70, %get3A_71] {strides = array<i32>} : memref<3x64x16xf32, #tpu.memory_space<vmem>>, vector<1x1x16xf32>,
    %get3A_73 = vector.shape_cast %get3A_72 : vector<1x1x16xf32> to vector<16xf32>
    %sub3A_74 = arith.subf %get3A_50, %get3A_73 : vector<16xf32>
    %get3A_75 = arith.constant 2 : i32
    %get3A_76 = arith.constant 0 : i32
    %get3A_77 = arith.index_cast %get3A_75 : i32 to index
    %get3A_78 = arith.index_cast %get3A_76 : i32 to index
    %get3A_79 = arith.constant 0 : index
    %get3A_80 = tpu.vector_load %arg5[%get3A_77, %get3A_78, %get3A_79] {strides = array<i32>} : memref<3x64x16xf32, #tpu.memory_space<vmem>>, vector<1x1x16xf32>,
    %get3A_81 = vector.shape_cast %get3A_80 : vector<1x1x16xf32> to vector<16xf32>
    %sub3A_82 = arith.subf %get3A_55, %get3A_81 : vector<16xf32>
    %mul3A_83 = arith.mulf %sub3A_66, %sub3A_66 : vector<16xf32>
    %mul3A_84 = arith.mulf %sub3A_74, %sub3A_74 : vector<16xf32>
    %add3A_85 = arith.addf %mul3A_83, %mul3A_84 : vector<16xf32>
    %mul3A_86 = arith.mulf %sub3A_82, %sub3A_82 : vector<16xf32>
    %add3A_87 = arith.addf %add3A_85, %mul3A_86 : vector<16xf32>
    %lt3A_88 = arith.cmpf olt, %add3A_87, %broadcast_in_dim3A_56 : vector<16xf32>
    %select_n3A_89 = arith.select %lt3A_88, %add3A_87, %broadcast_in_dim3A_56 : vector<16xi1>, vector<16xf32>
    %broadcast_in_dim3A_90 = arith.constant 0 : i32
    %broadcast_in_dim3A_91 = vector.broadcast %broadcast_in_dim3A_90 : i32 to vector<16xi32>
    %select_n3A_92 = arith.select %lt3A_88, %broadcast_in_dim3A_91, %broadcast_in_dim3A_58 : vector<16xi1>, vector<16xi32>
    %get3A_93 = arith.constant 0 : i32
    %get3A_94 = arith.constant 1 : i32
    %get3A_95 = arith.index_cast %get3A_93 : i32 to index
    %get3A_96 = arith.index_cast %get3A_94 : i32 to index
    %get3A_97 = arith.constant 0 : index
    %get3A_98 = tpu.vector_load %arg5[%get3A_95, %get3A_96, %get3A_97] {strides = array<i32>} : memref<3x64x16xf32, #tpu.memory_space<vmem>>, vector<1x1x16xf32>,
    %get3A_99 = vector.shape_cast %get3A_98 : vector<1x1x16xf32> to vector<16xf32>
    %sub3A_100 = arith.subf %get3A_45, %get3A_99 : vector<16xf32>
    %get3A_101 = arith.constant 1 : i32
    %get3A_102 = arith.constant 1 : i32
    %get3A_103 = arith.index_cast %get3A_101 : i32 to index
    %get3A_104 = arith.index_cast %get3A_102 : i32 to index
    %get3A_105 = arith.constant 0 : index
    %get3A_106 = tpu.vector_load %arg5[%get3A_103, %get3A_104, %get3A_105] {strides = array<i32>} : memref<3x64x16xf32, #tpu.memory_space<vmem>>, vector<1x1x16xf32>,
    %get3A_107 = vector.shape_cast %get3A_106 : vector<1x1x16xf32> to vector<16xf32>
    %sub3A_108 = arith.subf %get3A_50, %get3A_107 : vector<16xf32>
    %get3A_109 = arith.constant 2 : i32
    %get3A_110 = arith.constant 1 : i32
    %get3A_111 = arith.index_cast %get3A_109 : i32 to index
    %get3A_112 = arith.index_cast %get3A_110 : i32 to index
    %get3A_113 = arith.constant 0 : index
    %get3A_114 = tpu.vector_load %arg5[%get3A_111, %get3A_112, %get3A_113] {strides = array<i32>} : memref<3x64x16xf32, #tpu.memory_space<vmem>>, vector<1x1x16xf32>,
    %get3A_115 = vector.shape_cast %get3A_114 : vector<1x1x16xf32> to vector<16xf32>
    %sub3A_116 = arith.subf %get3A_55, %get3A_115 : vector<16xf32>
    %mul3A_117 = arith.mulf %sub3A_100, %sub3A_100 : vector<16xf32>
    %mul3A_118 = arith.mulf %sub3A_108, %sub3A_108 : vector<16xf32>
    %add3A_119 = arith.addf %mul3A_117, %mul3A_118 : vector<16xf32>
    %mul3A_120 = arith.mulf %sub3A_116, %sub3A_116 : vector<16xf32>
    %add3A_121 = arith.addf %add3A_119, %mul3A_120 : vector<16xf32>
    %lt3A_122 = arith.cmpf olt, %add3A_121, %select_n3A_89 : vector<16xf32>
    %select_n3A_123 = arith.select %lt3A_122, %add3A_121, %select_n3A_89 : vector<16xi1>, vector<16xf32>
    %broadcast_in_dim3A_124 = arith.constant 1 : i32
    %broadcast_in_dim3A_125 = vector.broadcast %broadcast_in_dim3A_124 : i32 to vector<16xi32>
    %select_n3A_126 = arith.select %lt3A_122, %broadcast_in_dim3A_125, %select_n3A_92 : vector<16xi1>, vector<16xi32>
    %get3A_127 = arith.constant 0 : i32
    %get3A_128 = arith.constant 2 : i32
    %get3A_129 = arith.index_cast %get3A_127 : i32 to index
    %get3A_130 = arith.index_cast %get3A_128 : i32 to index
    %get3A_131 = arith.constant 0 : index
    %get3A_132 = tpu.vector_load %arg5[%get3A_129, %get3A_130, %get3A_131] {strides = array<i32>} : memref<3x64x16xf32, #tpu.memory_space<vmem>>, vector<1x1x16xf32>,
    %get3A_133 = vector.shape_cast %get3A_132 : vector<1x1x16xf32> to vector<16xf32>
    %sub3A_134 = arith.subf %get3A_45, %get3A_133 : vector<16xf32>
    %get3A_135 = arith.constant 1 : i32
    %get3A_136 = arith.constant 2 : i32
    %get3A_137 = arith.index_cast %get3A_135 : i32 to index
    %get3A_138 = arith.index_cast %get3A_136 : i32 to index
    %get3A_139 = arith.constant 0 : index
    %get3A_140 = tpu.vector_load %arg5[%get3A_137, %get3A_138, %get3A_139] {strides = array<i32>} : memref<3x64x16xf32, #tpu.memory_space<vmem>>, vector<1x1x16xf32>,
    %get3A_141 = vector.shape_cast %get3A_140 : vector<1x1x16xf32> to vector<16xf32>
    %sub3A_142 = arith.subf %get3A_50, %get3A_141 : vector<16xf32>
    %get3A_143 = arith.constant 2 : i32
    %get3A_144 = arith.constant 2 : i32
    %get3A_145 = arith.index_cast %get3A_143 : i32 to index
    %get3A_146 = arith.index_cast %get3A_144 : i32 to index
    %get3A_147 = arith.constant 0 : index
    %get3A_148 = tpu.vector_load %arg5[%get3A_145, %get3A_146, %get3A_147] {strides = array<i32>} : memref<3x64x16xf32, #tpu.memory_space<vmem>>, vector<1x1x16xf32>,
    %get3A_149 = vector.shape_cast %get3A_148 : vector<1x1x16xf32> to vector<16xf32>
    %sub3A_150 = arith.subf %get3A_55, %get3A_149 : vector<16xf32>
    %mul3A_151 = arith.mulf %sub3A_134, %sub3A_134 : vector<16xf32>
    %mul3A_152 = arith.mulf %sub3A_142, %sub3A_142 : vector<16xf32>
    %add3A_153 = arith.addf %mul3A_151, %mul3A_152 : vector<16xf32>
    %mul3A_154 = arith.mulf %sub3A_150, %sub3A_150 : vector<16xf32>
    %add3A_155 = arith.addf %add3A_153, %mul3A_154 : vector<16xf32>
    %lt3A_156 = arith.cmpf olt, %add3A_155, %select_n3A_123 : vector<16xf32>
    %select_n3A_157 = arith.select %lt3A_156, %add3A_155, %select_n3A_123 : vector<16xi1>, vector<16xf32>
    %broadcast_in_dim3A_158 = arith.constant 2 : i32
    %broadcast_in_dim3A_159 = vector.broadcast %broadcast_in_dim3A_158 : i32 to vector<16xi32>
    %select_n3A_160 = arith.select %lt3A_156, %broadcast_in_dim3A_159, %select_n3A_126 : vector<16xi1>, vector<16xi32>
    %get3A_161 = arith.constant 0 : i32
    %get3A_162 = arith.constant 3 : i32
    %get3A_163 = arith.index_cast %get3A_161 : i32 to index
    %get3A_164 = arith.index_cast %get3A_162 : i32 to index
    %get3A_165 = arith.constant 0 : index
    %get3A_166 = tpu.vector_load %arg5[%get3A_163, %get3A_164, %get3A_165] {strides = array<i32>} : memref<3x64x16xf32, #tpu.memory_space<vmem>>, vector<1x1x16xf32>,
    %get3A_167 = vector.shape_cast %get3A_166 : vector<1x1x16xf32> to vector<16xf32>
    %sub3A_168 = arith.subf %get3A_45, %get3A_167 : vector<16xf32>
    %get3A_169 = arith.constant 1 : i32
    %get3A_170 = arith.constant 3 : i32
    %get3A_171 = arith.index_cast %get3A_169 : i32 to index
    %get3A_172 = arith.index_cast %get3A_170 : i32 to index
    %get3A_173 = arith.constant 0 : index
    %get3A_174 = tpu.vector_load %arg5[%get3A_171, %get3A_172, %get3A_173] {strides = array<i32>} : memref<3x64x16xf32, #tpu.memory_space<vmem>>, vector<1x1x16xf32>,
    %get3A_175 = vector.shape_cast %get3A_174 : vector<1x1x16xf32> to vector<16xf32>
    %sub3A_176 = arith.subf %get3A_50, %get3A_175 : vector<16xf32>
    %get3A_177 = arith.constant 2 : i32
    %get3A_178 = arith.constant 3 : i32
    %get3A_179 = arith.index_cast %get3A_177 : i32 to index
    %get3A_180 = arith.index_cast %get3A_178 : i32 to index
    %get3A_181 = arith.constant 0 : index
    %get3A_182 = tpu.vector_load %arg5[%get3A_179, %get3A_180, %get3A_181] {strides = array<i32>} : memref<3x64x16xf32, #tpu.memory_space<vmem>>, vector<1x1x16xf32>,
    %get3A_183 = vector.shape_cast %get3A_182 : vector<1x1x16xf32> to vector<16xf32>
    %sub3A_184 = arith.subf %get3A_55, %get3A_183 : vector<16xf32>
    %mul3A_185 = arith.mulf %sub3A_168, %sub3A_168 : vector<16xf32>
    %mul3A_186 = arith.mulf %sub3A_176, %sub3A_176 : vector<16xf32>
    %add3A_187 = arith.addf %mul3A_185, %mul3A_186 : vector<16xf32>
    %mul3A_188 = arith.mulf %sub3A_184, %sub3A_184 : vector<16xf32>
    %add3A_189 = arith.addf %add3A_187, %mul3A_188 : vector<16xf32>
    %lt3A_190 = arith.cmpf olt, %add3A_189, %select_n3A_157 : vector<16xf32>
    %select_n3A_191 = arith.select %lt3A_190, %add3A_189, %select_n3A_157 : vector<16xi1>, vector<16xf32>
    %broadcast_in_dim3A_192 = arith.constant 3 : i32
    %broadcast_in_dim3A_193 = vector.broadcast %broadcast_in_dim3A_192 : i32 to vector<16xi32>
    %select_n3A_194 = arith.select %lt3A_190, %broadcast_in_dim3A_193, %select_n3A_160 : vector<16xi1>, vector<16xi32>
    %get3A_195 = arith.constant 0 : i32
    %get3A_196 = arith.constant 4 : i32
    %get3A_197 = arith.index_cast %get3A_195 : i32 to index
    %get3A_198 = arith.index_cast %get3A_196 : i32 to index
    %get3A_199 = arith.constant 0 : index
    %get3A_200 = tpu.vector_load %arg5[%get3A_197, %get3A_198, %get3A_199] {strides = array<i32>} : memref<3x64x16xf32, #tpu.memory_space<vmem>>, vector<1x1x16xf32>,
    %get3A_201 = vector.shape_cast %get3A_200 : vector<1x1x16xf32> to vector<16xf32>
    %sub3A_202 = arith.subf %get3A_45, %get3A_201 : vector<16xf32>
    %get3A_203 = arith.constant 1 : i32
    %get3A_204 = arith.constant 4 : i32
    %get3A_205 = arith.index_cast %get3A_203 : i32 to index
    %get3A_206 = arith.index_cast %get3A_204 : i32 to index
    %get3A_207 = arith.constant 0 : index
    %get3A_208 = tpu.vector_load %arg5[%get3A_205, %get3A_206, %get3A_207] {strides = array<i32>} : memref<3x64x16xf32, #tpu.memory_space<vmem>>, vector<1x1x16xf32>,
    %get3A_209 = vector.shape_cast %get3A_208 : vector<1x1x16xf32> to vector<16xf32>
    %sub3A_210 = arith.subf %get3A_50, %get3A_209 : vector<16xf32>
    %get3A_211 = arith.constant 2 : i32
    %get3A_212 = arith.constant 4 : i32
    %get3A_213 = arith.index_cast %get3A_211 : i32 to index
    %get3A_214 = arith.index_cast %get3A_212 : i32 to index
    %get3A_215 = arith.constant 0 : index
    %get3A_216 = tpu.vector_load %arg5[%get3A_213, %get3A_214, %get3A_215] {strides = array<i32>} : memref<3x64x16xf32, #tpu.memory_space<vmem>>, vector<1x1x16xf32>,
    %get3A_217 = vector.shape_cast %get3A_216 : vector<1x1x16xf32> to vector<16xf32>
    %sub3A_218 = arith.subf %get3A_55, %get3A_217 : vector<16xf32>
    %mul3A_219 = arith.mulf %sub3A_202, %sub3A_202 : vector<16xf32>
    %mul3A_220 = arith.mulf %sub3A_210, %sub3A_210 : vector<16xf32>
    %add3A_221 = arith.addf %mul3A_219, %mul3A_220 : vector<16xf32>
    %mul3A_222 = arith.mulf %sub3A_218, %sub3A_218 : vector<16xf32>
    %add3A_223 = arith.addf %add3A_221, %mul3A_222 : vector<16xf32>
    %lt3A_224 = arith.cmpf olt, %add3A_223, %select_n3A_191 : vector<16xf32>
    %select_n3A_225 = arith.select %lt3A_224, %add3A_223, %select_n3A_191 : vector<16xi1>, vector<16xf32>
    %broadcast_in_dim3A_226 = arith.constant 4 : i32
    %broadcast_in_dim3A_227 = vector.broadcast %broadcast_in_dim3A_226 : i32 to vector<16xi32>
    %select_n3A_228 = arith.select %lt3A_224, %broadcast_in_dim3A_227, %select_n3A_194 : vector<16xi1>, vector<16xi32>
    %get3A_229 = arith.constant 0 : i32
    %get3A_230 = arith.constant 5 : i32
    %get3A_231 = arith.index_cast %get3A_229 : i32 to index
    %get3A_232 = arith.index_cast %get3A_230 : i32 to index
    %get3A_233 = arith.constant 0 : index
    %get3A_234 = tpu.vector_load %arg5[%get3A_231, %get3A_232, %get3A_233] {strides = array<i32>} : memref<3x64x16xf32, #tpu.memory_space<vmem>>, vector<1x1x16xf32>,
    %get3A_235 = vector.shape_cast %get3A_234 : vector<1x1x16xf32> to vector<16xf32>
    %sub3A_236 = arith.subf %get3A_45, %get3A_235 : vector<16xf32>
    %get3A_237 = arith.constant 1 : i32
    %get3A_238 = arith.constant 5 : i32
    %get3A_239 = arith.index_cast %get3A_237 : i32 to index
    %get3A_240 = arith.index_cast %get3A_238 : i32 to index
    %get3A_241 = arith.constant 0 : index
    %get3A_242 = tpu.vector_load %arg5[%get3A_239, %get3A_240, %get3A_241] {strides = array<i32>} : memref<3x64x16xf32, #tpu.memory_space<vmem>>, vector<1x1x16xf32>,
    %get3A_243 = vector.shape_cast %get3A_242 : vector<1x1x16xf32> to vector<16xf32>
    %sub3A_244 = arith.subf %get3A_50, %get3A_243 : vector<16xf32>
    %get3A_245 = arith.constant 2 : i32
    %get3A_246 = arith.constant 5 : i32
    %get3A_247 = arith.index_cast %get3A_245 : i32 to index
    %get3A_248 = arith.index_cast %get3A_246 : i32 to index
    %get3A_249 = arith.constant 0 : index
    %get3A_250 = tpu.vector_load %arg5[%get3A_247, %get3A_248, %get3A_249] {strides = array<i32>} : memref<3x64x16xf32, #tpu.memory_space<vmem>>, vector<1x1x16xf32>,
    %get3A_251 = vector.shape_cast %get3A_250 : vector<1x1x16xf32> to vector<16xf32>
    %sub3A_252 = arith.subf %get3A_55, %get3A_251 : vector<16xf32>
    %mul3A_253 = arith.mulf %sub3A_236, %sub3A_236 : vector<16xf32>
    %mul3A_254 = arith.mulf %sub3A_244, %sub3A_244 : vector<16xf32>
    %add3A_255 = arith.addf %mul3A_253, %mul3A_254 : vector<16xf32>
    %mul3A_256 = arith.mulf %sub3A_252, %sub3A_252 : vector<16xf32>
    %add3A_257 = arith.addf %add3A_255, %mul3A_256 : vector<16xf32>
    %lt3A_258 = arith.cmpf olt, %add3A_257, %select_n3A_225 : vector<16xf32>
    %select_n3A_259 = arith.select %lt3A_258, %add3A_257, %select_n3A_225 : vector<16xi1>, vector<16xf32>
    %broadcast_in_dim3A_260 = arith.constant 5 : i32
    %broadcast_in_dim3A_261 = vector.broadcast %broadcast_in_dim3A_260 : i32 to vector<16xi32>
    %select_n3A_262 = arith.select %lt3A_258, %broadcast_in_dim3A_261, %select_n3A_228 : vector<16xi1>, vector<16xi32>
    %get3A_263 = arith.constant 0 : i32
    %get3A_264 = arith.constant 6 : i32
    %get3A_265 = arith.index_cast %get3A_263 : i32 to index
    %get3A_266 = arith.index_cast %get3A_264 : i32 to index
    %get3A_267 = arith.constant 0 : index
    %get3A_268 = tpu.vector_load %arg5[%get3A_265, %get3A_266, %get3A_267] {strides = array<i32>} : memref<3x64x16xf32, #tpu.memory_space<vmem>>, vector<1x1x16xf32>,
    %get3A_269 = vector.shape_cast %get3A_268 : vector<1x1x16xf32> to vector<16xf32>
    %sub3A_270 = arith.subf %get3A_45, %get3A_269 : vector<16xf32>
    %get3A_271 = arith.constant 1 : i32
    %get3A_272 = arith.constant 6 : i32
    %get3A_273 = arith.index_cast %get3A_271 : i32 to index
    %get3A_274 = arith.index_cast %get3A_272 : i32 to index
    %get3A_275 = arith.constant 0 : index
    %get3A_276 = tpu.vector_load %arg5[%get3A_273, %get3A_274, %get3A_275] {strides = array<i32>} : memref<3x64x16xf32, #tpu.memory_space<vmem>>, vector<1x1x16xf32>,
    %get3A_277 = vector.shape_cast %get3A_276 : vector<1x1x16xf32> to vector<16xf32>
    %sub3A_278 = arith.subf %get3A_50, %get3A_277 : vector<16xf32>
    %get3A_279 = arith.constant 2 : i32
    %get3A_280 = arith.constant 6 : i32
    %get3A_281 = arith.index_cast %get3A_279 : i32 to index
    %get3A_282 = arith.index_cast %get3A_280 : i32 to index
    %get3A_283 = arith.constant 0 : index
    %get3A_284 = tpu.vector_load %arg5[%get3A_281, %get3A_282, %get3A_283] {strides = array<i32>} : memref<3x64x16xf32, #tpu.memory_space<vmem>>, vector<1x1x16xf32>,
    %get3A_285 = vector.shape_cast %get3A_284 : vector<1x1x16xf32> to vector<16xf32>
    %sub3A_286 = arith.subf %get3A_55, %get3A_285 : vector<16xf32>
    %mul3A_287 = arith.mulf %sub3A_270, %sub3A_270 : vector<16xf32>
    %mul3A_288 = arith.mulf %sub3A_278, %sub3A_278 : vector<16xf32>
    %add3A_289 = arith.addf %mul3A_287, %mul3A_288 : vector<16xf32>
    %mul3A_290 = arith.mulf %sub3A_286, %sub3A_286 : vector<16xf32>
    %add3A_291 = arith.addf %add3A_289, %mul3A_290 : vector<16xf32>
    %lt3A_292 = arith.cmpf olt, %add3A_291, %select_n3A_259 : vector<16xf32>
    %select_n3A_293 = arith.select %lt3A_292, %add3A_291, %select_n3A_259 : vector<16xi1>, vector<16xf32>
    %broadcast_in_dim3A_294 = arith.constant 6 : i32
    %broadcast_in_dim3A_295 = vector.broadcast %broadcast_in_dim3A_294 : i32 to vector<16xi32>
    %select_n3A_296 = arith.select %lt3A_292, %broadcast_in_dim3A_295, %select_n3A_262 : vector<16xi1>, vector<16xi32>
    %get3A_297 = arith.constant 0 : i32
    %get3A_298 = arith.constant 7 : i32
    %get3A_299 = arith.index_cast %get3A_297 : i32 to index
    %get3A_300 = arith.index_cast %get3A_298 : i32 to index
    %get3A_301 = arith.constant 0 : index
    %get3A_302 = tpu.vector_load %arg5[%get3A_299, %get3A_300, %get3A_301] {strides = array<i32>} : memref<3x64x16xf32, #tpu.memory_space<vmem>>, vector<1x1x16xf32>,
    %get3A_303 = vector.shape_cast %get3A_302 : vector<1x1x16xf32> to vector<16xf32>
    %sub3A_304 = arith.subf %get3A_45, %get3A_303 : vector<16xf32>
    %get3A_305 = arith.constant 1 : i32
    %get3A_306 = arith.constant 7 : i32
    %get3A_307 = arith.index_cast %get3A_305 : i32 to index
    %get3A_308 = arith.index_cast %get3A_306 : i32 to index
    %get3A_309 = arith.constant 0 : index
    %get3A_310 = tpu.vector_load %arg5[%get3A_307, %get3A_308, %get3A_309] {strides = array<i32>} : memref<3x64x16xf32, #tpu.memory_space<vmem>>, vector<1x1x16xf32>,
    %get3A_311 = vector.shape_cast %get3A_310 : vector<1x1x16xf32> to vector<16xf32>
    %sub3A_312 = arith.subf %get3A_50, %get3A_311 : vector<16xf32>
    %get3A_313 = arith.constant 2 : i32
    %get3A_314 = arith.constant 7 : i32
    %get3A_315 = arith.index_cast %get3A_313 : i32 to index
    %get3A_316 = arith.index_cast %get3A_314 : i32 to index
    %get3A_317 = arith.constant 0 : index
    %get3A_318 = tpu.vector_load %arg5[%get3A_315, %get3A_316, %get3A_317] {strides = array<i32>} : memref<3x64x16xf32, #tpu.memory_space<vmem>>, vector<1x1x16xf32>,
    %get3A_319 = vector.shape_cast %get3A_318 : vector<1x1x16xf32> to vector<16xf32>
    %sub3A_320 = arith.subf %get3A_55, %get3A_319 : vector<16xf32>
    %mul3A_321 = arith.mulf %sub3A_304, %sub3A_304 : vector<16xf32>
    %mul3A_322 = arith.mulf %sub3A_312, %sub3A_312 : vector<16xf32>
    %add3A_323 = arith.addf %mul3A_321, %mul3A_322 : vector<16xf32>
    %mul3A_324 = arith.mulf %sub3A_320, %sub3A_320 : vector<16xf32>
    %add3A_325 = arith.addf %add3A_323, %mul3A_324 : vector<16xf32>
    %lt3A_326 = arith.cmpf olt, %add3A_325, %select_n3A_293 : vector<16xf32>
    %select_n3A_327 = arith.select %lt3A_326, %add3A_325, %select_n3A_293 : vector<16xi1>, vector<16xf32>
    %broadcast_in_dim3A_328 = arith.constant 7 : i32
    %broadcast_in_dim3A_329 = vector.broadcast %broadcast_in_dim3A_328 : i32 to vector<16xi32>
    %select_n3A_330 = arith.select %lt3A_326, %broadcast_in_dim3A_329, %select_n3A_296 : vector<16xi1>, vector<16xi32>
    %get3A_331 = arith.constant 0 : i32
    %get3A_332 = arith.constant 8 : i32
    %get3A_333 = arith.index_cast %get3A_331 : i32 to index
    %get3A_334 = arith.index_cast %get3A_332 : i32 to index
    %get3A_335 = arith.constant 0 : index
    %get3A_336 = tpu.vector_load %arg5[%get3A_333, %get3A_334, %get3A_335] {strides = array<i32>} : memref<3x64x16xf32, #tpu.memory_space<vmem>>, vector<1x1x16xf32>,
    %get3A_337 = vector.shape_cast %get3A_336 : vector<1x1x16xf32> to vector<16xf32>
    %sub3A_338 = arith.subf %get3A_45, %get3A_337 : vector<16xf32>
    %get3A_339 = arith.constant 1 : i32
    %get3A_340 = arith.constant 8 : i32
    %get3A_341 = arith.index_cast %get3A_339 : i32 to index
    %get3A_342 = arith.index_cast %get3A_340 : i32 to index
    %get3A_343 = arith.constant 0 : index
    %get3A_344 = tpu.vector_load %arg5[%get3A_341, %get3A_342, %get3A_343] {strides = array<i32>} : memref<3x64x16xf32, #tpu.memory_space<vmem>>, vector<1x1x16xf32>,
    %get3A_345 = vector.shape_cast %get3A_344 : vector<1x1x16xf32> to vector<16xf32>
    %sub3A_346 = arith.subf %get3A_50, %get3A_345 : vector<16xf32>
    %get3A_347 = arith.constant 2 : i32
    %get3A_348 = arith.constant 8 : i32
    %get3A_349 = arith.index_cast %get3A_347 : i32 to index
    %get3A_350 = arith.index_cast %get3A_348 : i32 to index
    %get3A_351 = arith.constant 0 : index
    %get3A_352 = tpu.vector_load %arg5[%get3A_349, %get3A_350, %get3A_351] {strides = array<i32>} : memref<3x64x16xf32, #tpu.memory_space<vmem>>, vector<1x1x16xf32>,
    %get3A_353 = vector.shape_cast %get3A_352 : vector<1x1x16xf32> to vector<16xf32>
    %sub3A_354 = arith.subf %get3A_55, %get3A_353 : vector<16xf32>
    %mul3A_355 = arith.mulf %sub3A_338, %sub3A_338 : vector<16xf32>
    %mul3A_356 = arith.mulf %sub3A_346, %sub3A_346 : vector<16xf32>
    %add3A_357 = arith.addf %mul3A_355, %mul3A_356 : vector<16xf32>
    %mul3A_358 = arith.mulf %sub3A_354, %sub3A_354 : vector<16xf32>
    %add3A_359 = arith.addf %add3A_357, %mul3A_358 : vector<16xf32>
    %lt3A_360 = arith.cmpf olt, %add3A_359, %select_n3A_327 : vector<16xf32>
    %select_n3A_361 = arith.select %lt3A_360, %add3A_359, %select_n3A_327 : vector<16xi1>, vector<16xf32>
    %broadcast_in_dim3A_362 = arith.constant 8 : i32
    %broadcast_in_dim3A_363 = vector.broadcast %broadcast_in_dim3A_362 : i32 to vector<16xi32>
    %select_n3A_364 = arith.select %lt3A_360, %broadcast_in_dim3A_363, %select_n3A_330 : vector<16xi1>, vector<16xi32>
    %get3A_365 = arith.constant 0 : i32
    %get3A_366 = arith.constant 9 : i32
    %get3A_367 = arith.index_cast %get3A_365 : i32 to index
    %get3A_368 = arith.index_cast %get3A_366 : i32 to index
    %get3A_369 = arith.constant 0 : index
    %get3A_370 = tpu.vector_load %arg5[%get3A_367, %get3A_368, %get3A_369] {strides = array<i32>} : memref<3x64x16xf32, #tpu.memory_space<vmem>>, vector<1x1x16xf32>,
    %get3A_371 = vector.shape_cast %get3A_370 : vector<1x1x16xf32> to vector<16xf32>
    %sub3A_372 = arith.subf %get3A_45, %get3A_371 : vector<16xf32>
    %get3A_373 = arith.constant 1 : i32
    %get3A_374 = arith.constant 9 : i32
    %get3A_375 = arith.index_cast %get3A_373 : i32 to index
    %get3A_376 = arith.index_cast %get3A_374 : i32 to index
    %get3A_377 = arith.constant 0 : index
    %get3A_378 = tpu.vector_load %arg5[%get3A_375, %get3A_376, %get3A_377] {strides = array<i32>} : memref<3x64x16xf32, #tpu.memory_space<vmem>>, vector<1x1x16xf32>,
    %get3A_379 = vector.shape_cast %get3A_378 : vector<1x1x16xf32> to vector<16xf32>
    %sub3A_380 = arith.subf %get3A_50, %get3A_379 : vector<16xf32>
    %get3A_381 = arith.constant 2 : i32
    %get3A_382 = arith.constant 9 : i32
    %get3A_383 = arith.index_cast %get3A_381 : i32 to index
    %get3A_384 = arith.index_cast %get3A_382 : i32 to index
    %get3A_385 = arith.constant 0 : index
    %get3A_386 = tpu.vector_load %arg5[%get3A_383, %get3A_384, %get3A_385] {strides = array<i32>} : memref<3x64x16xf32, #tpu.memory_space<vmem>>, vector<1x1x16xf32>,
    %get3A_387 = vector.shape_cast %get3A_386 : vector<1x1x16xf32> to vector<16xf32>
    %sub3A_388 = arith.subf %get3A_55, %get3A_387 : vector<16xf32>
    %mul3A_389 = arith.mulf %sub3A_372, %sub3A_372 : vector<16xf32>
    %mul3A_390 = arith.mulf %sub3A_380, %sub3A_380 : vector<16xf32>
    %add3A_391 = arith.addf %mul3A_389, %mul3A_390 : vector<16xf32>
    %mul3A_392 = arith.mulf %sub3A_388, %sub3A_388 : vector<16xf32>
    %add3A_393 = arith.addf %add3A_391, %mul3A_392 : vector<16xf32>
    %lt3A_394 = arith.cmpf olt, %add3A_393, %select_n3A_361 : vector<16xf32>
    %select_n3A_395 = arith.select %lt3A_394, %add3A_393, %select_n3A_361 : vector<16xi1>, vector<16xf32>
    %broadcast_in_dim3A_396 = arith.constant 9 : i32
    %broadcast_in_dim3A_397 = vector.broadcast %broadcast_in_dim3A_396 : i32 to vector<16xi32>
    %select_n3A_398 = arith.select %lt3A_394, %broadcast_in_dim3A_397, %select_n3A_364 : vector<16xi1>, vector<16xi32>
    %get3A_399 = arith.constant 0 : i32
    %get3A_400 = arith.constant 10 : i32
    %get3A_401 = arith.index_cast %get3A_399 : i32 to index
    %get3A_402 = arith.index_cast %get3A_400 : i32 to index
    %get3A_403 = arith.constant 0 : index
    %get3A_404 = tpu.vector_load %arg5[%get3A_401, %get3A_402, %get3A_403] {strides = array<i32>} : memref<3x64x16xf32, #tpu.memory_space<vmem>>, vector<1x1x16xf32>,
    %get3A_405 = vector.shape_cast %get3A_404 : vector<1x1x16xf32> to vector<16xf32>
    %sub3A_406 = arith.subf %get3A_45, %get3A_405 : vector<16xf32>
    %get3A_407 = arith.constant 1 : i32
    %get3A_408 = arith.constant 10 : i32
    %get3A_409 = arith.index_cast %get3A_407 : i32 to index
    %get3A_410 = arith.index_cast %get3A_408 : i32 to index
    %get3A_411 = arith.constant 0 : index
    %get3A_412 = tpu.vector_load %arg5[%get3A_409, %get3A_410, %get3A_411] {strides = array<i32>} : memref<3x64x16xf32, #tpu.memory_space<vmem>>, vector<1x1x16xf32>,
    %get3A_413 = vector.shape_cast %get3A_412 : vector<1x1x16xf32> to vector<16xf32>
    %sub3A_414 = arith.subf %get3A_50, %get3A_413 : vector<16xf32>
    %get3A_415 = arith.constant 2 : i32
    %get3A_416 = arith.constant 10 : i32
    %get3A_417 = arith.index_cast %get3A_415 : i32 to index
    %get3A_418 = arith.index_cast %get3A_416 : i32 to index
    %get3A_419 = arith.constant 0 : index
    %get3A_420 = tpu.vector_load %arg5[%get3A_417, %get3A_418, %get3A_419] {strides = array<i32>} : memref<3x64x16xf32, #tpu.memory_space<vmem>>, vector<1x1x16xf32>,
    %get3A_421 = vector.shape_cast %get3A_420 : vector<1x1x16xf32> to vector<16xf32>
    %sub3A_422 = arith.subf %get3A_55, %get3A_421 : vector<16xf32>
    %mul3A_423 = arith.mulf %sub3A_406, %sub3A_406 : vector<16xf32>
    %mul3A_424 = arith.mulf %sub3A_414, %sub3A_414 : vector<16xf32>
    %add3A_425 = arith.addf %mul3A_423, %mul3A_424 : vector<16xf32>
    %mul3A_426 = arith.mulf %sub3A_422, %sub3A_422 : vector<16xf32>
    %add3A_427 = arith.addf %add3A_425, %mul3A_426 : vector<16xf32>
    %lt3A_428 = arith.cmpf olt, %add3A_427, %select_n3A_395 : vector<16xf32>
    %select_n3A_429 = arith.select %lt3A_428, %add3A_427, %select_n3A_395 : vector<16xi1>, vector<16xf32>
    %broadcast_in_dim3A_430 = arith.constant 10 : i32
    %broadcast_in_dim3A_431 = vector.broadcast %broadcast_in_dim3A_430 : i32 to vector<16xi32>
    %select_n3A_432 = arith.select %lt3A_428, %broadcast_in_dim3A_431, %select_n3A_398 : vector<16xi1>, vector<16xi32>
    %get3A_433 = arith.constant 0 : i32
    %get3A_434 = arith.constant 11 : i32
    %get3A_435 = arith.index_cast %get3A_433 : i32 to index
    %get3A_436 = arith.index_cast %get3A_434 : i32 to index
    %get3A_437 = arith.constant 0 : index
    %get3A_438 = tpu.vector_load %arg5[%get3A_435, %get3A_436, %get3A_437] {strides = array<i32>} : memref<3x64x16xf32, #tpu.memory_space<vmem>>, vector<1x1x16xf32>,
    %get3A_439 = vector.shape_cast %get3A_438 : vector<1x1x16xf32> to vector<16xf32>
    %sub3A_440 = arith.subf %get3A_45, %get3A_439 : vector<16xf32>
    %get3A_441 = arith.constant 1 : i32
    %get3A_442 = arith.constant 11 : i32
    %get3A_443 = arith.index_cast %get3A_441 : i32 to index
    %get3A_444 = arith.index_cast %get3A_442 : i32 to index
    %get3A_445 = arith.constant 0 : index
    %get3A_446 = tpu.vector_load %arg5[%get3A_443, %get3A_444, %get3A_445] {strides = array<i32>} : memref<3x64x16xf32, #tpu.memory_space<vmem>>, vector<1x1x16xf32>,
    %get3A_447 = vector.shape_cast %get3A_446 : vector<1x1x16xf32> to vector<16xf32>
    %sub3A_448 = arith.subf %get3A_50, %get3A_447 : vector<16xf32>
    %get3A_449 = arith.constant 2 : i32
    %get3A_450 = arith.constant 11 : i32
    %get3A_451 = arith.index_cast %get3A_449 : i32 to index
    %get3A_452 = arith.index_cast %get3A_450 : i32 to index
    %get3A_453 = arith.constant 0 : index
    %get3A_454 = tpu.vector_load %arg5[%get3A_451, %get3A_452, %get3A_453] {strides = array<i32>} : memref<3x64x16xf32, #tpu.memory_space<vmem>>, vector<1x1x16xf32>,
    %get3A_455 = vector.shape_cast %get3A_454 : vector<1x1x16xf32> to vector<16xf32>
    %sub3A_456 = arith.subf %get3A_55, %get3A_455 : vector<16xf32>
    %mul3A_457 = arith.mulf %sub3A_440, %sub3A_440 : vector<16xf32>
    %mul3A_458 = arith.mulf %sub3A_448, %sub3A_448 : vector<16xf32>
    %add3A_459 = arith.addf %mul3A_457, %mul3A_458 : vector<16xf32>
    %mul3A_460 = arith.mulf %sub3A_456, %sub3A_456 : vector<16xf32>
    %add3A_461 = arith.addf %add3A_459, %mul3A_460 : vector<16xf32>
    %lt3A_462 = arith.cmpf olt, %add3A_461, %select_n3A_429 : vector<16xf32>
    %select_n3A_463 = arith.select %lt3A_462, %add3A_461, %select_n3A_429 : vector<16xi1>, vector<16xf32>
    %broadcast_in_dim3A_464 = arith.constant 11 : i32
    %broadcast_in_dim3A_465 = vector.broadcast %broadcast_in_dim3A_464 : i32 to vector<16xi32>
    %select_n3A_466 = arith.select %lt3A_462, %broadcast_in_dim3A_465, %select_n3A_432 : vector<16xi1>, vector<16xi32>
    %get3A_467 = arith.constant 0 : i32
    %get3A_468 = arith.constant 12 : i32
    %get3A_469 = arith.index_cast %get3A_467 : i32 to index
    %get3A_470 = arith.index_cast %get3A_468 : i32 to index
    %get3A_471 = arith.constant 0 : index
    %get3A_472 = tpu.vector_load %arg5[%get3A_469, %get3A_470, %get3A_471] {strides = array<i32>} : memref<3x64x16xf32, #tpu.memory_space<vmem>>, vector<1x1x16xf32>,
    %get3A_473 = vector.shape_cast %get3A_472 : vector<1x1x16xf32> to vector<16xf32>
    %sub3A_474 = arith.subf %get3A_45, %get3A_473 : vector<16xf32>
    %get3A_475 = arith.constant 1 : i32
    %get3A_476 = arith.constant 12 : i32
    %get3A_477 = arith.index_cast %get3A_475 : i32 to index
    %get3A_478 = arith.index_cast %get3A_476 : i32 to index
    %get3A_479 = arith.constant 0 : index
    %get3A_480 = tpu.vector_load %arg5[%get3A_477, %get3A_478, %get3A_479] {strides = array<i32>} : memref<3x64x16xf32, #tpu.memory_space<vmem>>, vector<1x1x16xf32>,
    %get3A_481 = vector.shape_cast %get3A_480 : vector<1x1x16xf32> to vector<16xf32>
    %sub3A_482 = arith.subf %get3A_50, %get3A_481 : vector<16xf32>
    %get3A_483 = arith.constant 2 : i32
    %get3A_484 = arith.constant 12 : i32
    %get3A_485 = arith.index_cast %get3A_483 : i32 to index
    %get3A_486 = arith.index_cast %get3A_484 : i32 to index
    %get3A_487 = arith.constant 0 : index
    %get3A_488 = tpu.vector_load %arg5[%get3A_485, %get3A_486, %get3A_487] {strides = array<i32>} : memref<3x64x16xf32, #tpu.memory_space<vmem>>, vector<1x1x16xf32>,
    %get3A_489 = vector.shape_cast %get3A_488 : vector<1x1x16xf32> to vector<16xf32>
    %sub3A_490 = arith.subf %get3A_55, %get3A_489 : vector<16xf32>
    %mul3A_491 = arith.mulf %sub3A_474, %sub3A_474 : vector<16xf32>
    %mul3A_492 = arith.mulf %sub3A_482, %sub3A_482 : vector<16xf32>
    %add3A_493 = arith.addf %mul3A_491, %mul3A_492 : vector<16xf32>
    %mul3A_494 = arith.mulf %sub3A_490, %sub3A_490 : vector<16xf32>
    %add3A_495 = arith.addf %add3A_493, %mul3A_494 : vector<16xf32>
    %lt3A_496 = arith.cmpf olt, %add3A_495, %select_n3A_463 : vector<16xf32>
    %select_n3A_497 = arith.select %lt3A_496, %add3A_495, %select_n3A_463 : vector<16xi1>, vector<16xf32>
    %broadcast_in_dim3A_498 = arith.constant 12 : i32
    %broadcast_in_dim3A_499 = vector.broadcast %broadcast_in_dim3A_498 : i32 to vector<16xi32>
    %select_n3A_500 = arith.select %lt3A_496, %broadcast_in_dim3A_499, %select_n3A_466 : vector<16xi1>, vector<16xi32>
    %get3A_501 = arith.constant 0 : i32
    %get3A_502 = arith.constant 13 : i32
    %get3A_503 = arith.index_cast %get3A_501 : i32 to index
    %get3A_504 = arith.index_cast %get3A_502 : i32 to index
    %get3A_505 = arith.constant 0 : index
    %get3A_506 = tpu.vector_load %arg5[%get3A_503, %get3A_504, %get3A_505] {strides = array<i32>} : memref<3x64x16xf32, #tpu.memory_space<vmem>>, vector<1x1x16xf32>,
    %get3A_507 = vector.shape_cast %get3A_506 : vector<1x1x16xf32> to vector<16xf32>
    %sub3A_508 = arith.subf %get3A_45, %get3A_507 : vector<16xf32>
    %get3A_509 = arith.constant 1 : i32
    %get3A_510 = arith.constant 13 : i32
    %get3A_511 = arith.index_cast %get3A_509 : i32 to index
    %get3A_512 = arith.index_cast %get3A_510 : i32 to index
    %get3A_513 = arith.constant 0 : index
    %get3A_514 = tpu.vector_load %arg5[%get3A_511, %get3A_512, %get3A_513] {strides = array<i32>} : memref<3x64x16xf32, #tpu.memory_space<vmem>>, vector<1x1x16xf32>,
    %get3A_515 = vector.shape_cast %get3A_514 : vector<1x1x16xf32> to vector<16xf32>
    %sub3A_516 = arith.subf %get3A_50, %get3A_515 : vector<16xf32>
    %get3A_517 = arith.constant 2 : i32
    %get3A_518 = arith.constant 13 : i32
    %get3A_519 = arith.index_cast %get3A_517 : i32 to index
    %get3A_520 = arith.index_cast %get3A_518 : i32 to index
    %get3A_521 = arith.constant 0 : index
    %get3A_522 = tpu.vector_load %arg5[%get3A_519, %get3A_520, %get3A_521] {strides = array<i32>} : memref<3x64x16xf32, #tpu.memory_space<vmem>>, vector<1x1x16xf32>,
    %get3A_523 = vector.shape_cast %get3A_522 : vector<1x1x16xf32> to vector<16xf32>
    %sub3A_524 = arith.subf %get3A_55, %get3A_523 : vector<16xf32>
    %mul3A_525 = arith.mulf %sub3A_508, %sub3A_508 : vector<16xf32>
    %mul3A_526 = arith.mulf %sub3A_516, %sub3A_516 : vector<16xf32>
    %add3A_527 = arith.addf %mul3A_525, %mul3A_526 : vector<16xf32>
    %mul3A_528 = arith.mulf %sub3A_524, %sub3A_524 : vector<16xf32>
    %add3A_529 = arith.addf %add3A_527, %mul3A_528 : vector<16xf32>
    %lt3A_530 = arith.cmpf olt, %add3A_529, %select_n3A_497 : vector<16xf32>
    %select_n3A_531 = arith.select %lt3A_530, %add3A_529, %select_n3A_497 : vector<16xi1>, vector<16xf32>
    %broadcast_in_dim3A_532 = arith.constant 13 : i32
    %broadcast_in_dim3A_533 = vector.broadcast %broadcast_in_dim3A_532 : i32 to vector<16xi32>
    %select_n3A_534 = arith.select %lt3A_530, %broadcast_in_dim3A_533, %select_n3A_500 : vector<16xi1>, vector<16xi32>
    %get3A_535 = arith.constant 0 : i32
    %get3A_536 = arith.constant 14 : i32
    %get3A_537 = arith.index_cast %get3A_535 : i32 to index
    %get3A_538 = arith.index_cast %get3A_536 : i32 to index
    %get3A_539 = arith.constant 0 : index
    %get3A_540 = tpu.vector_load %arg5[%get3A_537, %get3A_538, %get3A_539] {strides = array<i32>} : memref<3x64x16xf32, #tpu.memory_space<vmem>>, vector<1x1x16xf32>,
    %get3A_541 = vector.shape_cast %get3A_540 : vector<1x1x16xf32> to vector<16xf32>
    %sub3A_542 = arith.subf %get3A_45, %get3A_541 : vector<16xf32>
    %get3A_543 = arith.constant 1 : i32
    %get3A_544 = arith.constant 14 : i32
    %get3A_545 = arith.index_cast %get3A_543 : i32 to index
    %get3A_546 = arith.index_cast %get3A_544 : i32 to index
    %get3A_547 = arith.constant 0 : index
    %get3A_548 = tpu.vector_load %arg5[%get3A_545, %get3A_546, %get3A_547] {strides = array<i32>} : memref<3x64x16xf32, #tpu.memory_space<vmem>>, vector<1x1x16xf32>,
    %get3A_549 = vector.shape_cast %get3A_548 : vector<1x1x16xf32> to vector<16xf32>
    %sub3A_550 = arith.subf %get3A_50, %get3A_549 : vector<16xf32>
    %get3A_551 = arith.constant 2 : i32
    %get3A_552 = arith.constant 14 : i32
    %get3A_553 = arith.index_cast %get3A_551 : i32 to index
    %get3A_554 = arith.index_cast %get3A_552 : i32 to index
    %get3A_555 = arith.constant 0 : index
    %get3A_556 = tpu.vector_load %arg5[%get3A_553, %get3A_554, %get3A_555] {strides = array<i32>} : memref<3x64x16xf32, #tpu.memory_space<vmem>>, vector<1x1x16xf32>,
    %get3A_557 = vector.shape_cast %get3A_556 : vector<1x1x16xf32> to vector<16xf32>
    %sub3A_558 = arith.subf %get3A_55, %get3A_557 : vector<16xf32>
    %mul3A_559 = arith.mulf %sub3A_542, %sub3A_542 : vector<16xf32>
    %mul3A_560 = arith.mulf %sub3A_550, %sub3A_550 : vector<16xf32>
    %add3A_561 = arith.addf %mul3A_559, %mul3A_560 : vector<16xf32>
    %mul3A_562 = arith.mulf %sub3A_558, %sub3A_558 : vector<16xf32>
    %add3A_563 = arith.addf %add3A_561, %mul3A_562 : vector<16xf32>
    %lt3A_564 = arith.cmpf olt, %add3A_563, %select_n3A_531 : vector<16xf32>
    %select_n3A_565 = arith.select %lt3A_564, %add3A_563, %select_n3A_531 : vector<16xi1>, vector<16xf32>
    %broadcast_in_dim3A_566 = arith.constant 14 : i32
    %broadcast_in_dim3A_567 = vector.broadcast %broadcast_in_dim3A_566 : i32 to vector<16xi32>
    %select_n3A_568 = arith.select %lt3A_564, %broadcast_in_dim3A_567, %select_n3A_534 : vector<16xi1>, vector<16xi32>
    %get3A_569 = arith.constant 0 : i32
    %get3A_570 = arith.constant 15 : i32
    %get3A_571 = arith.index_cast %get3A_569 : i32 to index
    %get3A_572 = arith.index_cast %get3A_570 : i32 to index
    %get3A_573 = arith.constant 0 : index
    %get3A_574 = tpu.vector_load %arg5[%get3A_571, %get3A_572, %get3A_573] {strides = array<i32>} : memref<3x64x16xf32, #tpu.memory_space<vmem>>, vector<1x1x16xf32>,
    %get3A_575 = vector.shape_cast %get3A_574 : vector<1x1x16xf32> to vector<16xf32>
    %sub3A_576 = arith.subf %get3A_45, %get3A_575 : vector<16xf32>
    %get3A_577 = arith.constant 1 : i32
    %get3A_578 = arith.constant 15 : i32
    %get3A_579 = arith.index_cast %get3A_577 : i32 to index
    %get3A_580 = arith.index_cast %get3A_578 : i32 to index
    %get3A_581 = arith.constant 0 : index
    %get3A_582 = tpu.vector_load %arg5[%get3A_579, %get3A_580, %get3A_581] {strides = array<i32>} : memref<3x64x16xf32, #tpu.memory_space<vmem>>, vector<1x1x16xf32>,
    %get3A_583 = vector.shape_cast %get3A_582 : vector<1x1x16xf32> to vector<16xf32>
    %sub3A_584 = arith.subf %get3A_50, %get3A_583 : vector<16xf32>
    %get3A_585 = arith.constant 2 : i32
    %get3A_586 = arith.constant 15 : i32
    %get3A_587 = arith.index_cast %get3A_585 : i32 to index
    %get3A_588 = arith.index_cast %get3A_586 : i32 to index
    %get3A_589 = arith.constant 0 : index
    %get3A_590 = tpu.vector_load %arg5[%get3A_587, %get3A_588, %get3A_589] {strides = array<i32>} : memref<3x64x16xf32, #tpu.memory_space<vmem>>, vector<1x1x16xf32>,
    %get3A_591 = vector.shape_cast %get3A_590 : vector<1x1x16xf32> to vector<16xf32>
    %sub3A_592 = arith.subf %get3A_55, %get3A_591 : vector<16xf32>
    %mul3A_593 = arith.mulf %sub3A_576, %sub3A_576 : vector<16xf32>
    %mul3A_594 = arith.mulf %sub3A_584, %sub3A_584 : vector<16xf32>
    %add3A_595 = arith.addf %mul3A_593, %mul3A_594 : vector<16xf32>
    %mul3A_596 = arith.mulf %sub3A_592, %sub3A_592 : vector<16xf32>
    %add3A_597 = arith.addf %add3A_595, %mul3A_596 : vector<16xf32>
    %lt3A_598 = arith.cmpf olt, %add3A_597, %select_n3A_565 : vector<16xf32>
    %select_n3A_599 = arith.select %lt3A_598, %add3A_597, %select_n3A_565 : vector<16xi1>, vector<16xf32>
    %broadcast_in_dim3A_600 = arith.constant 15 : i32
    %broadcast_in_dim3A_601 = vector.broadcast %broadcast_in_dim3A_600 : i32 to vector<16xi32>
    %select_n3A_602 = arith.select %lt3A_598, %broadcast_in_dim3A_601, %select_n3A_568 : vector<16xi1>, vector<16xi32>
    %get3A_603 = arith.constant 0 : i32
    %get3A_604 = arith.constant 16 : i32
    %get3A_605 = arith.index_cast %get3A_603 : i32 to index
    %get3A_606 = arith.index_cast %get3A_604 : i32 to index
    %get3A_607 = arith.constant 0 : index
    %get3A_608 = tpu.vector_load %arg5[%get3A_605, %get3A_606, %get3A_607] {strides = array<i32>} : memref<3x64x16xf32, #tpu.memory_space<vmem>>, vector<1x1x16xf32>,
    %get3A_609 = vector.shape_cast %get3A_608 : vector<1x1x16xf32> to vector<16xf32>
    %sub3A_610 = arith.subf %get3A_45, %get3A_609 : vector<16xf32>
    %get3A_611 = arith.constant 1 : i32
    %get3A_612 = arith.constant 16 : i32
    %get3A_613 = arith.index_cast %get3A_611 : i32 to index
    %get3A_614 = arith.index_cast %get3A_612 : i32 to index
    %get3A_615 = arith.constant 0 : index
    %get3A_616 = tpu.vector_load %arg5[%get3A_613, %get3A_614, %get3A_615] {strides = array<i32>} : memref<3x64x16xf32, #tpu.memory_space<vmem>>, vector<1x1x16xf32>,
    %get3A_617 = vector.shape_cast %get3A_616 : vector<1x1x16xf32> to vector<16xf32>
    %sub3A_618 = arith.subf %get3A_50, %get3A_617 : vector<16xf32>
    %get3A_619 = arith.constant 2 : i32
    %get3A_620 = arith.constant 16 : i32
    %get3A_621 = arith.index_cast %get3A_619 : i32 to index
    %get3A_622 = arith.index_cast %get3A_620 : i32 to index
    %get3A_623 = arith.constant 0 : index
    %get3A_624 = tpu.vector_load %arg5[%get3A_621, %get3A_622, %get3A_623] {strides = array<i32>} : memref<3x64x16xf32, #tpu.memory_space<vmem>>, vector<1x1x16xf32>,
    %get3A_625 = vector.shape_cast %get3A_624 : vector<1x1x16xf32> to vector<16xf32>
    %sub3A_626 = arith.subf %get3A_55, %get3A_625 : vector<16xf32>
    %mul3A_627 = arith.mulf %sub3A_610, %sub3A_610 : vector<16xf32>
    %mul3A_628 = arith.mulf %sub3A_618, %sub3A_618 : vector<16xf32>
    %add3A_629 = arith.addf %mul3A_627, %mul3A_628 : vector<16xf32>
    %mul3A_630 = arith.mulf %sub3A_626, %sub3A_626 : vector<16xf32>
    %add3A_631 = arith.addf %add3A_629, %mul3A_630 : vector<16xf32>
    %lt3A_632 = arith.cmpf olt, %add3A_631, %select_n3A_599 : vector<16xf32>
    %select_n3A_633 = arith.select %lt3A_632, %add3A_631, %select_n3A_599 : vector<16xi1>, vector<16xf32>
    %broadcast_in_dim3A_634 = arith.constant 16 : i32
    %broadcast_in_dim3A_635 = vector.broadcast %broadcast_in_dim3A_634 : i32 to vector<16xi32>
    %select_n3A_636 = arith.select %lt3A_632, %broadcast_in_dim3A_635, %select_n3A_602 : vector<16xi1>, vector<16xi32>
    %get3A_637 = arith.constant 0 : i32
    %get3A_638 = arith.constant 17 : i32
    %get3A_639 = arith.index_cast %get3A_637 : i32 to index
    %get3A_640 = arith.index_cast %get3A_638 : i32 to index
    %get3A_641 = arith.constant 0 : index
    %get3A_642 = tpu.vector_load %arg5[%get3A_639, %get3A_640, %get3A_641] {strides = array<i32>} : memref<3x64x16xf32, #tpu.memory_space<vmem>>, vector<1x1x16xf32>,
    %get3A_643 = vector.shape_cast %get3A_642 : vector<1x1x16xf32> to vector<16xf32>
    %sub3A_644 = arith.subf %get3A_45, %get3A_643 : vector<16xf32>
    %get3A_645 = arith.constant 1 : i32
    %get3A_646 = arith.constant 17 : i32
    %get3A_647 = arith.index_cast %get3A_645 : i32 to index
    %get3A_648 = arith.index_cast %get3A_646 : i32 to index
    %get3A_649 = arith.constant 0 : index
    %get3A_650 = tpu.vector_load %arg5[%get3A_647, %get3A_648, %get3A_649] {strides = array<i32>} : memref<3x64x16xf32, #tpu.memory_space<vmem>>, vector<1x1x16xf32>,
    %get3A_651 = vector.shape_cast %get3A_650 : vector<1x1x16xf32> to vector<16xf32>
    %sub3A_652 = arith.subf %get3A_50, %get3A_651 : vector<16xf32>
    %get3A_653 = arith.constant 2 : i32
    %get3A_654 = arith.constant 17 : i32
    %get3A_655 = arith.index_cast %get3A_653 : i32 to index
    %get3A_656 = arith.index_cast %get3A_654 : i32 to index
    %get3A_657 = arith.constant 0 : index
    %get3A_658 = tpu.vector_load %arg5[%get3A_655, %get3A_656, %get3A_657] {strides = array<i32>} : memref<3x64x16xf32, #tpu.memory_space<vmem>>, vector<1x1x16xf32>,
    %get3A_659 = vector.shape_cast %get3A_658 : vector<1x1x16xf32> to vector<16xf32>
    %sub3A_660 = arith.subf %get3A_55, %get3A_659 : vector<16xf32>
    %mul3A_661 = arith.mulf %sub3A_644, %sub3A_644 : vector<16xf32>
    %mul3A_662 = arith.mulf %sub3A_652, %sub3A_652 : vector<16xf32>
    %add3A_663 = arith.addf %mul3A_661, %mul3A_662 : vector<16xf32>
    %mul3A_664 = arith.mulf %sub3A_660, %sub3A_660 : vector<16xf32>
    %add3A_665 = arith.addf %add3A_663, %mul3A_664 : vector<16xf32>
    %lt3A_666 = arith.cmpf olt, %add3A_665, %select_n3A_633 : vector<16xf32>
    %select_n3A_667 = arith.select %lt3A_666, %add3A_665, %select_n3A_633 : vector<16xi1>, vector<16xf32>
    %broadcast_in_dim3A_668 = arith.constant 17 : i32
    %broadcast_in_dim3A_669 = vector.broadcast %broadcast_in_dim3A_668 : i32 to vector<16xi32>
    %select_n3A_670 = arith.select %lt3A_666, %broadcast_in_dim3A_669, %select_n3A_636 : vector<16xi1>, vector<16xi32>
    %get3A_671 = arith.constant 0 : i32
    %get3A_672 = arith.constant 18 : i32
    %get3A_673 = arith.index_cast %get3A_671 : i32 to index
    %get3A_674 = arith.index_cast %get3A_672 : i32 to index
    %get3A_675 = arith.constant 0 : index
    %get3A_676 = tpu.vector_load %arg5[%get3A_673, %get3A_674, %get3A_675] {strides = array<i32>} : memref<3x64x16xf32, #tpu.memory_space<vmem>>, vector<1x1x16xf32>,
    %get3A_677 = vector.shape_cast %get3A_676 : vector<1x1x16xf32> to vector<16xf32>
    %sub3A_678 = arith.subf %get3A_45, %get3A_677 : vector<16xf32>
    %get3A_679 = arith.constant 1 : i32
    %get3A_680 = arith.constant 18 : i32
    %get3A_681 = arith.index_cast %get3A_679 : i32 to index
    %get3A_682 = arith.index_cast %get3A_680 : i32 to index
    %get3A_683 = arith.constant 0 : index
    %get3A_684 = tpu.vector_load %arg5[%get3A_681, %get3A_682, %get3A_683] {strides = array<i32>} : memref<3x64x16xf32, #tpu.memory_space<vmem>>, vector<1x1x16xf32>,
    %get3A_685 = vector.shape_cast %get3A_684 : vector<1x1x16xf32> to vector<16xf32>
    %sub3A_686 = arith.subf %get3A_50, %get3A_685 : vector<16xf32>
    %get3A_687 = arith.constant 2 : i32
    %get3A_688 = arith.constant 18 : i32
    %get3A_689 = arith.index_cast %get3A_687 : i32 to index
    %get3A_690 = arith.index_cast %get3A_688 : i32 to index
    %get3A_691 = arith.constant 0 : index
    %get3A_692 = tpu.vector_load %arg5[%get3A_689, %get3A_690, %get3A_691] {strides = array<i32>} : memref<3x64x16xf32, #tpu.memory_space<vmem>>, vector<1x1x16xf32>,
    %get3A_693 = vector.shape_cast %get3A_692 : vector<1x1x16xf32> to vector<16xf32>
    %sub3A_694 = arith.subf %get3A_55, %get3A_693 : vector<16xf32>
    %mul3A_695 = arith.mulf %sub3A_678, %sub3A_678 : vector<16xf32>
    %mul3A_696 = arith.mulf %sub3A_686, %sub3A_686 : vector<16xf32>
    %add3A_697 = arith.addf %mul3A_695, %mul3A_696 : vector<16xf32>
    %mul3A_698 = arith.mulf %sub3A_694, %sub3A_694 : vector<16xf32>
    %add3A_699 = arith.addf %add3A_697, %mul3A_698 : vector<16xf32>
    %lt3A_700 = arith.cmpf olt, %add3A_699, %select_n3A_667 : vector<16xf32>
    %select_n3A_701 = arith.select %lt3A_700, %add3A_699, %select_n3A_667 : vector<16xi1>, vector<16xf32>
    %broadcast_in_dim3A_702 = arith.constant 18 : i32
    %broadcast_in_dim3A_703 = vector.broadcast %broadcast_in_dim3A_702 : i32 to vector<16xi32>
    %select_n3A_704 = arith.select %lt3A_700, %broadcast_in_dim3A_703, %select_n3A_670 : vector<16xi1>, vector<16xi32>
    %get3A_705 = arith.constant 0 : i32
    %get3A_706 = arith.constant 19 : i32
    %get3A_707 = arith.index_cast %get3A_705 : i32 to index
    %get3A_708 = arith.index_cast %get3A_706 : i32 to index
    %get3A_709 = arith.constant 0 : index
    %get3A_710 = tpu.vector_load %arg5[%get3A_707, %get3A_708, %get3A_709] {strides = array<i32>} : memref<3x64x16xf32, #tpu.memory_space<vmem>>, vector<1x1x16xf32>,
    %get3A_711 = vector.shape_cast %get3A_710 : vector<1x1x16xf32> to vector<16xf32>
    %sub3A_712 = arith.subf %get3A_45, %get3A_711 : vector<16xf32>
    %get3A_713 = arith.constant 1 : i32
    %get3A_714 = arith.constant 19 : i32
    %get3A_715 = arith.index_cast %get3A_713 : i32 to index
    %get3A_716 = arith.index_cast %get3A_714 : i32 to index
    %get3A_717 = arith.constant 0 : index
    %get3A_718 = tpu.vector_load %arg5[%get3A_715, %get3A_716, %get3A_717] {strides = array<i32>} : memref<3x64x16xf32, #tpu.memory_space<vmem>>, vector<1x1x16xf32>,
    %get3A_719 = vector.shape_cast %get3A_718 : vector<1x1x16xf32> to vector<16xf32>
    %sub3A_720 = arith.subf %get3A_50, %get3A_719 : vector<16xf32>
    %get3A_721 = arith.constant 2 : i32
    %get3A_722 = arith.constant 19 : i32
    %get3A_723 = arith.index_cast %get3A_721 : i32 to index
    %get3A_724 = arith.index_cast %get3A_722 : i32 to index
    %get3A_725 = arith.constant 0 : index
    %get3A_726 = tpu.vector_load %arg5[%get3A_723, %get3A_724, %get3A_725] {strides = array<i32>} : memref<3x64x16xf32, #tpu.memory_space<vmem>>, vector<1x1x16xf32>,
    %get3A_727 = vector.shape_cast %get3A_726 : vector<1x1x16xf32> to vector<16xf32>
    %sub3A_728 = arith.subf %get3A_55, %get3A_727 : vector<16xf32>
    %mul3A_729 = arith.mulf %sub3A_712, %sub3A_712 : vector<16xf32>
    %mul3A_730 = arith.mulf %sub3A_720, %sub3A_720 : vector<16xf32>
    %add3A_731 = arith.addf %mul3A_729, %mul3A_730 : vector<16xf32>
    %mul3A_732 = arith.mulf %sub3A_728, %sub3A_728 : vector<16xf32>
    %add3A_733 = arith.addf %add3A_731, %mul3A_732 : vector<16xf32>
    %lt3A_734 = arith.cmpf olt, %add3A_733, %select_n3A_701 : vector<16xf32>
    %select_n3A_735 = arith.select %lt3A_734, %add3A_733, %select_n3A_701 : vector<16xi1>, vector<16xf32>
    %broadcast_in_dim3A_736 = arith.constant 19 : i32
    %broadcast_in_dim3A_737 = vector.broadcast %broadcast_in_dim3A_736 : i32 to vector<16xi32>
    %select_n3A_738 = arith.select %lt3A_734, %broadcast_in_dim3A_737, %select_n3A_704 : vector<16xi1>, vector<16xi32>
    %get3A_739 = arith.constant 0 : i32
    %get3A_740 = arith.constant 20 : i32
    %get3A_741 = arith.index_cast %get3A_739 : i32 to index
    %get3A_742 = arith.index_cast %get3A_740 : i32 to index
    %get3A_743 = arith.constant 0 : index
    %get3A_744 = tpu.vector_load %arg5[%get3A_741, %get3A_742, %get3A_743] {strides = array<i32>} : memref<3x64x16xf32, #tpu.memory_space<vmem>>, vector<1x1x16xf32>,
    %get3A_745 = vector.shape_cast %get3A_744 : vector<1x1x16xf32> to vector<16xf32>
    %sub3A_746 = arith.subf %get3A_45, %get3A_745 : vector<16xf32>
    %get3A_747 = arith.constant 1 : i32
    %get3A_748 = arith.constant 20 : i32
    %get3A_749 = arith.index_cast %get3A_747 : i32 to index
    %get3A_750 = arith.index_cast %get3A_748 : i32 to index
    %get3A_751 = arith.constant 0 : index
    %get3A_752 = tpu.vector_load %arg5[%get3A_749, %get3A_750, %get3A_751] {strides = array<i32>} : memref<3x64x16xf32, #tpu.memory_space<vmem>>, vector<1x1x16xf32>,
    %get3A_753 = vector.shape_cast %get3A_752 : vector<1x1x16xf32> to vector<16xf32>
    %sub3A_754 = arith.subf %get3A_50, %get3A_753 : vector<16xf32>
    %get3A_755 = arith.constant 2 : i32
    %get3A_756 = arith.constant 20 : i32
    %get3A_757 = arith.index_cast %get3A_755 : i32 to index
    %get3A_758 = arith.index_cast %get3A_756 : i32 to index
    %get3A_759 = arith.constant 0 : index
    %get3A_760 = tpu.vector_load %arg5[%get3A_757, %get3A_758, %get3A_759] {strides = array<i32>} : memref<3x64x16xf32, #tpu.memory_space<vmem>>, vector<1x1x16xf32>,
    %get3A_761 = vector.shape_cast %get3A_760 : vector<1x1x16xf32> to vector<16xf32>
    %sub3A_762 = arith.subf %get3A_55, %get3A_761 : vector<16xf32>
    %mul3A_763 = arith.mulf %sub3A_746, %sub3A_746 : vector<16xf32>
    %mul3A_764 = arith.mulf %sub3A_754, %sub3A_754 : vector<16xf32>
    %add3A_765 = arith.addf %mul3A_763, %mul3A_764 : vector<16xf32>
    %mul3A_766 = arith.mulf %sub3A_762, %sub3A_762 : vector<16xf32>
    %add3A_767 = arith.addf %add3A_765, %mul3A_766 : vector<16xf32>
    %lt3A_768 = arith.cmpf olt, %add3A_767, %select_n3A_735 : vector<16xf32>
    %select_n3A_769 = arith.select %lt3A_768, %add3A_767, %select_n3A_735 : vector<16xi1>, vector<16xf32>
    %broadcast_in_dim3A_770 = arith.constant 20 : i32
    %broadcast_in_dim3A_771 = vector.broadcast %broadcast_in_dim3A_770 : i32 to vector<16xi32>
    %select_n3A_772 = arith.select %lt3A_768, %broadcast_in_dim3A_771, %select_n3A_738 : vector<16xi1>, vector<16xi32>
    %get3A_773 = arith.constant 0 : i32
    %get3A_774 = arith.constant 21 : i32
    %get3A_775 = arith.index_cast %get3A_773 : i32 to index
    %get3A_776 = arith.index_cast %get3A_774 : i32 to index
    %get3A_777 = arith.constant 0 : index
    %get3A_778 = tpu.vector_load %arg5[%get3A_775, %get3A_776, %get3A_777] {strides = array<i32>} : memref<3x64x16xf32, #tpu.memory_space<vmem>>, vector<1x1x16xf32>,
    %get3A_779 = vector.shape_cast %get3A_778 : vector<1x1x16xf32> to vector<16xf32>
    %sub3A_780 = arith.subf %get3A_45, %get3A_779 : vector<16xf32>
    %get3A_781 = arith.constant 1 : i32
    %get3A_782 = arith.constant 21 : i32
    %get3A_783 = arith.index_cast %get3A_781 : i32 to index
    %get3A_784 = arith.index_cast %get3A_782 : i32 to index
    %get3A_785 = arith.constant 0 : index
    %get3A_786 = tpu.vector_load %arg5[%get3A_783, %get3A_784, %get3A_785] {strides = array<i32>} : memref<3x64x16xf32, #tpu.memory_space<vmem>>, vector<1x1x16xf32>,
    %get3A_787 = vector.shape_cast %get3A_786 : vector<1x1x16xf32> to vector<16xf32>
    %sub3A_788 = arith.subf %get3A_50, %get3A_787 : vector<16xf32>
    %get3A_789 = arith.constant 2 : i32
    %get3A_790 = arith.constant 21 : i32
    %get3A_791 = arith.index_cast %get3A_789 : i32 to index
    %get3A_792 = arith.index_cast %get3A_790 : i32 to index
    %get3A_793 = arith.constant 0 : index
    %get3A_794 = tpu.vector_load %arg5[%get3A_791, %get3A_792, %get3A_793] {strides = array<i32>} : memref<3x64x16xf32, #tpu.memory_space<vmem>>, vector<1x1x16xf32>,
    %get3A_795 = vector.shape_cast %get3A_794 : vector<1x1x16xf32> to vector<16xf32>
    %sub3A_796 = arith.subf %get3A_55, %get3A_795 : vector<16xf32>
    %mul3A_797 = arith.mulf %sub3A_780, %sub3A_780 : vector<16xf32>
    %mul3A_798 = arith.mulf %sub3A_788, %sub3A_788 : vector<16xf32>
    %add3A_799 = arith.addf %mul3A_797, %mul3A_798 : vector<16xf32>
    %mul3A_800 = arith.mulf %sub3A_796, %sub3A_796 : vector<16xf32>
    %add3A_801 = arith.addf %add3A_799, %mul3A_800 : vector<16xf32>
    %lt3A_802 = arith.cmpf olt, %add3A_801, %select_n3A_769 : vector<16xf32>
    %select_n3A_803 = arith.select %lt3A_802, %add3A_801, %select_n3A_769 : vector<16xi1>, vector<16xf32>
    %broadcast_in_dim3A_804 = arith.constant 21 : i32
    %broadcast_in_dim3A_805 = vector.broadcast %broadcast_in_dim3A_804 : i32 to vector<16xi32>
    %select_n3A_806 = arith.select %lt3A_802, %broadcast_in_dim3A_805, %select_n3A_772 : vector<16xi1>, vector<16xi32>
    %get3A_807 = arith.constant 0 : i32
    %get3A_808 = arith.constant 22 : i32
    %get3A_809 = arith.index_cast %get3A_807 : i32 to index
    %get3A_810 = arith.index_cast %get3A_808 : i32 to index
    %get3A_811 = arith.constant 0 : index
    %get3A_812 = tpu.vector_load %arg5[%get3A_809, %get3A_810, %get3A_811] {strides = array<i32>} : memref<3x64x16xf32, #tpu.memory_space<vmem>>, vector<1x1x16xf32>,
    %get3A_813 = vector.shape_cast %get3A_812 : vector<1x1x16xf32> to vector<16xf32>
    %sub3A_814 = arith.subf %get3A_45, %get3A_813 : vector<16xf32>
    %get3A_815 = arith.constant 1 : i32
    %get3A_816 = arith.constant 22 : i32
    %get3A_817 = arith.index_cast %get3A_815 : i32 to index
    %get3A_818 = arith.index_cast %get3A_816 : i32 to index
    %get3A_819 = arith.constant 0 : index
    %get3A_820 = tpu.vector_load %arg5[%get3A_817, %get3A_818, %get3A_819] {strides = array<i32>} : memref<3x64x16xf32, #tpu.memory_space<vmem>>, vector<1x1x16xf32>,
    %get3A_821 = vector.shape_cast %get3A_820 : vector<1x1x16xf32> to vector<16xf32>
    %sub3A_822 = arith.subf %get3A_50, %get3A_821 : vector<16xf32>
    %get3A_823 = arith.constant 2 : i32
    %get3A_824 = arith.constant 22 : i32
    %get3A_825 = arith.index_cast %get3A_823 : i32 to index
    %get3A_826 = arith.index_cast %get3A_824 : i32 to index
    %get3A_827 = arith.constant 0 : index
    %get3A_828 = tpu.vector_load %arg5[%get3A_825, %get3A_826, %get3A_827] {strides = array<i32>} : memref<3x64x16xf32, #tpu.memory_space<vmem>>, vector<1x1x16xf32>,
    %get3A_829 = vector.shape_cast %get3A_828 : vector<1x1x16xf32> to vector<16xf32>
    %sub3A_830 = arith.subf %get3A_55, %get3A_829 : vector<16xf32>
    %mul3A_831 = arith.mulf %sub3A_814, %sub3A_814 : vector<16xf32>
    %mul3A_832 = arith.mulf %sub3A_822, %sub3A_822 : vector<16xf32>
    %add3A_833 = arith.addf %mul3A_831, %mul3A_832 : vector<16xf32>
    %mul3A_834 = arith.mulf %sub3A_830, %sub3A_830 : vector<16xf32>
    %add3A_835 = arith.addf %add3A_833, %mul3A_834 : vector<16xf32>
    %lt3A_836 = arith.cmpf olt, %add3A_835, %select_n3A_803 : vector<16xf32>
    %select_n3A_837 = arith.select %lt3A_836, %add3A_835, %select_n3A_803 : vector<16xi1>, vector<16xf32>
    %broadcast_in_dim3A_838 = arith.constant 22 : i32
    %broadcast_in_dim3A_839 = vector.broadcast %broadcast_in_dim3A_838 : i32 to vector<16xi32>
    %select_n3A_840 = arith.select %lt3A_836, %broadcast_in_dim3A_839, %select_n3A_806 : vector<16xi1>, vector<16xi32>
    %get3A_841 = arith.constant 0 : i32
    %get3A_842 = arith.constant 23 : i32
    %get3A_843 = arith.index_cast %get3A_841 : i32 to index
    %get3A_844 = arith.index_cast %get3A_842 : i32 to index
    %get3A_845 = arith.constant 0 : index
    %get3A_846 = tpu.vector_load %arg5[%get3A_843, %get3A_844, %get3A_845] {strides = array<i32>} : memref<3x64x16xf32, #tpu.memory_space<vmem>>, vector<1x1x16xf32>,
    %get3A_847 = vector.shape_cast %get3A_846 : vector<1x1x16xf32> to vector<16xf32>
    %sub3A_848 = arith.subf %get3A_45, %get3A_847 : vector<16xf32>
    %get3A_849 = arith.constant 1 : i32
    %get3A_850 = arith.constant 23 : i32
    %get3A_851 = arith.index_cast %get3A_849 : i32 to index
    %get3A_852 = arith.index_cast %get3A_850 : i32 to index
    %get3A_853 = arith.constant 0 : index
    %get3A_854 = tpu.vector_load %arg5[%get3A_851, %get3A_852, %get3A_853] {strides = array<i32>} : memref<3x64x16xf32, #tpu.memory_space<vmem>>, vector<1x1x16xf32>,
    %get3A_855 = vector.shape_cast %get3A_854 : vector<1x1x16xf32> to vector<16xf32>
    %sub3A_856 = arith.subf %get3A_50, %get3A_855 : vector<16xf32>
    %get3A_857 = arith.constant 2 : i32
    %get3A_858 = arith.constant 23 : i32
    %get3A_859 = arith.index_cast %get3A_857 : i32 to index
    %get3A_860 = arith.index_cast %get3A_858 : i32 to index
    %get3A_861 = arith.constant 0 : index
    %get3A_862 = tpu.vector_load %arg5[%get3A_859, %get3A_860, %get3A_861] {strides = array<i32>} : memref<3x64x16xf32, #tpu.memory_space<vmem>>, vector<1x1x16xf32>,
    %get3A_863 = vector.shape_cast %get3A_862 : vector<1x1x16xf32> to vector<16xf32>
    %sub3A_864 = arith.subf %get3A_55, %get3A_863 : vector<16xf32>
    %mul3A_865 = arith.mulf %sub3A_848, %sub3A_848 : vector<16xf32>
    %mul3A_866 = arith.mulf %sub3A_856, %sub3A_856 : vector<16xf32>
    %add3A_867 = arith.addf %mul3A_865, %mul3A_866 : vector<16xf32>
    %mul3A_868 = arith.mulf %sub3A_864, %sub3A_864 : vector<16xf32>
    %add3A_869 = arith.addf %add3A_867, %mul3A_868 : vector<16xf32>
    %lt3A_870 = arith.cmpf olt, %add3A_869, %select_n3A_837 : vector<16xf32>
    %select_n3A_871 = arith.select %lt3A_870, %add3A_869, %select_n3A_837 : vector<16xi1>, vector<16xf32>
    %broadcast_in_dim3A_872 = arith.constant 23 : i32
    %broadcast_in_dim3A_873 = vector.broadcast %broadcast_in_dim3A_872 : i32 to vector<16xi32>
    %select_n3A_874 = arith.select %lt3A_870, %broadcast_in_dim3A_873, %select_n3A_840 : vector<16xi1>, vector<16xi32>
    %get3A_875 = arith.constant 0 : i32
    %get3A_876 = arith.constant 24 : i32
    %get3A_877 = arith.index_cast %get3A_875 : i32 to index
    %get3A_878 = arith.index_cast %get3A_876 : i32 to index
    %get3A_879 = arith.constant 0 : index
    %get3A_880 = tpu.vector_load %arg5[%get3A_877, %get3A_878, %get3A_879] {strides = array<i32>} : memref<3x64x16xf32, #tpu.memory_space<vmem>>, vector<1x1x16xf32>,
    %get3A_881 = vector.shape_cast %get3A_880 : vector<1x1x16xf32> to vector<16xf32>
    %sub3A_882 = arith.subf %get3A_45, %get3A_881 : vector<16xf32>
    %get3A_883 = arith.constant 1 : i32
    %get3A_884 = arith.constant 24 : i32
    %get3A_885 = arith.index_cast %get3A_883 : i32 to index
    %get3A_886 = arith.index_cast %get3A_884 : i32 to index
    %get3A_887 = arith.constant 0 : index
    %get3A_888 = tpu.vector_load %arg5[%get3A_885, %get3A_886, %get3A_887] {strides = array<i32>} : memref<3x64x16xf32, #tpu.memory_space<vmem>>, vector<1x1x16xf32>,
    %get3A_889 = vector.shape_cast %get3A_888 : vector<1x1x16xf32> to vector<16xf32>
    %sub3A_890 = arith.subf %get3A_50, %get3A_889 : vector<16xf32>
    %get3A_891 = arith.constant 2 : i32
    %get3A_892 = arith.constant 24 : i32
    %get3A_893 = arith.index_cast %get3A_891 : i32 to index
    %get3A_894 = arith.index_cast %get3A_892 : i32 to index
    %get3A_895 = arith.constant 0 : index
    %get3A_896 = tpu.vector_load %arg5[%get3A_893, %get3A_894, %get3A_895] {strides = array<i32>} : memref<3x64x16xf32, #tpu.memory_space<vmem>>, vector<1x1x16xf32>,
    %get3A_897 = vector.shape_cast %get3A_896 : vector<1x1x16xf32> to vector<16xf32>
    %sub3A_898 = arith.subf %get3A_55, %get3A_897 : vector<16xf32>
    %mul3A_899 = arith.mulf %sub3A_882, %sub3A_882 : vector<16xf32>
    %mul3A_900 = arith.mulf %sub3A_890, %sub3A_890 : vector<16xf32>
    %add3A_901 = arith.addf %mul3A_899, %mul3A_900 : vector<16xf32>
    %mul3A_902 = arith.mulf %sub3A_898, %sub3A_898 : vector<16xf32>
    %add3A_903 = arith.addf %add3A_901, %mul3A_902 : vector<16xf32>
    %lt3A_904 = arith.cmpf olt, %add3A_903, %select_n3A_871 : vector<16xf32>
    %select_n3A_905 = arith.select %lt3A_904, %add3A_903, %select_n3A_871 : vector<16xi1>, vector<16xf32>
    %broadcast_in_dim3A_906 = arith.constant 24 : i32
    %broadcast_in_dim3A_907 = vector.broadcast %broadcast_in_dim3A_906 : i32 to vector<16xi32>
    %select_n3A_908 = arith.select %lt3A_904, %broadcast_in_dim3A_907, %select_n3A_874 : vector<16xi1>, vector<16xi32>
    %get3A_909 = arith.constant 0 : i32
    %get3A_910 = arith.constant 25 : i32
    %get3A_911 = arith.index_cast %get3A_909 : i32 to index
    %get3A_912 = arith.index_cast %get3A_910 : i32 to index
    %get3A_913 = arith.constant 0 : index
    %get3A_914 = tpu.vector_load %arg5[%get3A_911, %get3A_912, %get3A_913] {strides = array<i32>} : memref<3x64x16xf32, #tpu.memory_space<vmem>>, vector<1x1x16xf32>,
    %get3A_915 = vector.shape_cast %get3A_914 : vector<1x1x16xf32> to vector<16xf32>
    %sub3A_916 = arith.subf %get3A_45, %get3A_915 : vector<16xf32>
    %get3A_917 = arith.constant 1 : i32
    %get3A_918 = arith.constant 25 : i32
    %get3A_919 = arith.index_cast %get3A_917 : i32 to index
    %get3A_920 = arith.index_cast %get3A_918 : i32 to index
    %get3A_921 = arith.constant 0 : index
    %get3A_922 = tpu.vector_load %arg5[%get3A_919, %get3A_920, %get3A_921] {strides = array<i32>} : memref<3x64x16xf32, #tpu.memory_space<vmem>>, vector<1x1x16xf32>,
    %get3A_923 = vector.shape_cast %get3A_922 : vector<1x1x16xf32> to vector<16xf32>
    %sub3A_924 = arith.subf %get3A_50, %get3A_923 : vector<16xf32>
    %get3A_925 = arith.constant 2 : i32
    %get3A_926 = arith.constant 25 : i32
    %get3A_927 = arith.index_cast %get3A_925 : i32 to index
    %get3A_928 = arith.index_cast %get3A_926 : i32 to index
    %get3A_929 = arith.constant 0 : index
    %get3A_930 = tpu.vector_load %arg5[%get3A_927, %get3A_928, %get3A_929] {strides = array<i32>} : memref<3x64x16xf32, #tpu.memory_space<vmem>>, vector<1x1x16xf32>,
    %get3A_931 = vector.shape_cast %get3A_930 : vector<1x1x16xf32> to vector<16xf32>
    %sub3A_932 = arith.subf %get3A_55, %get3A_931 : vector<16xf32>
    %mul3A_933 = arith.mulf %sub3A_916, %sub3A_916 : vector<16xf32>
    %mul3A_934 = arith.mulf %sub3A_924, %sub3A_924 : vector<16xf32>
    %add3A_935 = arith.addf %mul3A_933, %mul3A_934 : vector<16xf32>
    %mul3A_936 = arith.mulf %sub3A_932, %sub3A_932 : vector<16xf32>
    %add3A_937 = arith.addf %add3A_935, %mul3A_936 : vector<16xf32>
    %lt3A_938 = arith.cmpf olt, %add3A_937, %select_n3A_905 : vector<16xf32>
    %select_n3A_939 = arith.select %lt3A_938, %add3A_937, %select_n3A_905 : vector<16xi1>, vector<16xf32>
    %broadcast_in_dim3A_940 = arith.constant 25 : i32
    %broadcast_in_dim3A_941 = vector.broadcast %broadcast_in_dim3A_940 : i32 to vector<16xi32>
    %select_n3A_942 = arith.select %lt3A_938, %broadcast_in_dim3A_941, %select_n3A_908 : vector<16xi1>, vector<16xi32>
    %get3A_943 = arith.constant 0 : i32
    %get3A_944 = arith.constant 26 : i32
    %get3A_945 = arith.index_cast %get3A_943 : i32 to index
    %get3A_946 = arith.index_cast %get3A_944 : i32 to index
    %get3A_947 = arith.constant 0 : index
    %get3A_948 = tpu.vector_load %arg5[%get3A_945, %get3A_946, %get3A_947] {strides = array<i32>} : memref<3x64x16xf32, #tpu.memory_space<vmem>>, vector<1x1x16xf32>,
    %get3A_949 = vector.shape_cast %get3A_948 : vector<1x1x16xf32> to vector<16xf32>
    %sub3A_950 = arith.subf %get3A_45, %get3A_949 : vector<16xf32>
    %get3A_951 = arith.constant 1 : i32
    %get3A_952 = arith.constant 26 : i32
    %get3A_953 = arith.index_cast %get3A_951 : i32 to index
    %get3A_954 = arith.index_cast %get3A_952 : i32 to index
    %get3A_955 = arith.constant 0 : index
    %get3A_956 = tpu.vector_load %arg5[%get3A_953, %get3A_954, %get3A_955] {strides = array<i32>} : memref<3x64x16xf32, #tpu.memory_space<vmem>>, vector<1x1x16xf32>,
    %get3A_957 = vector.shape_cast %get3A_956 : vector<1x1x16xf32> to vector<16xf32>
    %sub3A_958 = arith.subf %get3A_50, %get3A_957 : vector<16xf32>
    %get3A_959 = arith.constant 2 : i32
    %get3A_960 = arith.constant 26 : i32
    %get3A_961 = arith.index_cast %get3A_959 : i32 to index
    %get3A_962 = arith.index_cast %get3A_960 : i32 to index
    %get3A_963 = arith.constant 0 : index
    %get3A_964 = tpu.vector_load %arg5[%get3A_961, %get3A_962, %get3A_963] {strides = array<i32>} : memref<3x64x16xf32, #tpu.memory_space<vmem>>, vector<1x1x16xf32>,
    %get3A_965 = vector.shape_cast %get3A_964 : vector<1x1x16xf32> to vector<16xf32>
    %sub3A_966 = arith.subf %get3A_55, %get3A_965 : vector<16xf32>
    %mul3A_967 = arith.mulf %sub3A_950, %sub3A_950 : vector<16xf32>
    %mul3A_968 = arith.mulf %sub3A_958, %sub3A_958 : vector<16xf32>
    %add3A_969 = arith.addf %mul3A_967, %mul3A_968 : vector<16xf32>
    %mul3A_970 = arith.mulf %sub3A_966, %sub3A_966 : vector<16xf32>
    %add3A_971 = arith.addf %add3A_969, %mul3A_970 : vector<16xf32>
    %lt3A_972 = arith.cmpf olt, %add3A_971, %select_n3A_939 : vector<16xf32>
    %select_n3A_973 = arith.select %lt3A_972, %add3A_971, %select_n3A_939 : vector<16xi1>, vector<16xf32>
    %broadcast_in_dim3A_974 = arith.constant 26 : i32
    %broadcast_in_dim3A_975 = vector.broadcast %broadcast_in_dim3A_974 : i32 to vector<16xi32>
    %select_n3A_976 = arith.select %lt3A_972, %broadcast_in_dim3A_975, %select_n3A_942 : vector<16xi1>, vector<16xi32>
    %get3A_977 = arith.constant 0 : i32
    %get3A_978 = arith.constant 27 : i32
    %get3A_979 = arith.index_cast %get3A_977 : i32 to index
    %get3A_980 = arith.index_cast %get3A_978 : i32 to index
    %get3A_981 = arith.constant 0 : index
    %get3A_982 = tpu.vector_load %arg5[%get3A_979, %get3A_980, %get3A_981] {strides = array<i32>} : memref<3x64x16xf32, #tpu.memory_space<vmem>>, vector<1x1x16xf32>,
    %get3A_983 = vector.shape_cast %get3A_982 : vector<1x1x16xf32> to vector<16xf32>
    %sub3A_984 = arith.subf %get3A_45, %get3A_983 : vector<16xf32>
    %get3A_985 = arith.constant 1 : i32
    %get3A_986 = arith.constant 27 : i32
    %get3A_987 = arith.index_cast %get3A_985 : i32 to index
    %get3A_988 = arith.index_cast %get3A_986 : i32 to index
    %get3A_989 = arith.constant 0 : index
    %get3A_990 = tpu.vector_load %arg5[%get3A_987, %get3A_988, %get3A_989] {strides = array<i32>} : memref<3x64x16xf32, #tpu.memory_space<vmem>>, vector<1x1x16xf32>,
    %get3A_991 = vector.shape_cast %get3A_990 : vector<1x1x16xf32> to vector<16xf32>
    %sub3A_992 = arith.subf %get3A_50, %get3A_991 : vector<16xf32>
    %get3A_993 = arith.constant 2 : i32
    %get3A_994 = arith.constant 27 : i32
    %get3A_995 = arith.index_cast %get3A_993 : i32 to index
    %get3A_996 = arith.index_cast %get3A_994 : i32 to index
    %get3A_997 = arith.constant 0 : index
    %get3A_998 = tpu.vector_load %arg5[%get3A_995, %get3A_996, %get3A_997] {strides = array<i32>} : memref<3x64x16xf32, #tpu.memory_space<vmem>>, vector<1x1x16xf32>,
    %get3A_999 = vector.shape_cast %get3A_998 : vector<1x1x16xf32> to vector<16xf32>
    %sub3A_1000 = arith.subf %get3A_55, %get3A_999 : vector<16xf32>
    %mul3A_1001 = arith.mulf %sub3A_984, %sub3A_984 : vector<16xf32>
    %mul3A_1002 = arith.mulf %sub3A_992, %sub3A_992 : vector<16xf32>
    %add3A_1003 = arith.addf %mul3A_1001, %mul3A_1002 : vector<16xf32>
    %mul3A_1004 = arith.mulf %sub3A_1000, %sub3A_1000 : vector<16xf32>
    %add3A_1005 = arith.addf %add3A_1003, %mul3A_1004 : vector<16xf32>
    %lt3A_1006 = arith.cmpf olt, %add3A_1005, %select_n3A_973 : vector<16xf32>
    %select_n3A_1007 = arith.select %lt3A_1006, %add3A_1005, %select_n3A_973 : vector<16xi1>, vector<16xf32>
    %broadcast_in_dim3A_1008 = arith.constant 27 : i32
    %broadcast_in_dim3A_1009 = vector.broadcast %broadcast_in_dim3A_1008 : i32 to vector<16xi32>
    %select_n3A_1010 = arith.select %lt3A_1006, %broadcast_in_dim3A_1009, %select_n3A_976 : vector<16xi1>, vector<16xi32>
    %get3A_1011 = arith.constant 0 : i32
    %get3A_1012 = arith.constant 28 : i32
    %get3A_1013 = arith.index_cast %get3A_1011 : i32 to index
    %get3A_1014 = arith.index_cast %get3A_1012 : i32 to index
    %get3A_1015 = arith.constant 0 : index
    %get3A_1016 = tpu.vector_load %arg5[%get3A_1013, %get3A_1014, %get3A_1015] {strides = array<i32>} : memref<3x64x16xf32, #tpu.memory_space<vmem>>, vector<1x1x16xf32>,
    %get3A_1017 = vector.shape_cast %get3A_1016 : vector<1x1x16xf32> to vector<16xf32>
    %sub3A_1018 = arith.subf %get3A_45, %get3A_1017 : vector<16xf32>
    %get3A_1019 = arith.constant 1 : i32
    %get3A_1020 = arith.constant 28 : i32
    %get3A_1021 = arith.index_cast %get3A_1019 : i32 to index
    %get3A_1022 = arith.index_cast %get3A_1020 : i32 to index
    %get3A_1023 = arith.constant 0 : index
    %get3A_1024 = tpu.vector_load %arg5[%get3A_1021, %get3A_1022, %get3A_1023] {strides = array<i32>} : memref<3x64x16xf32, #tpu.memory_space<vmem>>, vector<1x1x16xf32>,
    %get3A_1025 = vector.shape_cast %get3A_1024 : vector<1x1x16xf32> to vector<16xf32>
    %sub3A_1026 = arith.subf %get3A_50, %get3A_1025 : vector<16xf32>
    %get3A_1027 = arith.constant 2 : i32
    %get3A_1028 = arith.constant 28 : i32
    %get3A_1029 = arith.index_cast %get3A_1027 : i32 to index
    %get3A_1030 = arith.index_cast %get3A_1028 : i32 to index
    %get3A_1031 = arith.constant 0 : index
    %get3A_1032 = tpu.vector_load %arg5[%get3A_1029, %get3A_1030, %get3A_1031] {strides = array<i32>} : memref<3x64x16xf32, #tpu.memory_space<vmem>>, vector<1x1x16xf32>,
    %get3A_1033 = vector.shape_cast %get3A_1032 : vector<1x1x16xf32> to vector<16xf32>
    %sub3A_1034 = arith.subf %get3A_55, %get3A_1033 : vector<16xf32>
    %mul3A_1035 = arith.mulf %sub3A_1018, %sub3A_1018 : vector<16xf32>
    %mul3A_1036 = arith.mulf %sub3A_1026, %sub3A_1026 : vector<16xf32>
    %add3A_1037 = arith.addf %mul3A_1035, %mul3A_1036 : vector<16xf32>
    %mul3A_1038 = arith.mulf %sub3A_1034, %sub3A_1034 : vector<16xf32>
    %add3A_1039 = arith.addf %add3A_1037, %mul3A_1038 : vector<16xf32>
    %lt3A_1040 = arith.cmpf olt, %add3A_1039, %select_n3A_1007 : vector<16xf32>
    %select_n3A_1041 = arith.select %lt3A_1040, %add3A_1039, %select_n3A_1007 : vector<16xi1>, vector<16xf32>
    %broadcast_in_dim3A_1042 = arith.constant 28 : i32
    %broadcast_in_dim3A_1043 = vector.broadcast %broadcast_in_dim3A_1042 : i32 to vector<16xi32>
    %select_n3A_1044 = arith.select %lt3A_1040, %broadcast_in_dim3A_1043, %select_n3A_1010 : vector<16xi1>, vector<16xi32>
    %get3A_1045 = arith.constant 0 : i32
    %get3A_1046 = arith.constant 29 : i32
    %get3A_1047 = arith.index_cast %get3A_1045 : i32 to index
    %get3A_1048 = arith.index_cast %get3A_1046 : i32 to index
    %get3A_1049 = arith.constant 0 : index
    %get3A_1050 = tpu.vector_load %arg5[%get3A_1047, %get3A_1048, %get3A_1049] {strides = array<i32>} : memref<3x64x16xf32, #tpu.memory_space<vmem>>, vector<1x1x16xf32>,
    %get3A_1051 = vector.shape_cast %get3A_1050 : vector<1x1x16xf32> to vector<16xf32>
    %sub3A_1052 = arith.subf %get3A_45, %get3A_1051 : vector<16xf32>
    %get3A_1053 = arith.constant 1 : i32
    %get3A_1054 = arith.constant 29 : i32
    %get3A_1055 = arith.index_cast %get3A_1053 : i32 to index
    %get3A_1056 = arith.index_cast %get3A_1054 : i32 to index
    %get3A_1057 = arith.constant 0 : index
    %get3A_1058 = tpu.vector_load %arg5[%get3A_1055, %get3A_1056, %get3A_1057] {strides = array<i32>} : memref<3x64x16xf32, #tpu.memory_space<vmem>>, vector<1x1x16xf32>,
    %get3A_1059 = vector.shape_cast %get3A_1058 : vector<1x1x16xf32> to vector<16xf32>
    %sub3A_1060 = arith.subf %get3A_50, %get3A_1059 : vector<16xf32>
    %get3A_1061 = arith.constant 2 : i32
    %get3A_1062 = arith.constant 29 : i32
    %get3A_1063 = arith.index_cast %get3A_1061 : i32 to index
    %get3A_1064 = arith.index_cast %get3A_1062 : i32 to index
    %get3A_1065 = arith.constant 0 : index
    %get3A_1066 = tpu.vector_load %arg5[%get3A_1063, %get3A_1064, %get3A_1065] {strides = array<i32>} : memref<3x64x16xf32, #tpu.memory_space<vmem>>, vector<1x1x16xf32>,
    %get3A_1067 = vector.shape_cast %get3A_1066 : vector<1x1x16xf32> to vector<16xf32>
    %sub3A_1068 = arith.subf %get3A_55, %get3A_1067 : vector<16xf32>
    %mul3A_1069 = arith.mulf %sub3A_1052, %sub3A_1052 : vector<16xf32>
    %mul3A_1070 = arith.mulf %sub3A_1060, %sub3A_1060 : vector<16xf32>
    %add3A_1071 = arith.addf %mul3A_1069, %mul3A_1070 : vector<16xf32>
    %mul3A_1072 = arith.mulf %sub3A_1068, %sub3A_1068 : vector<16xf32>
    %add3A_1073 = arith.addf %add3A_1071, %mul3A_1072 : vector<16xf32>
    %lt3A_1074 = arith.cmpf olt, %add3A_1073, %select_n3A_1041 : vector<16xf32>
    %select_n3A_1075 = arith.select %lt3A_1074, %add3A_1073, %select_n3A_1041 : vector<16xi1>, vector<16xf32>
    %broadcast_in_dim3A_1076 = arith.constant 29 : i32
    %broadcast_in_dim3A_1077 = vector.broadcast %broadcast_in_dim3A_1076 : i32 to vector<16xi32>
    %select_n3A_1078 = arith.select %lt3A_1074, %broadcast_in_dim3A_1077, %select_n3A_1044 : vector<16xi1>, vector<16xi32>
    %get3A_1079 = arith.constant 0 : i32
    %get3A_1080 = arith.constant 30 : i32
    %get3A_1081 = arith.index_cast %get3A_1079 : i32 to index
    %get3A_1082 = arith.index_cast %get3A_1080 : i32 to index
    %get3A_1083 = arith.constant 0 : index
    %get3A_1084 = tpu.vector_load %arg5[%get3A_1081, %get3A_1082, %get3A_1083] {strides = array<i32>} : memref<3x64x16xf32, #tpu.memory_space<vmem>>, vector<1x1x16xf32>,
    %get3A_1085 = vector.shape_cast %get3A_1084 : vector<1x1x16xf32> to vector<16xf32>
    %sub3A_1086 = arith.subf %get3A_45, %get3A_1085 : vector<16xf32>
    %get3A_1087 = arith.constant 1 : i32
    %get3A_1088 = arith.constant 30 : i32
    %get3A_1089 = arith.index_cast %get3A_1087 : i32 to index
    %get3A_1090 = arith.index_cast %get3A_1088 : i32 to index
    %get3A_1091 = arith.constant 0 : index
    %get3A_1092 = tpu.vector_load %arg5[%get3A_1089, %get3A_1090, %get3A_1091] {strides = array<i32>} : memref<3x64x16xf32, #tpu.memory_space<vmem>>, vector<1x1x16xf32>,
    %get3A_1093 = vector.shape_cast %get3A_1092 : vector<1x1x16xf32> to vector<16xf32>
    %sub3A_1094 = arith.subf %get3A_50, %get3A_1093 : vector<16xf32>
    %get3A_1095 = arith.constant 2 : i32
    %get3A_1096 = arith.constant 30 : i32
    %get3A_1097 = arith.index_cast %get3A_1095 : i32 to index
    %get3A_1098 = arith.index_cast %get3A_1096 : i32 to index
    %get3A_1099 = arith.constant 0 : index
    %get3A_1100 = tpu.vector_load %arg5[%get3A_1097, %get3A_1098, %get3A_1099] {strides = array<i32>} : memref<3x64x16xf32, #tpu.memory_space<vmem>>, vector<1x1x16xf32>,
    %get3A_1101 = vector.shape_cast %get3A_1100 : vector<1x1x16xf32> to vector<16xf32>
    %sub3A_1102 = arith.subf %get3A_55, %get3A_1101 : vector<16xf32>
    %mul3A_1103 = arith.mulf %sub3A_1086, %sub3A_1086 : vector<16xf32>
    %mul3A_1104 = arith.mulf %sub3A_1094, %sub3A_1094 : vector<16xf32>
    %add3A_1105 = arith.addf %mul3A_1103, %mul3A_1104 : vector<16xf32>
    %mul3A_1106 = arith.mulf %sub3A_1102, %sub3A_1102 : vector<16xf32>
    %add3A_1107 = arith.addf %add3A_1105, %mul3A_1106 : vector<16xf32>
    %lt3A_1108 = arith.cmpf olt, %add3A_1107, %select_n3A_1075 : vector<16xf32>
    %select_n3A_1109 = arith.select %lt3A_1108, %add3A_1107, %select_n3A_1075 : vector<16xi1>, vector<16xf32>
    %broadcast_in_dim3A_1110 = arith.constant 30 : i32
    %broadcast_in_dim3A_1111 = vector.broadcast %broadcast_in_dim3A_1110 : i32 to vector<16xi32>
    %select_n3A_1112 = arith.select %lt3A_1108, %broadcast_in_dim3A_1111, %select_n3A_1078 : vector<16xi1>, vector<16xi32>
    %get3A_1113 = arith.constant 0 : i32
    %get3A_1114 = arith.constant 31 : i32
    %get3A_1115 = arith.index_cast %get3A_1113 : i32 to index
    %get3A_1116 = arith.index_cast %get3A_1114 : i32 to index
    %get3A_1117 = arith.constant 0 : index
    %get3A_1118 = tpu.vector_load %arg5[%get3A_1115, %get3A_1116, %get3A_1117] {strides = array<i32>} : memref<3x64x16xf32, #tpu.memory_space<vmem>>, vector<1x1x16xf32>,
    %get3A_1119 = vector.shape_cast %get3A_1118 : vector<1x1x16xf32> to vector<16xf32>
    %sub3A_1120 = arith.subf %get3A_45, %get3A_1119 : vector<16xf32>
    %get3A_1121 = arith.constant 1 : i32
    %get3A_1122 = arith.constant 31 : i32
    %get3A_1123 = arith.index_cast %get3A_1121 : i32 to index
    %get3A_1124 = arith.index_cast %get3A_1122 : i32 to index
    %get3A_1125 = arith.constant 0 : index
    %get3A_1126 = tpu.vector_load %arg5[%get3A_1123, %get3A_1124, %get3A_1125] {strides = array<i32>} : memref<3x64x16xf32, #tpu.memory_space<vmem>>, vector<1x1x16xf32>,
    %get3A_1127 = vector.shape_cast %get3A_1126 : vector<1x1x16xf32> to vector<16xf32>
    %sub3A_1128 = arith.subf %get3A_50, %get3A_1127 : vector<16xf32>
    %get3A_1129 = arith.constant 2 : i32
    %get3A_1130 = arith.constant 31 : i32
    %get3A_1131 = arith.index_cast %get3A_1129 : i32 to index
    %get3A_1132 = arith.index_cast %get3A_1130 : i32 to index
    %get3A_1133 = arith.constant 0 : index
    %get3A_1134 = tpu.vector_load %arg5[%get3A_1131, %get3A_1132, %get3A_1133] {strides = array<i32>} : memref<3x64x16xf32, #tpu.memory_space<vmem>>, vector<1x1x16xf32>,
    %get3A_1135 = vector.shape_cast %get3A_1134 : vector<1x1x16xf32> to vector<16xf32>
    %sub3A_1136 = arith.subf %get3A_55, %get3A_1135 : vector<16xf32>
    %mul3A_1137 = arith.mulf %sub3A_1120, %sub3A_1120 : vector<16xf32>
    %mul3A_1138 = arith.mulf %sub3A_1128, %sub3A_1128 : vector<16xf32>
    %add3A_1139 = arith.addf %mul3A_1137, %mul3A_1138 : vector<16xf32>
    %mul3A_1140 = arith.mulf %sub3A_1136, %sub3A_1136 : vector<16xf32>
    %add3A_1141 = arith.addf %add3A_1139, %mul3A_1140 : vector<16xf32>
    %lt3A_1142 = arith.cmpf olt, %add3A_1141, %select_n3A_1109 : vector<16xf32>
    %select_n3A_1143 = arith.select %lt3A_1142, %add3A_1141, %select_n3A_1109 : vector<16xi1>, vector<16xf32>
    %broadcast_in_dim3A_1144 = arith.constant 31 : i32
    %broadcast_in_dim3A_1145 = vector.broadcast %broadcast_in_dim3A_1144 : i32 to vector<16xi32>
    %select_n3A_1146 = arith.select %lt3A_1142, %broadcast_in_dim3A_1145, %select_n3A_1112 : vector<16xi1>, vector<16xi32>
    %get3A_1147 = arith.constant 0 : i32
    %get3A_1148 = arith.constant 32 : i32
    %get3A_1149 = arith.index_cast %get3A_1147 : i32 to index
    %get3A_1150 = arith.index_cast %get3A_1148 : i32 to index
    %get3A_1151 = arith.constant 0 : index
    %get3A_1152 = tpu.vector_load %arg5[%get3A_1149, %get3A_1150, %get3A_1151] {strides = array<i32>} : memref<3x64x16xf32, #tpu.memory_space<vmem>>, vector<1x1x16xf32>,
    %get3A_1153 = vector.shape_cast %get3A_1152 : vector<1x1x16xf32> to vector<16xf32>
    %sub3A_1154 = arith.subf %get3A_45, %get3A_1153 : vector<16xf32>
    %get3A_1155 = arith.constant 1 : i32
    %get3A_1156 = arith.constant 32 : i32
    %get3A_1157 = arith.index_cast %get3A_1155 : i32 to index
    %get3A_1158 = arith.index_cast %get3A_1156 : i32 to index
    %get3A_1159 = arith.constant 0 : index
    %get3A_1160 = tpu.vector_load %arg5[%get3A_1157, %get3A_1158, %get3A_1159] {strides = array<i32>} : memref<3x64x16xf32, #tpu.memory_space<vmem>>, vector<1x1x16xf32>,
    %get3A_1161 = vector.shape_cast %get3A_1160 : vector<1x1x16xf32> to vector<16xf32>
    %sub3A_1162 = arith.subf %get3A_50, %get3A_1161 : vector<16xf32>
    %get3A_1163 = arith.constant 2 : i32
    %get3A_1164 = arith.constant 32 : i32
    %get3A_1165 = arith.index_cast %get3A_1163 : i32 to index
    %get3A_1166 = arith.index_cast %get3A_1164 : i32 to index
    %get3A_1167 = arith.constant 0 : index
    %get3A_1168 = tpu.vector_load %arg5[%get3A_1165, %get3A_1166, %get3A_1167] {strides = array<i32>} : memref<3x64x16xf32, #tpu.memory_space<vmem>>, vector<1x1x16xf32>,
    %get3A_1169 = vector.shape_cast %get3A_1168 : vector<1x1x16xf32> to vector<16xf32>
    %sub3A_1170 = arith.subf %get3A_55, %get3A_1169 : vector<16xf32>
    %mul3A_1171 = arith.mulf %sub3A_1154, %sub3A_1154 : vector<16xf32>
    %mul3A_1172 = arith.mulf %sub3A_1162, %sub3A_1162 : vector<16xf32>
    %add3A_1173 = arith.addf %mul3A_1171, %mul3A_1172 : vector<16xf32>
    %mul3A_1174 = arith.mulf %sub3A_1170, %sub3A_1170 : vector<16xf32>
    %add3A_1175 = arith.addf %add3A_1173, %mul3A_1174 : vector<16xf32>
    %lt3A_1176 = arith.cmpf olt, %add3A_1175, %select_n3A_1143 : vector<16xf32>
    %select_n3A_1177 = arith.select %lt3A_1176, %add3A_1175, %select_n3A_1143 : vector<16xi1>, vector<16xf32>
    %broadcast_in_dim3A_1178 = arith.constant 32 : i32
    %broadcast_in_dim3A_1179 = vector.broadcast %broadcast_in_dim3A_1178 : i32 to vector<16xi32>
    %select_n3A_1180 = arith.select %lt3A_1176, %broadcast_in_dim3A_1179, %select_n3A_1146 : vector<16xi1>, vector<16xi32>
    %get3A_1181 = arith.constant 0 : i32
    %get3A_1182 = arith.constant 33 : i32
    %get3A_1183 = arith.index_cast %get3A_1181 : i32 to index
    %get3A_1184 = arith.index_cast %get3A_1182 : i32 to index
    %get3A_1185 = arith.constant 0 : index
    %get3A_1186 = tpu.vector_load %arg5[%get3A_1183, %get3A_1184, %get3A_1185] {strides = array<i32>} : memref<3x64x16xf32, #tpu.memory_space<vmem>>, vector<1x1x16xf32>,
    %get3A_1187 = vector.shape_cast %get3A_1186 : vector<1x1x16xf32> to vector<16xf32>
    %sub3A_1188 = arith.subf %get3A_45, %get3A_1187 : vector<16xf32>
    %get3A_1189 = arith.constant 1 : i32
    %get3A_1190 = arith.constant 33 : i32
    %get3A_1191 = arith.index_cast %get3A_1189 : i32 to index
    %get3A_1192 = arith.index_cast %get3A_1190 : i32 to index
    %get3A_1193 = arith.constant 0 : index
    %get3A_1194 = tpu.vector_load %arg5[%get3A_1191, %get3A_1192, %get3A_1193] {strides = array<i32>} : memref<3x64x16xf32, #tpu.memory_space<vmem>>, vector<1x1x16xf32>,
    %get3A_1195 = vector.shape_cast %get3A_1194 : vector<1x1x16xf32> to vector<16xf32>
    %sub3A_1196 = arith.subf %get3A_50, %get3A_1195 : vector<16xf32>
    %get3A_1197 = arith.constant 2 : i32
    %get3A_1198 = arith.constant 33 : i32
    %get3A_1199 = arith.index_cast %get3A_1197 : i32 to index
    %get3A_1200 = arith.index_cast %get3A_1198 : i32 to index
    %get3A_1201 = arith.constant 0 : index
    %get3A_1202 = tpu.vector_load %arg5[%get3A_1199, %get3A_1200, %get3A_1201] {strides = array<i32>} : memref<3x64x16xf32, #tpu.memory_space<vmem>>, vector<1x1x16xf32>,
    %get3A_1203 = vector.shape_cast %get3A_1202 : vector<1x1x16xf32> to vector<16xf32>
    %sub3A_1204 = arith.subf %get3A_55, %get3A_1203 : vector<16xf32>
    %mul3A_1205 = arith.mulf %sub3A_1188, %sub3A_1188 : vector<16xf32>
    %mul3A_1206 = arith.mulf %sub3A_1196, %sub3A_1196 : vector<16xf32>
    %add3A_1207 = arith.addf %mul3A_1205, %mul3A_1206 : vector<16xf32>
    %mul3A_1208 = arith.mulf %sub3A_1204, %sub3A_1204 : vector<16xf32>
    %add3A_1209 = arith.addf %add3A_1207, %mul3A_1208 : vector<16xf32>
    %lt3A_1210 = arith.cmpf olt, %add3A_1209, %select_n3A_1177 : vector<16xf32>
    %select_n3A_1211 = arith.select %lt3A_1210, %add3A_1209, %select_n3A_1177 : vector<16xi1>, vector<16xf32>
    %broadcast_in_dim3A_1212 = arith.constant 33 : i32
    %broadcast_in_dim3A_1213 = vector.broadcast %broadcast_in_dim3A_1212 : i32 to vector<16xi32>
    %select_n3A_1214 = arith.select %lt3A_1210, %broadcast_in_dim3A_1213, %select_n3A_1180 : vector<16xi1>, vector<16xi32>
    %get3A_1215 = arith.constant 0 : i32
    %get3A_1216 = arith.constant 34 : i32
    %get3A_1217 = arith.index_cast %get3A_1215 : i32 to index
    %get3A_1218 = arith.index_cast %get3A_1216 : i32 to index
    %get3A_1219 = arith.constant 0 : index
    %get3A_1220 = tpu.vector_load %arg5[%get3A_1217, %get3A_1218, %get3A_1219] {strides = array<i32>} : memref<3x64x16xf32, #tpu.memory_space<vmem>>, vector<1x1x16xf32>,
    %get3A_1221 = vector.shape_cast %get3A_1220 : vector<1x1x16xf32> to vector<16xf32>
    %sub3A_1222 = arith.subf %get3A_45, %get3A_1221 : vector<16xf32>
    %get3A_1223 = arith.constant 1 : i32
    %get3A_1224 = arith.constant 34 : i32
    %get3A_1225 = arith.index_cast %get3A_1223 : i32 to index
    %get3A_1226 = arith.index_cast %get3A_1224 : i32 to index
    %get3A_1227 = arith.constant 0 : index
    %get3A_1228 = tpu.vector_load %arg5[%get3A_1225, %get3A_1226, %get3A_1227] {strides = array<i32>} : memref<3x64x16xf32, #tpu.memory_space<vmem>>, vector<1x1x16xf32>,
    %get3A_1229 = vector.shape_cast %get3A_1228 : vector<1x1x16xf32> to vector<16xf32>
    %sub3A_1230 = arith.subf %get3A_50, %get3A_1229 : vector<16xf32>
    %get3A_1231 = arith.constant 2 : i32
    %get3A_1232 = arith.constant 34 : i32
    %get3A_1233 = arith.index_cast %get3A_1231 : i32 to index
    %get3A_1234 = arith.index_cast %get3A_1232 : i32 to index
    %get3A_1235 = arith.constant 0 : index
    %get3A_1236 = tpu.vector_load %arg5[%get3A_1233, %get3A_1234, %get3A_1235] {strides = array<i32>} : memref<3x64x16xf32, #tpu.memory_space<vmem>>, vector<1x1x16xf32>,
    %get3A_1237 = vector.shape_cast %get3A_1236 : vector<1x1x16xf32> to vector<16xf32>
    %sub3A_1238 = arith.subf %get3A_55, %get3A_1237 : vector<16xf32>
    %mul3A_1239 = arith.mulf %sub3A_1222, %sub3A_1222 : vector<16xf32>
    %mul3A_1240 = arith.mulf %sub3A_1230, %sub3A_1230 : vector<16xf32>
    %add3A_1241 = arith.addf %mul3A_1239, %mul3A_1240 : vector<16xf32>
    %mul3A_1242 = arith.mulf %sub3A_1238, %sub3A_1238 : vector<16xf32>
    %add3A_1243 = arith.addf %add3A_1241, %mul3A_1242 : vector<16xf32>
    %lt3A_1244 = arith.cmpf olt, %add3A_1243, %select_n3A_1211 : vector<16xf32>
    %select_n3A_1245 = arith.select %lt3A_1244, %add3A_1243, %select_n3A_1211 : vector<16xi1>, vector<16xf32>
    %broadcast_in_dim3A_1246 = arith.constant 34 : i32
    %broadcast_in_dim3A_1247 = vector.broadcast %broadcast_in_dim3A_1246 : i32 to vector<16xi32>
    %select_n3A_1248 = arith.select %lt3A_1244, %broadcast_in_dim3A_1247, %select_n3A_1214 : vector<16xi1>, vector<16xi32>
    %get3A_1249 = arith.constant 0 : i32
    %get3A_1250 = arith.constant 35 : i32
    %get3A_1251 = arith.index_cast %get3A_1249 : i32 to index
    %get3A_1252 = arith.index_cast %get3A_1250 : i32 to index
    %get3A_1253 = arith.constant 0 : index
    %get3A_1254 = tpu.vector_load %arg5[%get3A_1251, %get3A_1252, %get3A_1253] {strides = array<i32>} : memref<3x64x16xf32, #tpu.memory_space<vmem>>, vector<1x1x16xf32>,
    %get3A_1255 = vector.shape_cast %get3A_1254 : vector<1x1x16xf32> to vector<16xf32>
    %sub3A_1256 = arith.subf %get3A_45, %get3A_1255 : vector<16xf32>
    %get3A_1257 = arith.constant 1 : i32
    %get3A_1258 = arith.constant 35 : i32
    %get3A_1259 = arith.index_cast %get3A_1257 : i32 to index
    %get3A_1260 = arith.index_cast %get3A_1258 : i32 to index
    %get3A_1261 = arith.constant 0 : index
    %get3A_1262 = tpu.vector_load %arg5[%get3A_1259, %get3A_1260, %get3A_1261] {strides = array<i32>} : memref<3x64x16xf32, #tpu.memory_space<vmem>>, vector<1x1x16xf32>,
    %get3A_1263 = vector.shape_cast %get3A_1262 : vector<1x1x16xf32> to vector<16xf32>
    %sub3A_1264 = arith.subf %get3A_50, %get3A_1263 : vector<16xf32>
    %get3A_1265 = arith.constant 2 : i32
    %get3A_1266 = arith.constant 35 : i32
    %get3A_1267 = arith.index_cast %get3A_1265 : i32 to index
    %get3A_1268 = arith.index_cast %get3A_1266 : i32 to index
    %get3A_1269 = arith.constant 0 : index
    %get3A_1270 = tpu.vector_load %arg5[%get3A_1267, %get3A_1268, %get3A_1269] {strides = array<i32>} : memref<3x64x16xf32, #tpu.memory_space<vmem>>, vector<1x1x16xf32>,
    %get3A_1271 = vector.shape_cast %get3A_1270 : vector<1x1x16xf32> to vector<16xf32>
    %sub3A_1272 = arith.subf %get3A_55, %get3A_1271 : vector<16xf32>
    %mul3A_1273 = arith.mulf %sub3A_1256, %sub3A_1256 : vector<16xf32>
    %mul3A_1274 = arith.mulf %sub3A_1264, %sub3A_1264 : vector<16xf32>
    %add3A_1275 = arith.addf %mul3A_1273, %mul3A_1274 : vector<16xf32>
    %mul3A_1276 = arith.mulf %sub3A_1272, %sub3A_1272 : vector<16xf32>
    %add3A_1277 = arith.addf %add3A_1275, %mul3A_1276 : vector<16xf32>
    %lt3A_1278 = arith.cmpf olt, %add3A_1277, %select_n3A_1245 : vector<16xf32>
    %select_n3A_1279 = arith.select %lt3A_1278, %add3A_1277, %select_n3A_1245 : vector<16xi1>, vector<16xf32>
    %broadcast_in_dim3A_1280 = arith.constant 35 : i32
    %broadcast_in_dim3A_1281 = vector.broadcast %broadcast_in_dim3A_1280 : i32 to vector<16xi32>
    %select_n3A_1282 = arith.select %lt3A_1278, %broadcast_in_dim3A_1281, %select_n3A_1248 : vector<16xi1>, vector<16xi32>
    %get3A_1283 = arith.constant 0 : i32
    %get3A_1284 = arith.constant 36 : i32
    %get3A_1285 = arith.index_cast %get3A_1283 : i32 to index
    %get3A_1286 = arith.index_cast %get3A_1284 : i32 to index
    %get3A_1287 = arith.constant 0 : index
    %get3A_1288 = tpu.vector_load %arg5[%get3A_1285, %get3A_1286, %get3A_1287] {strides = array<i32>} : memref<3x64x16xf32, #tpu.memory_space<vmem>>, vector<1x1x16xf32>,
    %get3A_1289 = vector.shape_cast %get3A_1288 : vector<1x1x16xf32> to vector<16xf32>
    %sub3A_1290 = arith.subf %get3A_45, %get3A_1289 : vector<16xf32>
    %get3A_1291 = arith.constant 1 : i32
    %get3A_1292 = arith.constant 36 : i32
    %get3A_1293 = arith.index_cast %get3A_1291 : i32 to index
    %get3A_1294 = arith.index_cast %get3A_1292 : i32 to index
    %get3A_1295 = arith.constant 0 : index
    %get3A_1296 = tpu.vector_load %arg5[%get3A_1293, %get3A_1294, %get3A_1295] {strides = array<i32>} : memref<3x64x16xf32, #tpu.memory_space<vmem>>, vector<1x1x16xf32>,
    %get3A_1297 = vector.shape_cast %get3A_1296 : vector<1x1x16xf32> to vector<16xf32>
    %sub3A_1298 = arith.subf %get3A_50, %get3A_1297 : vector<16xf32>
    %get3A_1299 = arith.constant 2 : i32
    %get3A_1300 = arith.constant 36 : i32
    %get3A_1301 = arith.index_cast %get3A_1299 : i32 to index
    %get3A_1302 = arith.index_cast %get3A_1300 : i32 to index
    %get3A_1303 = arith.constant 0 : index
    %get3A_1304 = tpu.vector_load %arg5[%get3A_1301, %get3A_1302, %get3A_1303] {strides = array<i32>} : memref<3x64x16xf32, #tpu.memory_space<vmem>>, vector<1x1x16xf32>,
    %get3A_1305 = vector.shape_cast %get3A_1304 : vector<1x1x16xf32> to vector<16xf32>
    %sub3A_1306 = arith.subf %get3A_55, %get3A_1305 : vector<16xf32>
    %mul3A_1307 = arith.mulf %sub3A_1290, %sub3A_1290 : vector<16xf32>
    %mul3A_1308 = arith.mulf %sub3A_1298, %sub3A_1298 : vector<16xf32>
    %add3A_1309 = arith.addf %mul3A_1307, %mul3A_1308 : vector<16xf32>
    %mul3A_1310 = arith.mulf %sub3A_1306, %sub3A_1306 : vector<16xf32>
    %add3A_1311 = arith.addf %add3A_1309, %mul3A_1310 : vector<16xf32>
    %lt3A_1312 = arith.cmpf olt, %add3A_1311, %select_n3A_1279 : vector<16xf32>
    %select_n3A_1313 = arith.select %lt3A_1312, %add3A_1311, %select_n3A_1279 : vector<16xi1>, vector<16xf32>
    %broadcast_in_dim3A_1314 = arith.constant 36 : i32
    %broadcast_in_dim3A_1315 = vector.broadcast %broadcast_in_dim3A_1314 : i32 to vector<16xi32>
    %select_n3A_1316 = arith.select %lt3A_1312, %broadcast_in_dim3A_1315, %select_n3A_1282 : vector<16xi1>, vector<16xi32>
    %get3A_1317 = arith.constant 0 : i32
    %get3A_1318 = arith.constant 37 : i32
    %get3A_1319 = arith.index_cast %get3A_1317 : i32 to index
    %get3A_1320 = arith.index_cast %get3A_1318 : i32 to index
    %get3A_1321 = arith.constant 0 : index
    %get3A_1322 = tpu.vector_load %arg5[%get3A_1319, %get3A_1320, %get3A_1321] {strides = array<i32>} : memref<3x64x16xf32, #tpu.memory_space<vmem>>, vector<1x1x16xf32>,
    %get3A_1323 = vector.shape_cast %get3A_1322 : vector<1x1x16xf32> to vector<16xf32>
    %sub3A_1324 = arith.subf %get3A_45, %get3A_1323 : vector<16xf32>
    %get3A_1325 = arith.constant 1 : i32
    %get3A_1326 = arith.constant 37 : i32
    %get3A_1327 = arith.index_cast %get3A_1325 : i32 to index
    %get3A_1328 = arith.index_cast %get3A_1326 : i32 to index
    %get3A_1329 = arith.constant 0 : index
    %get3A_1330 = tpu.vector_load %arg5[%get3A_1327, %get3A_1328, %get3A_1329] {strides = array<i32>} : memref<3x64x16xf32, #tpu.memory_space<vmem>>, vector<1x1x16xf32>,
    %get3A_1331 = vector.shape_cast %get3A_1330 : vector<1x1x16xf32> to vector<16xf32>
    %sub3A_1332 = arith.subf %get3A_50, %get3A_1331 : vector<16xf32>
    %get3A_1333 = arith.constant 2 : i32
    %get3A_1334 = arith.constant 37 : i32
    %get3A_1335 = arith.index_cast %get3A_1333 : i32 to index
    %get3A_1336 = arith.index_cast %get3A_1334 : i32 to index
    %get3A_1337 = arith.constant 0 : index
    %get3A_1338 = tpu.vector_load %arg5[%get3A_1335, %get3A_1336, %get3A_1337] {strides = array<i32>} : memref<3x64x16xf32, #tpu.memory_space<vmem>>, vector<1x1x16xf32>,
    %get3A_1339 = vector.shape_cast %get3A_1338 : vector<1x1x16xf32> to vector<16xf32>
    %sub3A_1340 = arith.subf %get3A_55, %get3A_1339 : vector<16xf32>
    %mul3A_1341 = arith.mulf %sub3A_1324, %sub3A_1324 : vector<16xf32>
    %mul3A_1342 = arith.mulf %sub3A_1332, %sub3A_1332 : vector<16xf32>
    %add3A_1343 = arith.addf %mul3A_1341, %mul3A_1342 : vector<16xf32>
    %mul3A_1344 = arith.mulf %sub3A_1340, %sub3A_1340 : vector<16xf32>
    %add3A_1345 = arith.addf %add3A_1343, %mul3A_1344 : vector<16xf32>
    %lt3A_1346 = arith.cmpf olt, %add3A_1345, %select_n3A_1313 : vector<16xf32>
    %select_n3A_1347 = arith.select %lt3A_1346, %add3A_1345, %select_n3A_1313 : vector<16xi1>, vector<16xf32>
    %broadcast_in_dim3A_1348 = arith.constant 37 : i32
    %broadcast_in_dim3A_1349 = vector.broadcast %broadcast_in_dim3A_1348 : i32 to vector<16xi32>
    %select_n3A_1350 = arith.select %lt3A_1346, %broadcast_in_dim3A_1349, %select_n3A_1316 : vector<16xi1>, vector<16xi32>
    %get3A_1351 = arith.constant 0 : i32
    %get3A_1352 = arith.constant 38 : i32
    %get3A_1353 = arith.index_cast %get3A_1351 : i32 to index
    %get3A_1354 = arith.index_cast %get3A_1352 : i32 to index
    %get3A_1355 = arith.constant 0 : index
    %get3A_1356 = tpu.vector_load %arg5[%get3A_1353, %get3A_1354, %get3A_1355] {strides = array<i32>} : memref<3x64x16xf32, #tpu.memory_space<vmem>>, vector<1x1x16xf32>,
    %get3A_1357 = vector.shape_cast %get3A_1356 : vector<1x1x16xf32> to vector<16xf32>
    %sub3A_1358 = arith.subf %get3A_45, %get3A_1357 : vector<16xf32>
    %get3A_1359 = arith.constant 1 : i32
    %get3A_1360 = arith.constant 38 : i32
    %get3A_1361 = arith.index_cast %get3A_1359 : i32 to index
    %get3A_1362 = arith.index_cast %get3A_1360 : i32 to index
    %get3A_1363 = arith.constant 0 : index
    %get3A_1364 = tpu.vector_load %arg5[%get3A_1361, %get3A_1362, %get3A_1363] {strides = array<i32>} : memref<3x64x16xf32, #tpu.memory_space<vmem>>, vector<1x1x16xf32>,
    %get3A_1365 = vector.shape_cast %get3A_1364 : vector<1x1x16xf32> to vector<16xf32>
    %sub3A_1366 = arith.subf %get3A_50, %get3A_1365 : vector<16xf32>
    %get3A_1367 = arith.constant 2 : i32
    %get3A_1368 = arith.constant 38 : i32
    %get3A_1369 = arith.index_cast %get3A_1367 : i32 to index
    %get3A_1370 = arith.index_cast %get3A_1368 : i32 to index
    %get3A_1371 = arith.constant 0 : index
    %get3A_1372 = tpu.vector_load %arg5[%get3A_1369, %get3A_1370, %get3A_1371] {strides = array<i32>} : memref<3x64x16xf32, #tpu.memory_space<vmem>>, vector<1x1x16xf32>,
    %get3A_1373 = vector.shape_cast %get3A_1372 : vector<1x1x16xf32> to vector<16xf32>
    %sub3A_1374 = arith.subf %get3A_55, %get3A_1373 : vector<16xf32>
    %mul3A_1375 = arith.mulf %sub3A_1358, %sub3A_1358 : vector<16xf32>
    %mul3A_1376 = arith.mulf %sub3A_1366, %sub3A_1366 : vector<16xf32>
    %add3A_1377 = arith.addf %mul3A_1375, %mul3A_1376 : vector<16xf32>
    %mul3A_1378 = arith.mulf %sub3A_1374, %sub3A_1374 : vector<16xf32>
    %add3A_1379 = arith.addf %add3A_1377, %mul3A_1378 : vector<16xf32>
    %lt3A_1380 = arith.cmpf olt, %add3A_1379, %select_n3A_1347 : vector<16xf32>
    %select_n3A_1381 = arith.select %lt3A_1380, %add3A_1379, %select_n3A_1347 : vector<16xi1>, vector<16xf32>
    %broadcast_in_dim3A_1382 = arith.constant 38 : i32
    %broadcast_in_dim3A_1383 = vector.broadcast %broadcast_in_dim3A_1382 : i32 to vector<16xi32>
    %select_n3A_1384 = arith.select %lt3A_1380, %broadcast_in_dim3A_1383, %select_n3A_1350 : vector<16xi1>, vector<16xi32>
    %get3A_1385 = arith.constant 0 : i32
    %get3A_1386 = arith.constant 39 : i32
    %get3A_1387 = arith.index_cast %get3A_1385 : i32 to index
    %get3A_1388 = arith.index_cast %get3A_1386 : i32 to index
    %get3A_1389 = arith.constant 0 : index
    %get3A_1390 = tpu.vector_load %arg5[%get3A_1387, %get3A_1388, %get3A_1389] {strides = array<i32>} : memref<3x64x16xf32, #tpu.memory_space<vmem>>, vector<1x1x16xf32>,
    %get3A_1391 = vector.shape_cast %get3A_1390 : vector<1x1x16xf32> to vector<16xf32>
    %sub3A_1392 = arith.subf %get3A_45, %get3A_1391 : vector<16xf32>
    %get3A_1393 = arith.constant 1 : i32
    %get3A_1394 = arith.constant 39 : i32
    %get3A_1395 = arith.index_cast %get3A_1393 : i32 to index
    %get3A_1396 = arith.index_cast %get3A_1394 : i32 to index
    %get3A_1397 = arith.constant 0 : index
    %get3A_1398 = tpu.vector_load %arg5[%get3A_1395, %get3A_1396, %get3A_1397] {strides = array<i32>} : memref<3x64x16xf32, #tpu.memory_space<vmem>>, vector<1x1x16xf32>,
    %get3A_1399 = vector.shape_cast %get3A_1398 : vector<1x1x16xf32> to vector<16xf32>
    %sub3A_1400 = arith.subf %get3A_50, %get3A_1399 : vector<16xf32>
    %get3A_1401 = arith.constant 2 : i32
    %get3A_1402 = arith.constant 39 : i32
    %get3A_1403 = arith.index_cast %get3A_1401 : i32 to index
    %get3A_1404 = arith.index_cast %get3A_1402 : i32 to index
    %get3A_1405 = arith.constant 0 : index
    %get3A_1406 = tpu.vector_load %arg5[%get3A_1403, %get3A_1404, %get3A_1405] {strides = array<i32>} : memref<3x64x16xf32, #tpu.memory_space<vmem>>, vector<1x1x16xf32>,
    %get3A_1407 = vector.shape_cast %get3A_1406 : vector<1x1x16xf32> to vector<16xf32>
    %sub3A_1408 = arith.subf %get3A_55, %get3A_1407 : vector<16xf32>
    %mul3A_1409 = arith.mulf %sub3A_1392, %sub3A_1392 : vector<16xf32>
    %mul3A_1410 = arith.mulf %sub3A_1400, %sub3A_1400 : vector<16xf32>
    %add3A_1411 = arith.addf %mul3A_1409, %mul3A_1410 : vector<16xf32>
    %mul3A_1412 = arith.mulf %sub3A_1408, %sub3A_1408 : vector<16xf32>
    %add3A_1413 = arith.addf %add3A_1411, %mul3A_1412 : vector<16xf32>
    %lt3A_1414 = arith.cmpf olt, %add3A_1413, %select_n3A_1381 : vector<16xf32>
    %select_n3A_1415 = arith.select %lt3A_1414, %add3A_1413, %select_n3A_1381 : vector<16xi1>, vector<16xf32>
    %broadcast_in_dim3A_1416 = arith.constant 39 : i32
    %broadcast_in_dim3A_1417 = vector.broadcast %broadcast_in_dim3A_1416 : i32 to vector<16xi32>
    %select_n3A_1418 = arith.select %lt3A_1414, %broadcast_in_dim3A_1417, %select_n3A_1384 : vector<16xi1>, vector<16xi32>
    %get3A_1419 = arith.constant 0 : i32
    %get3A_1420 = arith.constant 40 : i32
    %get3A_1421 = arith.index_cast %get3A_1419 : i32 to index
    %get3A_1422 = arith.index_cast %get3A_1420 : i32 to index
    %get3A_1423 = arith.constant 0 : index
    %get3A_1424 = tpu.vector_load %arg5[%get3A_1421, %get3A_1422, %get3A_1423] {strides = array<i32>} : memref<3x64x16xf32, #tpu.memory_space<vmem>>, vector<1x1x16xf32>,
    %get3A_1425 = vector.shape_cast %get3A_1424 : vector<1x1x16xf32> to vector<16xf32>
    %sub3A_1426 = arith.subf %get3A_45, %get3A_1425 : vector<16xf32>
    %get3A_1427 = arith.constant 1 : i32
    %get3A_1428 = arith.constant 40 : i32
    %get3A_1429 = arith.index_cast %get3A_1427 : i32 to index
    %get3A_1430 = arith.index_cast %get3A_1428 : i32 to index
    %get3A_1431 = arith.constant 0 : index
    %get3A_1432 = tpu.vector_load %arg5[%get3A_1429, %get3A_1430, %get3A_1431] {strides = array<i32>} : memref<3x64x16xf32, #tpu.memory_space<vmem>>, vector<1x1x16xf32>,
    %get3A_1433 = vector.shape_cast %get3A_1432 : vector<1x1x16xf32> to vector<16xf32>
    %sub3A_1434 = arith.subf %get3A_50, %get3A_1433 : vector<16xf32>
    %get3A_1435 = arith.constant 2 : i32
    %get3A_1436 = arith.constant 40 : i32
    %get3A_1437 = arith.index_cast %get3A_1435 : i32 to index
    %get3A_1438 = arith.index_cast %get3A_1436 : i32 to index
    %get3A_1439 = arith.constant 0 : index
    %get3A_1440 = tpu.vector_load %arg5[%get3A_1437, %get3A_1438, %get3A_1439] {strides = array<i32>} : memref<3x64x16xf32, #tpu.memory_space<vmem>>, vector<1x1x16xf32>,
    %get3A_1441 = vector.shape_cast %get3A_1440 : vector<1x1x16xf32> to vector<16xf32>
    %sub3A_1442 = arith.subf %get3A_55, %get3A_1441 : vector<16xf32>
    %mul3A_1443 = arith.mulf %sub3A_1426, %sub3A_1426 : vector<16xf32>
    %mul3A_1444 = arith.mulf %sub3A_1434, %sub3A_1434 : vector<16xf32>
    %add3A_1445 = arith.addf %mul3A_1443, %mul3A_1444 : vector<16xf32>
    %mul3A_1446 = arith.mulf %sub3A_1442, %sub3A_1442 : vector<16xf32>
    %add3A_1447 = arith.addf %add3A_1445, %mul3A_1446 : vector<16xf32>
    %lt3A_1448 = arith.cmpf olt, %add3A_1447, %select_n3A_1415 : vector<16xf32>
    %select_n3A_1449 = arith.select %lt3A_1448, %add3A_1447, %select_n3A_1415 : vector<16xi1>, vector<16xf32>
    %broadcast_in_dim3A_1450 = arith.constant 40 : i32
    %broadcast_in_dim3A_1451 = vector.broadcast %broadcast_in_dim3A_1450 : i32 to vector<16xi32>
    %select_n3A_1452 = arith.select %lt3A_1448, %broadcast_in_dim3A_1451, %select_n3A_1418 : vector<16xi1>, vector<16xi32>
    %get3A_1453 = arith.constant 0 : i32
    %get3A_1454 = arith.constant 41 : i32
    %get3A_1455 = arith.index_cast %get3A_1453 : i32 to index
    %get3A_1456 = arith.index_cast %get3A_1454 : i32 to index
    %get3A_1457 = arith.constant 0 : index
    %get3A_1458 = tpu.vector_load %arg5[%get3A_1455, %get3A_1456, %get3A_1457] {strides = array<i32>} : memref<3x64x16xf32, #tpu.memory_space<vmem>>, vector<1x1x16xf32>,
    %get3A_1459 = vector.shape_cast %get3A_1458 : vector<1x1x16xf32> to vector<16xf32>
    %sub3A_1460 = arith.subf %get3A_45, %get3A_1459 : vector<16xf32>
    %get3A_1461 = arith.constant 1 : i32
    %get3A_1462 = arith.constant 41 : i32
    %get3A_1463 = arith.index_cast %get3A_1461 : i32 to index
    %get3A_1464 = arith.index_cast %get3A_1462 : i32 to index
    %get3A_1465 = arith.constant 0 : index
    %get3A_1466 = tpu.vector_load %arg5[%get3A_1463, %get3A_1464, %get3A_1465] {strides = array<i32>} : memref<3x64x16xf32, #tpu.memory_space<vmem>>, vector<1x1x16xf32>,
    %get3A_1467 = vector.shape_cast %get3A_1466 : vector<1x1x16xf32> to vector<16xf32>
    %sub3A_1468 = arith.subf %get3A_50, %get3A_1467 : vector<16xf32>
    %get3A_1469 = arith.constant 2 : i32
    %get3A_1470 = arith.constant 41 : i32
    %get3A_1471 = arith.index_cast %get3A_1469 : i32 to index
    %get3A_1472 = arith.index_cast %get3A_1470 : i32 to index
    %get3A_1473 = arith.constant 0 : index
    %get3A_1474 = tpu.vector_load %arg5[%get3A_1471, %get3A_1472, %get3A_1473] {strides = array<i32>} : memref<3x64x16xf32, #tpu.memory_space<vmem>>, vector<1x1x16xf32>,
    %get3A_1475 = vector.shape_cast %get3A_1474 : vector<1x1x16xf32> to vector<16xf32>
    %sub3A_1476 = arith.subf %get3A_55, %get3A_1475 : vector<16xf32>
    %mul3A_1477 = arith.mulf %sub3A_1460, %sub3A_1460 : vector<16xf32>
    %mul3A_1478 = arith.mulf %sub3A_1468, %sub3A_1468 : vector<16xf32>
    %add3A_1479 = arith.addf %mul3A_1477, %mul3A_1478 : vector<16xf32>
    %mul3A_1480 = arith.mulf %sub3A_1476, %sub3A_1476 : vector<16xf32>
    %add3A_1481 = arith.addf %add3A_1479, %mul3A_1480 : vector<16xf32>
    %lt3A_1482 = arith.cmpf olt, %add3A_1481, %select_n3A_1449 : vector<16xf32>
    %select_n3A_1483 = arith.select %lt3A_1482, %add3A_1481, %select_n3A_1449 : vector<16xi1>, vector<16xf32>
    %broadcast_in_dim3A_1484 = arith.constant 41 : i32
    %broadcast_in_dim3A_1485 = vector.broadcast %broadcast_in_dim3A_1484 : i32 to vector<16xi32>
    %select_n3A_1486 = arith.select %lt3A_1482, %broadcast_in_dim3A_1485, %select_n3A_1452 : vector<16xi1>, vector<16xi32>
    %get3A_1487 = arith.constant 0 : i32
    %get3A_1488 = arith.constant 42 : i32
    %get3A_1489 = arith.index_cast %get3A_1487 : i32 to index
    %get3A_1490 = arith.index_cast %get3A_1488 : i32 to index
    %get3A_1491 = arith.constant 0 : index
    %get3A_1492 = tpu.vector_load %arg5[%get3A_1489, %get3A_1490, %get3A_1491] {strides = array<i32>} : memref<3x64x16xf32, #tpu.memory_space<vmem>>, vector<1x1x16xf32>,
    %get3A_1493 = vector.shape_cast %get3A_1492 : vector<1x1x16xf32> to vector<16xf32>
    %sub3A_1494 = arith.subf %get3A_45, %get3A_1493 : vector<16xf32>
    %get3A_1495 = arith.constant 1 : i32
    %get3A_1496 = arith.constant 42 : i32
    %get3A_1497 = arith.index_cast %get3A_1495 : i32 to index
    %get3A_1498 = arith.index_cast %get3A_1496 : i32 to index
    %get3A_1499 = arith.constant 0 : index
    %get3A_1500 = tpu.vector_load %arg5[%get3A_1497, %get3A_1498, %get3A_1499] {strides = array<i32>} : memref<3x64x16xf32, #tpu.memory_space<vmem>>, vector<1x1x16xf32>,
    %get3A_1501 = vector.shape_cast %get3A_1500 : vector<1x1x16xf32> to vector<16xf32>
    %sub3A_1502 = arith.subf %get3A_50, %get3A_1501 : vector<16xf32>
    %get3A_1503 = arith.constant 2 : i32
    %get3A_1504 = arith.constant 42 : i32
    %get3A_1505 = arith.index_cast %get3A_1503 : i32 to index
    %get3A_1506 = arith.index_cast %get3A_1504 : i32 to index
    %get3A_1507 = arith.constant 0 : index
    %get3A_1508 = tpu.vector_load %arg5[%get3A_1505, %get3A_1506, %get3A_1507] {strides = array<i32>} : memref<3x64x16xf32, #tpu.memory_space<vmem>>, vector<1x1x16xf32>,
    %get3A_1509 = vector.shape_cast %get3A_1508 : vector<1x1x16xf32> to vector<16xf32>
    %sub3A_1510 = arith.subf %get3A_55, %get3A_1509 : vector<16xf32>
    %mul3A_1511 = arith.mulf %sub3A_1494, %sub3A_1494 : vector<16xf32>
    %mul3A_1512 = arith.mulf %sub3A_1502, %sub3A_1502 : vector<16xf32>
    %add3A_1513 = arith.addf %mul3A_1511, %mul3A_1512 : vector<16xf32>
    %mul3A_1514 = arith.mulf %sub3A_1510, %sub3A_1510 : vector<16xf32>
    %add3A_1515 = arith.addf %add3A_1513, %mul3A_1514 : vector<16xf32>
    %lt3A_1516 = arith.cmpf olt, %add3A_1515, %select_n3A_1483 : vector<16xf32>
    %select_n3A_1517 = arith.select %lt3A_1516, %add3A_1515, %select_n3A_1483 : vector<16xi1>, vector<16xf32>
    %broadcast_in_dim3A_1518 = arith.constant 42 : i32
    %broadcast_in_dim3A_1519 = vector.broadcast %broadcast_in_dim3A_1518 : i32 to vector<16xi32>
    %select_n3A_1520 = arith.select %lt3A_1516, %broadcast_in_dim3A_1519, %select_n3A_1486 : vector<16xi1>, vector<16xi32>
    %get3A_1521 = arith.constant 0 : i32
    %get3A_1522 = arith.constant 43 : i32
    %get3A_1523 = arith.index_cast %get3A_1521 : i32 to index
    %get3A_1524 = arith.index_cast %get3A_1522 : i32 to index
    %get3A_1525 = arith.constant 0 : index
    %get3A_1526 = tpu.vector_load %arg5[%get3A_1523, %get3A_1524, %get3A_1525] {strides = array<i32>} : memref<3x64x16xf32, #tpu.memory_space<vmem>>, vector<1x1x16xf32>,
    %get3A_1527 = vector.shape_cast %get3A_1526 : vector<1x1x16xf32> to vector<16xf32>
    %sub3A_1528 = arith.subf %get3A_45, %get3A_1527 : vector<16xf32>
    %get3A_1529 = arith.constant 1 : i32
    %get3A_1530 = arith.constant 43 : i32
    %get3A_1531 = arith.index_cast %get3A_1529 : i32 to index
    %get3A_1532 = arith.index_cast %get3A_1530 : i32 to index
    %get3A_1533 = arith.constant 0 : index
    %get3A_1534 = tpu.vector_load %arg5[%get3A_1531, %get3A_1532, %get3A_1533] {strides = array<i32>} : memref<3x64x16xf32, #tpu.memory_space<vmem>>, vector<1x1x16xf32>,
    %get3A_1535 = vector.shape_cast %get3A_1534 : vector<1x1x16xf32> to vector<16xf32>
    %sub3A_1536 = arith.subf %get3A_50, %get3A_1535 : vector<16xf32>
    %get3A_1537 = arith.constant 2 : i32
    %get3A_1538 = arith.constant 43 : i32
    %get3A_1539 = arith.index_cast %get3A_1537 : i32 to index
    %get3A_1540 = arith.index_cast %get3A_1538 : i32 to index
    %get3A_1541 = arith.constant 0 : index
    %get3A_1542 = tpu.vector_load %arg5[%get3A_1539, %get3A_1540, %get3A_1541] {strides = array<i32>} : memref<3x64x16xf32, #tpu.memory_space<vmem>>, vector<1x1x16xf32>,
    %get3A_1543 = vector.shape_cast %get3A_1542 : vector<1x1x16xf32> to vector<16xf32>
    %sub3A_1544 = arith.subf %get3A_55, %get3A_1543 : vector<16xf32>
    %mul3A_1545 = arith.mulf %sub3A_1528, %sub3A_1528 : vector<16xf32>
    %mul3A_1546 = arith.mulf %sub3A_1536, %sub3A_1536 : vector<16xf32>
    %add3A_1547 = arith.addf %mul3A_1545, %mul3A_1546 : vector<16xf32>
    %mul3A_1548 = arith.mulf %sub3A_1544, %sub3A_1544 : vector<16xf32>
    %add3A_1549 = arith.addf %add3A_1547, %mul3A_1548 : vector<16xf32>
    %lt3A_1550 = arith.cmpf olt, %add3A_1549, %select_n3A_1517 : vector<16xf32>
    %select_n3A_1551 = arith.select %lt3A_1550, %add3A_1549, %select_n3A_1517 : vector<16xi1>, vector<16xf32>
    %broadcast_in_dim3A_1552 = arith.constant 43 : i32
    %broadcast_in_dim3A_1553 = vector.broadcast %broadcast_in_dim3A_1552 : i32 to vector<16xi32>
    %select_n3A_1554 = arith.select %lt3A_1550, %broadcast_in_dim3A_1553, %select_n3A_1520 : vector<16xi1>, vector<16xi32>
    %get3A_1555 = arith.constant 0 : i32
    %get3A_1556 = arith.constant 44 : i32
    %get3A_1557 = arith.index_cast %get3A_1555 : i32 to index
    %get3A_1558 = arith.index_cast %get3A_1556 : i32 to index
    %get3A_1559 = arith.constant 0 : index
    %get3A_1560 = tpu.vector_load %arg5[%get3A_1557, %get3A_1558, %get3A_1559] {strides = array<i32>} : memref<3x64x16xf32, #tpu.memory_space<vmem>>, vector<1x1x16xf32>,
    %get3A_1561 = vector.shape_cast %get3A_1560 : vector<1x1x16xf32> to vector<16xf32>
    %sub3A_1562 = arith.subf %get3A_45, %get3A_1561 : vector<16xf32>
    %get3A_1563 = arith.constant 1 : i32
    %get3A_1564 = arith.constant 44 : i32
    %get3A_1565 = arith.index_cast %get3A_1563 : i32 to index
    %get3A_1566 = arith.index_cast %get3A_1564 : i32 to index
    %get3A_1567 = arith.constant 0 : index
    %get3A_1568 = tpu.vector_load %arg5[%get3A_1565, %get3A_1566, %get3A_1567] {strides = array<i32>} : memref<3x64x16xf32, #tpu.memory_space<vmem>>, vector<1x1x16xf32>,
    %get3A_1569 = vector.shape_cast %get3A_1568 : vector<1x1x16xf32> to vector<16xf32>
    %sub3A_1570 = arith.subf %get3A_50, %get3A_1569 : vector<16xf32>
    %get3A_1571 = arith.constant 2 : i32
    %get3A_1572 = arith.constant 44 : i32
    %get3A_1573 = arith.index_cast %get3A_1571 : i32 to index
    %get3A_1574 = arith.index_cast %get3A_1572 : i32 to index
    %get3A_1575 = arith.constant 0 : index
    %get3A_1576 = tpu.vector_load %arg5[%get3A_1573, %get3A_1574, %get3A_1575] {strides = array<i32>} : memref<3x64x16xf32, #tpu.memory_space<vmem>>, vector<1x1x16xf32>,
    %get3A_1577 = vector.shape_cast %get3A_1576 : vector<1x1x16xf32> to vector<16xf32>
    %sub3A_1578 = arith.subf %get3A_55, %get3A_1577 : vector<16xf32>
    %mul3A_1579 = arith.mulf %sub3A_1562, %sub3A_1562 : vector<16xf32>
    %mul3A_1580 = arith.mulf %sub3A_1570, %sub3A_1570 : vector<16xf32>
    %add3A_1581 = arith.addf %mul3A_1579, %mul3A_1580 : vector<16xf32>
    %mul3A_1582 = arith.mulf %sub3A_1578, %sub3A_1578 : vector<16xf32>
    %add3A_1583 = arith.addf %add3A_1581, %mul3A_1582 : vector<16xf32>
    %lt3A_1584 = arith.cmpf olt, %add3A_1583, %select_n3A_1551 : vector<16xf32>
    %select_n3A_1585 = arith.select %lt3A_1584, %add3A_1583, %select_n3A_1551 : vector<16xi1>, vector<16xf32>
    %broadcast_in_dim3A_1586 = arith.constant 44 : i32
    %broadcast_in_dim3A_1587 = vector.broadcast %broadcast_in_dim3A_1586 : i32 to vector<16xi32>
    %select_n3A_1588 = arith.select %lt3A_1584, %broadcast_in_dim3A_1587, %select_n3A_1554 : vector<16xi1>, vector<16xi32>
    %get3A_1589 = arith.constant 0 : i32
    %get3A_1590 = arith.constant 45 : i32
    %get3A_1591 = arith.index_cast %get3A_1589 : i32 to index
    %get3A_1592 = arith.index_cast %get3A_1590 : i32 to index
    %get3A_1593 = arith.constant 0 : index
    %get3A_1594 = tpu.vector_load %arg5[%get3A_1591, %get3A_1592, %get3A_1593] {strides = array<i32>} : memref<3x64x16xf32, #tpu.memory_space<vmem>>, vector<1x1x16xf32>,
    %get3A_1595 = vector.shape_cast %get3A_1594 : vector<1x1x16xf32> to vector<16xf32>
    %sub3A_1596 = arith.subf %get3A_45, %get3A_1595 : vector<16xf32>
    %get3A_1597 = arith.constant 1 : i32
    %get3A_1598 = arith.constant 45 : i32
    %get3A_1599 = arith.index_cast %get3A_1597 : i32 to index
    %get3A_1600 = arith.index_cast %get3A_1598 : i32 to index
    %get3A_1601 = arith.constant 0 : index
    %get3A_1602 = tpu.vector_load %arg5[%get3A_1599, %get3A_1600, %get3A_1601] {strides = array<i32>} : memref<3x64x16xf32, #tpu.memory_space<vmem>>, vector<1x1x16xf32>,
    %get3A_1603 = vector.shape_cast %get3A_1602 : vector<1x1x16xf32> to vector<16xf32>
    %sub3A_1604 = arith.subf %get3A_50, %get3A_1603 : vector<16xf32>
    %get3A_1605 = arith.constant 2 : i32
    %get3A_1606 = arith.constant 45 : i32
    %get3A_1607 = arith.index_cast %get3A_1605 : i32 to index
    %get3A_1608 = arith.index_cast %get3A_1606 : i32 to index
    %get3A_1609 = arith.constant 0 : index
    %get3A_1610 = tpu.vector_load %arg5[%get3A_1607, %get3A_1608, %get3A_1609] {strides = array<i32>} : memref<3x64x16xf32, #tpu.memory_space<vmem>>, vector<1x1x16xf32>,
    %get3A_1611 = vector.shape_cast %get3A_1610 : vector<1x1x16xf32> to vector<16xf32>
    %sub3A_1612 = arith.subf %get3A_55, %get3A_1611 : vector<16xf32>
    %mul3A_1613 = arith.mulf %sub3A_1596, %sub3A_1596 : vector<16xf32>
    %mul3A_1614 = arith.mulf %sub3A_1604, %sub3A_1604 : vector<16xf32>
    %add3A_1615 = arith.addf %mul3A_1613, %mul3A_1614 : vector<16xf32>
    %mul3A_1616 = arith.mulf %sub3A_1612, %sub3A_1612 : vector<16xf32>
    %add3A_1617 = arith.addf %add3A_1615, %mul3A_1616 : vector<16xf32>
    %lt3A_1618 = arith.cmpf olt, %add3A_1617, %select_n3A_1585 : vector<16xf32>
    %select_n3A_1619 = arith.select %lt3A_1618, %add3A_1617, %select_n3A_1585 : vector<16xi1>, vector<16xf32>
    %broadcast_in_dim3A_1620 = arith.constant 45 : i32
    %broadcast_in_dim3A_1621 = vector.broadcast %broadcast_in_dim3A_1620 : i32 to vector<16xi32>
    %select_n3A_1622 = arith.select %lt3A_1618, %broadcast_in_dim3A_1621, %select_n3A_1588 : vector<16xi1>, vector<16xi32>
    %get3A_1623 = arith.constant 0 : i32
    %get3A_1624 = arith.constant 46 : i32
    %get3A_1625 = arith.index_cast %get3A_1623 : i32 to index
    %get3A_1626 = arith.index_cast %get3A_1624 : i32 to index
    %get3A_1627 = arith.constant 0 : index
    %get3A_1628 = tpu.vector_load %arg5[%get3A_1625, %get3A_1626, %get3A_1627] {strides = array<i32>} : memref<3x64x16xf32, #tpu.memory_space<vmem>>, vector<1x1x16xf32>,
    %get3A_1629 = vector.shape_cast %get3A_1628 : vector<1x1x16xf32> to vector<16xf32>
    %sub3A_1630 = arith.subf %get3A_45, %get3A_1629 : vector<16xf32>
    %get3A_1631 = arith.constant 1 : i32
    %get3A_1632 = arith.constant 46 : i32
    %get3A_1633 = arith.index_cast %get3A_1631 : i32 to index
    %get3A_1634 = arith.index_cast %get3A_1632 : i32 to index
    %get3A_1635 = arith.constant 0 : index
    %get3A_1636 = tpu.vector_load %arg5[%get3A_1633, %get3A_1634, %get3A_1635] {strides = array<i32>} : memref<3x64x16xf32, #tpu.memory_space<vmem>>, vector<1x1x16xf32>,
    %get3A_1637 = vector.shape_cast %get3A_1636 : vector<1x1x16xf32> to vector<16xf32>
    %sub3A_1638 = arith.subf %get3A_50, %get3A_1637 : vector<16xf32>
    %get3A_1639 = arith.constant 2 : i32
    %get3A_1640 = arith.constant 46 : i32
    %get3A_1641 = arith.index_cast %get3A_1639 : i32 to index
    %get3A_1642 = arith.index_cast %get3A_1640 : i32 to index
    %get3A_1643 = arith.constant 0 : index
    %get3A_1644 = tpu.vector_load %arg5[%get3A_1641, %get3A_1642, %get3A_1643] {strides = array<i32>} : memref<3x64x16xf32, #tpu.memory_space<vmem>>, vector<1x1x16xf32>,
    %get3A_1645 = vector.shape_cast %get3A_1644 : vector<1x1x16xf32> to vector<16xf32>
    %sub3A_1646 = arith.subf %get3A_55, %get3A_1645 : vector<16xf32>
    %mul3A_1647 = arith.mulf %sub3A_1630, %sub3A_1630 : vector<16xf32>
    %mul3A_1648 = arith.mulf %sub3A_1638, %sub3A_1638 : vector<16xf32>
    %add3A_1649 = arith.addf %mul3A_1647, %mul3A_1648 : vector<16xf32>
    %mul3A_1650 = arith.mulf %sub3A_1646, %sub3A_1646 : vector<16xf32>
    %add3A_1651 = arith.addf %add3A_1649, %mul3A_1650 : vector<16xf32>
    %lt3A_1652 = arith.cmpf olt, %add3A_1651, %select_n3A_1619 : vector<16xf32>
    %select_n3A_1653 = arith.select %lt3A_1652, %add3A_1651, %select_n3A_1619 : vector<16xi1>, vector<16xf32>
    %broadcast_in_dim3A_1654 = arith.constant 46 : i32
    %broadcast_in_dim3A_1655 = vector.broadcast %broadcast_in_dim3A_1654 : i32 to vector<16xi32>
    %select_n3A_1656 = arith.select %lt3A_1652, %broadcast_in_dim3A_1655, %select_n3A_1622 : vector<16xi1>, vector<16xi32>
    %get3A_1657 = arith.constant 0 : i32
    %get3A_1658 = arith.constant 47 : i32
    %get3A_1659 = arith.index_cast %get3A_1657 : i32 to index
    %get3A_1660 = arith.index_cast %get3A_1658 : i32 to index
    %get3A_1661 = arith.constant 0 : index
    %get3A_1662 = tpu.vector_load %arg5[%get3A_1659, %get3A_1660, %get3A_1661] {strides = array<i32>} : memref<3x64x16xf32, #tpu.memory_space<vmem>>, vector<1x1x16xf32>,
    %get3A_1663 = vector.shape_cast %get3A_1662 : vector<1x1x16xf32> to vector<16xf32>
    %sub3A_1664 = arith.subf %get3A_45, %get3A_1663 : vector<16xf32>
    %get3A_1665 = arith.constant 1 : i32
    %get3A_1666 = arith.constant 47 : i32
    %get3A_1667 = arith.index_cast %get3A_1665 : i32 to index
    %get3A_1668 = arith.index_cast %get3A_1666 : i32 to index
    %get3A_1669 = arith.constant 0 : index
    %get3A_1670 = tpu.vector_load %arg5[%get3A_1667, %get3A_1668, %get3A_1669] {strides = array<i32>} : memref<3x64x16xf32, #tpu.memory_space<vmem>>, vector<1x1x16xf32>,
    %get3A_1671 = vector.shape_cast %get3A_1670 : vector<1x1x16xf32> to vector<16xf32>
    %sub3A_1672 = arith.subf %get3A_50, %get3A_1671 : vector<16xf32>
    %get3A_1673 = arith.constant 2 : i32
    %get3A_1674 = arith.constant 47 : i32
    %get3A_1675 = arith.index_cast %get3A_1673 : i32 to index
    %get3A_1676 = arith.index_cast %get3A_1674 : i32 to index
    %get3A_1677 = arith.constant 0 : index
    %get3A_1678 = tpu.vector_load %arg5[%get3A_1675, %get3A_1676, %get3A_1677] {strides = array<i32>} : memref<3x64x16xf32, #tpu.memory_space<vmem>>, vector<1x1x16xf32>,
    %get3A_1679 = vector.shape_cast %get3A_1678 : vector<1x1x16xf32> to vector<16xf32>
    %sub3A_1680 = arith.subf %get3A_55, %get3A_1679 : vector<16xf32>
    %mul3A_1681 = arith.mulf %sub3A_1664, %sub3A_1664 : vector<16xf32>
    %mul3A_1682 = arith.mulf %sub3A_1672, %sub3A_1672 : vector<16xf32>
    %add3A_1683 = arith.addf %mul3A_1681, %mul3A_1682 : vector<16xf32>
    %mul3A_1684 = arith.mulf %sub3A_1680, %sub3A_1680 : vector<16xf32>
    %add3A_1685 = arith.addf %add3A_1683, %mul3A_1684 : vector<16xf32>
    %lt3A_1686 = arith.cmpf olt, %add3A_1685, %select_n3A_1653 : vector<16xf32>
    %select_n3A_1687 = arith.select %lt3A_1686, %add3A_1685, %select_n3A_1653 : vector<16xi1>, vector<16xf32>
    %broadcast_in_dim3A_1688 = arith.constant 47 : i32
    %broadcast_in_dim3A_1689 = vector.broadcast %broadcast_in_dim3A_1688 : i32 to vector<16xi32>
    %select_n3A_1690 = arith.select %lt3A_1686, %broadcast_in_dim3A_1689, %select_n3A_1656 : vector<16xi1>, vector<16xi32>
    %get3A_1691 = arith.constant 0 : i32
    %get3A_1692 = arith.constant 48 : i32
    %get3A_1693 = arith.index_cast %get3A_1691 : i32 to index
    %get3A_1694 = arith.index_cast %get3A_1692 : i32 to index
    %get3A_1695 = arith.constant 0 : index
    %get3A_1696 = tpu.vector_load %arg5[%get3A_1693, %get3A_1694, %get3A_1695] {strides = array<i32>} : memref<3x64x16xf32, #tpu.memory_space<vmem>>, vector<1x1x16xf32>,
    %get3A_1697 = vector.shape_cast %get3A_1696 : vector<1x1x16xf32> to vector<16xf32>
    %sub3A_1698 = arith.subf %get3A_45, %get3A_1697 : vector<16xf32>
    %get3A_1699 = arith.constant 1 : i32
    %get3A_1700 = arith.constant 48 : i32
    %get3A_1701 = arith.index_cast %get3A_1699 : i32 to index
    %get3A_1702 = arith.index_cast %get3A_1700 : i32 to index
    %get3A_1703 = arith.constant 0 : index
    %get3A_1704 = tpu.vector_load %arg5[%get3A_1701, %get3A_1702, %get3A_1703] {strides = array<i32>} : memref<3x64x16xf32, #tpu.memory_space<vmem>>, vector<1x1x16xf32>,
    %get3A_1705 = vector.shape_cast %get3A_1704 : vector<1x1x16xf32> to vector<16xf32>
    %sub3A_1706 = arith.subf %get3A_50, %get3A_1705 : vector<16xf32>
    %get3A_1707 = arith.constant 2 : i32
    %get3A_1708 = arith.constant 48 : i32
    %get3A_1709 = arith.index_cast %get3A_1707 : i32 to index
    %get3A_1710 = arith.index_cast %get3A_1708 : i32 to index
    %get3A_1711 = arith.constant 0 : index
    %get3A_1712 = tpu.vector_load %arg5[%get3A_1709, %get3A_1710, %get3A_1711] {strides = array<i32>} : memref<3x64x16xf32, #tpu.memory_space<vmem>>, vector<1x1x16xf32>,
    %get3A_1713 = vector.shape_cast %get3A_1712 : vector<1x1x16xf32> to vector<16xf32>
    %sub3A_1714 = arith.subf %get3A_55, %get3A_1713 : vector<16xf32>
    %mul3A_1715 = arith.mulf %sub3A_1698, %sub3A_1698 : vector<16xf32>
    %mul3A_1716 = arith.mulf %sub3A_1706, %sub3A_1706 : vector<16xf32>
    %add3A_1717 = arith.addf %mul3A_1715, %mul3A_1716 : vector<16xf32>
    %mul3A_1718 = arith.mulf %sub3A_1714, %sub3A_1714 : vector<16xf32>
    %add3A_1719 = arith.addf %add3A_1717, %mul3A_1718 : vector<16xf32>
    %lt3A_1720 = arith.cmpf olt, %add3A_1719, %select_n3A_1687 : vector<16xf32>
    %select_n3A_1721 = arith.select %lt3A_1720, %add3A_1719, %select_n3A_1687 : vector<16xi1>, vector<16xf32>
    %broadcast_in_dim3A_1722 = arith.constant 48 : i32
    %broadcast_in_dim3A_1723 = vector.broadcast %broadcast_in_dim3A_1722 : i32 to vector<16xi32>
    %select_n3A_1724 = arith.select %lt3A_1720, %broadcast_in_dim3A_1723, %select_n3A_1690 : vector<16xi1>, vector<16xi32>
    %get3A_1725 = arith.constant 0 : i32
    %get3A_1726 = arith.constant 49 : i32
    %get3A_1727 = arith.index_cast %get3A_1725 : i32 to index
    %get3A_1728 = arith.index_cast %get3A_1726 : i32 to index
    %get3A_1729 = arith.constant 0 : index
    %get3A_1730 = tpu.vector_load %arg5[%get3A_1727, %get3A_1728, %get3A_1729] {strides = array<i32>} : memref<3x64x16xf32, #tpu.memory_space<vmem>>, vector<1x1x16xf32>,
    %get3A_1731 = vector.shape_cast %get3A_1730 : vector<1x1x16xf32> to vector<16xf32>
    %sub3A_1732 = arith.subf %get3A_45, %get3A_1731 : vector<16xf32>
    %get3A_1733 = arith.constant 1 : i32
    %get3A_1734 = arith.constant 49 : i32
    %get3A_1735 = arith.index_cast %get3A_1733 : i32 to index
    %get3A_1736 = arith.index_cast %get3A_1734 : i32 to index
    %get3A_1737 = arith.constant 0 : index
    %get3A_1738 = tpu.vector_load %arg5[%get3A_1735, %get3A_1736, %get3A_1737] {strides = array<i32>} : memref<3x64x16xf32, #tpu.memory_space<vmem>>, vector<1x1x16xf32>,
    %get3A_1739 = vector.shape_cast %get3A_1738 : vector<1x1x16xf32> to vector<16xf32>
    %sub3A_1740 = arith.subf %get3A_50, %get3A_1739 : vector<16xf32>
    %get3A_1741 = arith.constant 2 : i32
    %get3A_1742 = arith.constant 49 : i32
    %get3A_1743 = arith.index_cast %get3A_1741 : i32 to index
    %get3A_1744 = arith.index_cast %get3A_1742 : i32 to index
    %get3A_1745 = arith.constant 0 : index
    %get3A_1746 = tpu.vector_load %arg5[%get3A_1743, %get3A_1744, %get3A_1745] {strides = array<i32>} : memref<3x64x16xf32, #tpu.memory_space<vmem>>, vector<1x1x16xf32>,
    %get3A_1747 = vector.shape_cast %get3A_1746 : vector<1x1x16xf32> to vector<16xf32>
    %sub3A_1748 = arith.subf %get3A_55, %get3A_1747 : vector<16xf32>
    %mul3A_1749 = arith.mulf %sub3A_1732, %sub3A_1732 : vector<16xf32>
    %mul3A_1750 = arith.mulf %sub3A_1740, %sub3A_1740 : vector<16xf32>
    %add3A_1751 = arith.addf %mul3A_1749, %mul3A_1750 : vector<16xf32>
    %mul3A_1752 = arith.mulf %sub3A_1748, %sub3A_1748 : vector<16xf32>
    %add3A_1753 = arith.addf %add3A_1751, %mul3A_1752 : vector<16xf32>
    %lt3A_1754 = arith.cmpf olt, %add3A_1753, %select_n3A_1721 : vector<16xf32>
    %select_n3A_1755 = arith.select %lt3A_1754, %add3A_1753, %select_n3A_1721 : vector<16xi1>, vector<16xf32>
    %broadcast_in_dim3A_1756 = arith.constant 49 : i32
    %broadcast_in_dim3A_1757 = vector.broadcast %broadcast_in_dim3A_1756 : i32 to vector<16xi32>
    %select_n3A_1758 = arith.select %lt3A_1754, %broadcast_in_dim3A_1757, %select_n3A_1724 : vector<16xi1>, vector<16xi32>
    %get3A_1759 = arith.constant 0 : i32
    %get3A_1760 = arith.constant 50 : i32
    %get3A_1761 = arith.index_cast %get3A_1759 : i32 to index
    %get3A_1762 = arith.index_cast %get3A_1760 : i32 to index
    %get3A_1763 = arith.constant 0 : index
    %get3A_1764 = tpu.vector_load %arg5[%get3A_1761, %get3A_1762, %get3A_1763] {strides = array<i32>} : memref<3x64x16xf32, #tpu.memory_space<vmem>>, vector<1x1x16xf32>,
    %get3A_1765 = vector.shape_cast %get3A_1764 : vector<1x1x16xf32> to vector<16xf32>
    %sub3A_1766 = arith.subf %get3A_45, %get3A_1765 : vector<16xf32>
    %get3A_1767 = arith.constant 1 : i32
    %get3A_1768 = arith.constant 50 : i32
    %get3A_1769 = arith.index_cast %get3A_1767 : i32 to index
    %get3A_1770 = arith.index_cast %get3A_1768 : i32 to index
    %get3A_1771 = arith.constant 0 : index
    %get3A_1772 = tpu.vector_load %arg5[%get3A_1769, %get3A_1770, %get3A_1771] {strides = array<i32>} : memref<3x64x16xf32, #tpu.memory_space<vmem>>, vector<1x1x16xf32>,
    %get3A_1773 = vector.shape_cast %get3A_1772 : vector<1x1x16xf32> to vector<16xf32>
    %sub3A_1774 = arith.subf %get3A_50, %get3A_1773 : vector<16xf32>
    %get3A_1775 = arith.constant 2 : i32
    %get3A_1776 = arith.constant 50 : i32
    %get3A_1777 = arith.index_cast %get3A_1775 : i32 to index
    %get3A_1778 = arith.index_cast %get3A_1776 : i32 to index
    %get3A_1779 = arith.constant 0 : index
    %get3A_1780 = tpu.vector_load %arg5[%get3A_1777, %get3A_1778, %get3A_1779] {strides = array<i32>} : memref<3x64x16xf32, #tpu.memory_space<vmem>>, vector<1x1x16xf32>,
    %get3A_1781 = vector.shape_cast %get3A_1780 : vector<1x1x16xf32> to vector<16xf32>
    %sub3A_1782 = arith.subf %get3A_55, %get3A_1781 : vector<16xf32>
    %mul3A_1783 = arith.mulf %sub3A_1766, %sub3A_1766 : vector<16xf32>
    %mul3A_1784 = arith.mulf %sub3A_1774, %sub3A_1774 : vector<16xf32>
    %add3A_1785 = arith.addf %mul3A_1783, %mul3A_1784 : vector<16xf32>
    %mul3A_1786 = arith.mulf %sub3A_1782, %sub3A_1782 : vector<16xf32>
    %add3A_1787 = arith.addf %add3A_1785, %mul3A_1786 : vector<16xf32>
    %lt3A_1788 = arith.cmpf olt, %add3A_1787, %select_n3A_1755 : vector<16xf32>
    %select_n3A_1789 = arith.select %lt3A_1788, %add3A_1787, %select_n3A_1755 : vector<16xi1>, vector<16xf32>
    %broadcast_in_dim3A_1790 = arith.constant 50 : i32
    %broadcast_in_dim3A_1791 = vector.broadcast %broadcast_in_dim3A_1790 : i32 to vector<16xi32>
    %select_n3A_1792 = arith.select %lt3A_1788, %broadcast_in_dim3A_1791, %select_n3A_1758 : vector<16xi1>, vector<16xi32>
    %get3A_1793 = arith.constant 0 : i32
    %get3A_1794 = arith.constant 51 : i32
    %get3A_1795 = arith.index_cast %get3A_1793 : i32 to index
    %get3A_1796 = arith.index_cast %get3A_1794 : i32 to index
    %get3A_1797 = arith.constant 0 : index
    %get3A_1798 = tpu.vector_load %arg5[%get3A_1795, %get3A_1796, %get3A_1797] {strides = array<i32>} : memref<3x64x16xf32, #tpu.memory_space<vmem>>, vector<1x1x16xf32>,
    %get3A_1799 = vector.shape_cast %get3A_1798 : vector<1x1x16xf32> to vector<16xf32>
    %sub3A_1800 = arith.subf %get3A_45, %get3A_1799 : vector<16xf32>
    %get3A_1801 = arith.constant 1 : i32
    %get3A_1802 = arith.constant 51 : i32
    %get3A_1803 = arith.index_cast %get3A_1801 : i32 to index
    %get3A_1804 = arith.index_cast %get3A_1802 : i32 to index
    %get3A_1805 = arith.constant 0 : index
    %get3A_1806 = tpu.vector_load %arg5[%get3A_1803, %get3A_1804, %get3A_1805] {strides = array<i32>} : memref<3x64x16xf32, #tpu.memory_space<vmem>>, vector<1x1x16xf32>,
    %get3A_1807 = vector.shape_cast %get3A_1806 : vector<1x1x16xf32> to vector<16xf32>
    %sub3A_1808 = arith.subf %get3A_50, %get3A_1807 : vector<16xf32>
    %get3A_1809 = arith.constant 2 : i32
    %get3A_1810 = arith.constant 51 : i32
    %get3A_1811 = arith.index_cast %get3A_1809 : i32 to index
    %get3A_1812 = arith.index_cast %get3A_1810 : i32 to index
    %get3A_1813 = arith.constant 0 : index
    %get3A_1814 = tpu.vector_load %arg5[%get3A_1811, %get3A_1812, %get3A_1813] {strides = array<i32>} : memref<3x64x16xf32, #tpu.memory_space<vmem>>, vector<1x1x16xf32>,
    %get3A_1815 = vector.shape_cast %get3A_1814 : vector<1x1x16xf32> to vector<16xf32>
    %sub3A_1816 = arith.subf %get3A_55, %get3A_1815 : vector<16xf32>
    %mul3A_1817 = arith.mulf %sub3A_1800, %sub3A_1800 : vector<16xf32>
    %mul3A_1818 = arith.mulf %sub3A_1808, %sub3A_1808 : vector<16xf32>
    %add3A_1819 = arith.addf %mul3A_1817, %mul3A_1818 : vector<16xf32>
    %mul3A_1820 = arith.mulf %sub3A_1816, %sub3A_1816 : vector<16xf32>
    %add3A_1821 = arith.addf %add3A_1819, %mul3A_1820 : vector<16xf32>
    %lt3A_1822 = arith.cmpf olt, %add3A_1821, %select_n3A_1789 : vector<16xf32>
    %select_n3A_1823 = arith.select %lt3A_1822, %add3A_1821, %select_n3A_1789 : vector<16xi1>, vector<16xf32>
    %broadcast_in_dim3A_1824 = arith.constant 51 : i32
    %broadcast_in_dim3A_1825 = vector.broadcast %broadcast_in_dim3A_1824 : i32 to vector<16xi32>
    %select_n3A_1826 = arith.select %lt3A_1822, %broadcast_in_dim3A_1825, %select_n3A_1792 : vector<16xi1>, vector<16xi32>
    %get3A_1827 = arith.constant 0 : i32
    %get3A_1828 = arith.constant 52 : i32
    %get3A_1829 = arith.index_cast %get3A_1827 : i32 to index
    %get3A_1830 = arith.index_cast %get3A_1828 : i32 to index
    %get3A_1831 = arith.constant 0 : index
    %get3A_1832 = tpu.vector_load %arg5[%get3A_1829, %get3A_1830, %get3A_1831] {strides = array<i32>} : memref<3x64x16xf32, #tpu.memory_space<vmem>>, vector<1x1x16xf32>,
    %get3A_1833 = vector.shape_cast %get3A_1832 : vector<1x1x16xf32> to vector<16xf32>
    %sub3A_1834 = arith.subf %get3A_45, %get3A_1833 : vector<16xf32>
    %get3A_1835 = arith.constant 1 : i32
    %get3A_1836 = arith.constant 52 : i32
    %get3A_1837 = arith.index_cast %get3A_1835 : i32 to index
    %get3A_1838 = arith.index_cast %get3A_1836 : i32 to index
    %get3A_1839 = arith.constant 0 : index
    %get3A_1840 = tpu.vector_load %arg5[%get3A_1837, %get3A_1838, %get3A_1839] {strides = array<i32>} : memref<3x64x16xf32, #tpu.memory_space<vmem>>, vector<1x1x16xf32>,
    %get3A_1841 = vector.shape_cast %get3A_1840 : vector<1x1x16xf32> to vector<16xf32>
    %sub3A_1842 = arith.subf %get3A_50, %get3A_1841 : vector<16xf32>
    %get3A_1843 = arith.constant 2 : i32
    %get3A_1844 = arith.constant 52 : i32
    %get3A_1845 = arith.index_cast %get3A_1843 : i32 to index
    %get3A_1846 = arith.index_cast %get3A_1844 : i32 to index
    %get3A_1847 = arith.constant 0 : index
    %get3A_1848 = tpu.vector_load %arg5[%get3A_1845, %get3A_1846, %get3A_1847] {strides = array<i32>} : memref<3x64x16xf32, #tpu.memory_space<vmem>>, vector<1x1x16xf32>,
    %get3A_1849 = vector.shape_cast %get3A_1848 : vector<1x1x16xf32> to vector<16xf32>
    %sub3A_1850 = arith.subf %get3A_55, %get3A_1849 : vector<16xf32>
    %mul3A_1851 = arith.mulf %sub3A_1834, %sub3A_1834 : vector<16xf32>
    %mul3A_1852 = arith.mulf %sub3A_1842, %sub3A_1842 : vector<16xf32>
    %add3A_1853 = arith.addf %mul3A_1851, %mul3A_1852 : vector<16xf32>
    %mul3A_1854 = arith.mulf %sub3A_1850, %sub3A_1850 : vector<16xf32>
    %add3A_1855 = arith.addf %add3A_1853, %mul3A_1854 : vector<16xf32>
    %lt3A_1856 = arith.cmpf olt, %add3A_1855, %select_n3A_1823 : vector<16xf32>
    %select_n3A_1857 = arith.select %lt3A_1856, %add3A_1855, %select_n3A_1823 : vector<16xi1>, vector<16xf32>
    %broadcast_in_dim3A_1858 = arith.constant 52 : i32
    %broadcast_in_dim3A_1859 = vector.broadcast %broadcast_in_dim3A_1858 : i32 to vector<16xi32>
    %select_n3A_1860 = arith.select %lt3A_1856, %broadcast_in_dim3A_1859, %select_n3A_1826 : vector<16xi1>, vector<16xi32>
    %get3A_1861 = arith.constant 0 : i32
    %get3A_1862 = arith.constant 53 : i32
    %get3A_1863 = arith.index_cast %get3A_1861 : i32 to index
    %get3A_1864 = arith.index_cast %get3A_1862 : i32 to index
    %get3A_1865 = arith.constant 0 : index
    %get3A_1866 = tpu.vector_load %arg5[%get3A_1863, %get3A_1864, %get3A_1865] {strides = array<i32>} : memref<3x64x16xf32, #tpu.memory_space<vmem>>, vector<1x1x16xf32>,
    %get3A_1867 = vector.shape_cast %get3A_1866 : vector<1x1x16xf32> to vector<16xf32>
    %sub3A_1868 = arith.subf %get3A_45, %get3A_1867 : vector<16xf32>
    %get3A_1869 = arith.constant 1 : i32
    %get3A_1870 = arith.constant 53 : i32
    %get3A_1871 = arith.index_cast %get3A_1869 : i32 to index
    %get3A_1872 = arith.index_cast %get3A_1870 : i32 to index
    %get3A_1873 = arith.constant 0 : index
    %get3A_1874 = tpu.vector_load %arg5[%get3A_1871, %get3A_1872, %get3A_1873] {strides = array<i32>} : memref<3x64x16xf32, #tpu.memory_space<vmem>>, vector<1x1x16xf32>,
    %get3A_1875 = vector.shape_cast %get3A_1874 : vector<1x1x16xf32> to vector<16xf32>
    %sub3A_1876 = arith.subf %get3A_50, %get3A_1875 : vector<16xf32>
    %get3A_1877 = arith.constant 2 : i32
    %get3A_1878 = arith.constant 53 : i32
    %get3A_1879 = arith.index_cast %get3A_1877 : i32 to index
    %get3A_1880 = arith.index_cast %get3A_1878 : i32 to index
    %get3A_1881 = arith.constant 0 : index
    %get3A_1882 = tpu.vector_load %arg5[%get3A_1879, %get3A_1880, %get3A_1881] {strides = array<i32>} : memref<3x64x16xf32, #tpu.memory_space<vmem>>, vector<1x1x16xf32>,
    %get3A_1883 = vector.shape_cast %get3A_1882 : vector<1x1x16xf32> to vector<16xf32>
    %sub3A_1884 = arith.subf %get3A_55, %get3A_1883 : vector<16xf32>
    %mul3A_1885 = arith.mulf %sub3A_1868, %sub3A_1868 : vector<16xf32>
    %mul3A_1886 = arith.mulf %sub3A_1876, %sub3A_1876 : vector<16xf32>
    %add3A_1887 = arith.addf %mul3A_1885, %mul3A_1886 : vector<16xf32>
    %mul3A_1888 = arith.mulf %sub3A_1884, %sub3A_1884 : vector<16xf32>
    %add3A_1889 = arith.addf %add3A_1887, %mul3A_1888 : vector<16xf32>
    %lt3A_1890 = arith.cmpf olt, %add3A_1889, %select_n3A_1857 : vector<16xf32>
    %select_n3A_1891 = arith.select %lt3A_1890, %add3A_1889, %select_n3A_1857 : vector<16xi1>, vector<16xf32>
    %broadcast_in_dim3A_1892 = arith.constant 53 : i32
    %broadcast_in_dim3A_1893 = vector.broadcast %broadcast_in_dim3A_1892 : i32 to vector<16xi32>
    %select_n3A_1894 = arith.select %lt3A_1890, %broadcast_in_dim3A_1893, %select_n3A_1860 : vector<16xi1>, vector<16xi32>
    %get3A_1895 = arith.constant 0 : i32
    %get3A_1896 = arith.constant 54 : i32
    %get3A_1897 = arith.index_cast %get3A_1895 : i32 to index
    %get3A_1898 = arith.index_cast %get3A_1896 : i32 to index
    %get3A_1899 = arith.constant 0 : index
    %get3A_1900 = tpu.vector_load %arg5[%get3A_1897, %get3A_1898, %get3A_1899] {strides = array<i32>} : memref<3x64x16xf32, #tpu.memory_space<vmem>>, vector<1x1x16xf32>,
    %get3A_1901 = vector.shape_cast %get3A_1900 : vector<1x1x16xf32> to vector<16xf32>
    %sub3A_1902 = arith.subf %get3A_45, %get3A_1901 : vector<16xf32>
    %get3A_1903 = arith.constant 1 : i32
    %get3A_1904 = arith.constant 54 : i32
    %get3A_1905 = arith.index_cast %get3A_1903 : i32 to index
    %get3A_1906 = arith.index_cast %get3A_1904 : i32 to index
    %get3A_1907 = arith.constant 0 : index
    %get3A_1908 = tpu.vector_load %arg5[%get3A_1905, %get3A_1906, %get3A_1907] {strides = array<i32>} : memref<3x64x16xf32, #tpu.memory_space<vmem>>, vector<1x1x16xf32>,
    %get3A_1909 = vector.shape_cast %get3A_1908 : vector<1x1x16xf32> to vector<16xf32>
    %sub3A_1910 = arith.subf %get3A_50, %get3A_1909 : vector<16xf32>
    %get3A_1911 = arith.constant 2 : i32
    %get3A_1912 = arith.constant 54 : i32
    %get3A_1913 = arith.index_cast %get3A_1911 : i32 to index
    %get3A_1914 = arith.index_cast %get3A_1912 : i32 to index
    %get3A_1915 = arith.constant 0 : index
    %get3A_1916 = tpu.vector_load %arg5[%get3A_1913, %get3A_1914, %get3A_1915] {strides = array<i32>} : memref<3x64x16xf32, #tpu.memory_space<vmem>>, vector<1x1x16xf32>,
    %get3A_1917 = vector.shape_cast %get3A_1916 : vector<1x1x16xf32> to vector<16xf32>
    %sub3A_1918 = arith.subf %get3A_55, %get3A_1917 : vector<16xf32>
    %mul3A_1919 = arith.mulf %sub3A_1902, %sub3A_1902 : vector<16xf32>
    %mul3A_1920 = arith.mulf %sub3A_1910, %sub3A_1910 : vector<16xf32>
    %add3A_1921 = arith.addf %mul3A_1919, %mul3A_1920 : vector<16xf32>
    %mul3A_1922 = arith.mulf %sub3A_1918, %sub3A_1918 : vector<16xf32>
    %add3A_1923 = arith.addf %add3A_1921, %mul3A_1922 : vector<16xf32>
    %lt3A_1924 = arith.cmpf olt, %add3A_1923, %select_n3A_1891 : vector<16xf32>
    %select_n3A_1925 = arith.select %lt3A_1924, %add3A_1923, %select_n3A_1891 : vector<16xi1>, vector<16xf32>
    %broadcast_in_dim3A_1926 = arith.constant 54 : i32
    %broadcast_in_dim3A_1927 = vector.broadcast %broadcast_in_dim3A_1926 : i32 to vector<16xi32>
    %select_n3A_1928 = arith.select %lt3A_1924, %broadcast_in_dim3A_1927, %select_n3A_1894 : vector<16xi1>, vector<16xi32>
    %get3A_1929 = arith.constant 0 : i32
    %get3A_1930 = arith.constant 55 : i32
    %get3A_1931 = arith.index_cast %get3A_1929 : i32 to index
    %get3A_1932 = arith.index_cast %get3A_1930 : i32 to index
    %get3A_1933 = arith.constant 0 : index
    %get3A_1934 = tpu.vector_load %arg5[%get3A_1931, %get3A_1932, %get3A_1933] {strides = array<i32>} : memref<3x64x16xf32, #tpu.memory_space<vmem>>, vector<1x1x16xf32>,
    %get3A_1935 = vector.shape_cast %get3A_1934 : vector<1x1x16xf32> to vector<16xf32>
    %sub3A_1936 = arith.subf %get3A_45, %get3A_1935 : vector<16xf32>
    %get3A_1937 = arith.constant 1 : i32
    %get3A_1938 = arith.constant 55 : i32
    %get3A_1939 = arith.index_cast %get3A_1937 : i32 to index
    %get3A_1940 = arith.index_cast %get3A_1938 : i32 to index
    %get3A_1941 = arith.constant 0 : index
    %get3A_1942 = tpu.vector_load %arg5[%get3A_1939, %get3A_1940, %get3A_1941] {strides = array<i32>} : memref<3x64x16xf32, #tpu.memory_space<vmem>>, vector<1x1x16xf32>,
    %get3A_1943 = vector.shape_cast %get3A_1942 : vector<1x1x16xf32> to vector<16xf32>
    %sub3A_1944 = arith.subf %get3A_50, %get3A_1943 : vector<16xf32>
    %get3A_1945 = arith.constant 2 : i32
    %get3A_1946 = arith.constant 55 : i32
    %get3A_1947 = arith.index_cast %get3A_1945 : i32 to index
    %get3A_1948 = arith.index_cast %get3A_1946 : i32 to index
    %get3A_1949 = arith.constant 0 : index
    %get3A_1950 = tpu.vector_load %arg5[%get3A_1947, %get3A_1948, %get3A_1949] {strides = array<i32>} : memref<3x64x16xf32, #tpu.memory_space<vmem>>, vector<1x1x16xf32>,
    %get3A_1951 = vector.shape_cast %get3A_1950 : vector<1x1x16xf32> to vector<16xf32>
    %sub3A_1952 = arith.subf %get3A_55, %get3A_1951 : vector<16xf32>
    %mul3A_1953 = arith.mulf %sub3A_1936, %sub3A_1936 : vector<16xf32>
    %mul3A_1954 = arith.mulf %sub3A_1944, %sub3A_1944 : vector<16xf32>
    %add3A_1955 = arith.addf %mul3A_1953, %mul3A_1954 : vector<16xf32>
    %mul3A_1956 = arith.mulf %sub3A_1952, %sub3A_1952 : vector<16xf32>
    %add3A_1957 = arith.addf %add3A_1955, %mul3A_1956 : vector<16xf32>
    %lt3A_1958 = arith.cmpf olt, %add3A_1957, %select_n3A_1925 : vector<16xf32>
    %select_n3A_1959 = arith.select %lt3A_1958, %add3A_1957, %select_n3A_1925 : vector<16xi1>, vector<16xf32>
    %broadcast_in_dim3A_1960 = arith.constant 55 : i32
    %broadcast_in_dim3A_1961 = vector.broadcast %broadcast_in_dim3A_1960 : i32 to vector<16xi32>
    %select_n3A_1962 = arith.select %lt3A_1958, %broadcast_in_dim3A_1961, %select_n3A_1928 : vector<16xi1>, vector<16xi32>
    %get3A_1963 = arith.constant 0 : i32
    %get3A_1964 = arith.constant 56 : i32
    %get3A_1965 = arith.index_cast %get3A_1963 : i32 to index
    %get3A_1966 = arith.index_cast %get3A_1964 : i32 to index
    %get3A_1967 = arith.constant 0 : index
    %get3A_1968 = tpu.vector_load %arg5[%get3A_1965, %get3A_1966, %get3A_1967] {strides = array<i32>} : memref<3x64x16xf32, #tpu.memory_space<vmem>>, vector<1x1x16xf32>,
    %get3A_1969 = vector.shape_cast %get3A_1968 : vector<1x1x16xf32> to vector<16xf32>
    %sub3A_1970 = arith.subf %get3A_45, %get3A_1969 : vector<16xf32>
    %get3A_1971 = arith.constant 1 : i32
    %get3A_1972 = arith.constant 56 : i32
    %get3A_1973 = arith.index_cast %get3A_1971 : i32 to index
    %get3A_1974 = arith.index_cast %get3A_1972 : i32 to index
    %get3A_1975 = arith.constant 0 : index
    %get3A_1976 = tpu.vector_load %arg5[%get3A_1973, %get3A_1974, %get3A_1975] {strides = array<i32>} : memref<3x64x16xf32, #tpu.memory_space<vmem>>, vector<1x1x16xf32>,
    %get3A_1977 = vector.shape_cast %get3A_1976 : vector<1x1x16xf32> to vector<16xf32>
    %sub3A_1978 = arith.subf %get3A_50, %get3A_1977 : vector<16xf32>
    %get3A_1979 = arith.constant 2 : i32
    %get3A_1980 = arith.constant 56 : i32
    %get3A_1981 = arith.index_cast %get3A_1979 : i32 to index
    %get3A_1982 = arith.index_cast %get3A_1980 : i32 to index
    %get3A_1983 = arith.constant 0 : index
    %get3A_1984 = tpu.vector_load %arg5[%get3A_1981, %get3A_1982, %get3A_1983] {strides = array<i32>} : memref<3x64x16xf32, #tpu.memory_space<vmem>>, vector<1x1x16xf32>,
    %get3A_1985 = vector.shape_cast %get3A_1984 : vector<1x1x16xf32> to vector<16xf32>
    %sub3A_1986 = arith.subf %get3A_55, %get3A_1985 : vector<16xf32>
    %mul3A_1987 = arith.mulf %sub3A_1970, %sub3A_1970 : vector<16xf32>
    %mul3A_1988 = arith.mulf %sub3A_1978, %sub3A_1978 : vector<16xf32>
    %add3A_1989 = arith.addf %mul3A_1987, %mul3A_1988 : vector<16xf32>
    %mul3A_1990 = arith.mulf %sub3A_1986, %sub3A_1986 : vector<16xf32>
    %add3A_1991 = arith.addf %add3A_1989, %mul3A_1990 : vector<16xf32>
    %lt3A_1992 = arith.cmpf olt, %add3A_1991, %select_n3A_1959 : vector<16xf32>
    %select_n3A_1993 = arith.select %lt3A_1992, %add3A_1991, %select_n3A_1959 : vector<16xi1>, vector<16xf32>
    %broadcast_in_dim3A_1994 = arith.constant 56 : i32
    %broadcast_in_dim3A_1995 = vector.broadcast %broadcast_in_dim3A_1994 : i32 to vector<16xi32>
    %select_n3A_1996 = arith.select %lt3A_1992, %broadcast_in_dim3A_1995, %select_n3A_1962 : vector<16xi1>, vector<16xi32>
    %get3A_1997 = arith.constant 0 : i32
    %get3A_1998 = arith.constant 57 : i32
    %get3A_1999 = arith.index_cast %get3A_1997 : i32 to index
    %get3A_2000 = arith.index_cast %get3A_1998 : i32 to index
    %get3A_2001 = arith.constant 0 : index
    %get3A_2002 = tpu.vector_load %arg5[%get3A_1999, %get3A_2000, %get3A_2001] {strides = array<i32>} : memref<3x64x16xf32, #tpu.memory_space<vmem>>, vector<1x1x16xf32>,
    %get3A_2003 = vector.shape_cast %get3A_2002 : vector<1x1x16xf32> to vector<16xf32>
    %sub3A_2004 = arith.subf %get3A_45, %get3A_2003 : vector<16xf32>
    %get3A_2005 = arith.constant 1 : i32
    %get3A_2006 = arith.constant 57 : i32
    %get3A_2007 = arith.index_cast %get3A_2005 : i32 to index
    %get3A_2008 = arith.index_cast %get3A_2006 : i32 to index
    %get3A_2009 = arith.constant 0 : index
    %get3A_2010 = tpu.vector_load %arg5[%get3A_2007, %get3A_2008, %get3A_2009] {strides = array<i32>} : memref<3x64x16xf32, #tpu.memory_space<vmem>>, vector<1x1x16xf32>,
    %get3A_2011 = vector.shape_cast %get3A_2010 : vector<1x1x16xf32> to vector<16xf32>
    %sub3A_2012 = arith.subf %get3A_50, %get3A_2011 : vector<16xf32>
    %get3A_2013 = arith.constant 2 : i32
    %get3A_2014 = arith.constant 57 : i32
    %get3A_2015 = arith.index_cast %get3A_2013 : i32 to index
    %get3A_2016 = arith.index_cast %get3A_2014 : i32 to index
    %get3A_2017 = arith.constant 0 : index
    %get3A_2018 = tpu.vector_load %arg5[%get3A_2015, %get3A_2016, %get3A_2017] {strides = array<i32>} : memref<3x64x16xf32, #tpu.memory_space<vmem>>, vector<1x1x16xf32>,
    %get3A_2019 = vector.shape_cast %get3A_2018 : vector<1x1x16xf32> to vector<16xf32>
    %sub3A_2020 = arith.subf %get3A_55, %get3A_2019 : vector<16xf32>
    %mul3A_2021 = arith.mulf %sub3A_2004, %sub3A_2004 : vector<16xf32>
    %mul3A_2022 = arith.mulf %sub3A_2012, %sub3A_2012 : vector<16xf32>
    %add3A_2023 = arith.addf %mul3A_2021, %mul3A_2022 : vector<16xf32>
    %mul3A_2024 = arith.mulf %sub3A_2020, %sub3A_2020 : vector<16xf32>
    %add3A_2025 = arith.addf %add3A_2023, %mul3A_2024 : vector<16xf32>
    %lt3A_2026 = arith.cmpf olt, %add3A_2025, %select_n3A_1993 : vector<16xf32>
    %select_n3A_2027 = arith.select %lt3A_2026, %add3A_2025, %select_n3A_1993 : vector<16xi1>, vector<16xf32>
    %broadcast_in_dim3A_2028 = arith.constant 57 : i32
    %broadcast_in_dim3A_2029 = vector.broadcast %broadcast_in_dim3A_2028 : i32 to vector<16xi32>
    %select_n3A_2030 = arith.select %lt3A_2026, %broadcast_in_dim3A_2029, %select_n3A_1996 : vector<16xi1>, vector<16xi32>
    %get3A_2031 = arith.constant 0 : i32
    %get3A_2032 = arith.constant 58 : i32
    %get3A_2033 = arith.index_cast %get3A_2031 : i32 to index
    %get3A_2034 = arith.index_cast %get3A_2032 : i32 to index
    %get3A_2035 = arith.constant 0 : index
    %get3A_2036 = tpu.vector_load %arg5[%get3A_2033, %get3A_2034, %get3A_2035] {strides = array<i32>} : memref<3x64x16xf32, #tpu.memory_space<vmem>>, vector<1x1x16xf32>,
    %get3A_2037 = vector.shape_cast %get3A_2036 : vector<1x1x16xf32> to vector<16xf32>
    %sub3A_2038 = arith.subf %get3A_45, %get3A_2037 : vector<16xf32>
    %get3A_2039 = arith.constant 1 : i32
    %get3A_2040 = arith.constant 58 : i32
    %get3A_2041 = arith.index_cast %get3A_2039 : i32 to index
    %get3A_2042 = arith.index_cast %get3A_2040 : i32 to index
    %get3A_2043 = arith.constant 0 : index
    %get3A_2044 = tpu.vector_load %arg5[%get3A_2041, %get3A_2042, %get3A_2043] {strides = array<i32>} : memref<3x64x16xf32, #tpu.memory_space<vmem>>, vector<1x1x16xf32>,
    %get3A_2045 = vector.shape_cast %get3A_2044 : vector<1x1x16xf32> to vector<16xf32>
    %sub3A_2046 = arith.subf %get3A_50, %get3A_2045 : vector<16xf32>
    %get3A_2047 = arith.constant 2 : i32
    %get3A_2048 = arith.constant 58 : i32
    %get3A_2049 = arith.index_cast %get3A_2047 : i32 to index
    %get3A_2050 = arith.index_cast %get3A_2048 : i32 to index
    %get3A_2051 = arith.constant 0 : index
    %get3A_2052 = tpu.vector_load %arg5[%get3A_2049, %get3A_2050, %get3A_2051] {strides = array<i32>} : memref<3x64x16xf32, #tpu.memory_space<vmem>>, vector<1x1x16xf32>,
    %get3A_2053 = vector.shape_cast %get3A_2052 : vector<1x1x16xf32> to vector<16xf32>
    %sub3A_2054 = arith.subf %get3A_55, %get3A_2053 : vector<16xf32>
    %mul3A_2055 = arith.mulf %sub3A_2038, %sub3A_2038 : vector<16xf32>
    %mul3A_2056 = arith.mulf %sub3A_2046, %sub3A_2046 : vector<16xf32>
    %add3A_2057 = arith.addf %mul3A_2055, %mul3A_2056 : vector<16xf32>
    %mul3A_2058 = arith.mulf %sub3A_2054, %sub3A_2054 : vector<16xf32>
    %add3A_2059 = arith.addf %add3A_2057, %mul3A_2058 : vector<16xf32>
    %lt3A_2060 = arith.cmpf olt, %add3A_2059, %select_n3A_2027 : vector<16xf32>
    %select_n3A_2061 = arith.select %lt3A_2060, %add3A_2059, %select_n3A_2027 : vector<16xi1>, vector<16xf32>
    %broadcast_in_dim3A_2062 = arith.constant 58 : i32
    %broadcast_in_dim3A_2063 = vector.broadcast %broadcast_in_dim3A_2062 : i32 to vector<16xi32>
    %select_n3A_2064 = arith.select %lt3A_2060, %broadcast_in_dim3A_2063, %select_n3A_2030 : vector<16xi1>, vector<16xi32>
    %get3A_2065 = arith.constant 0 : i32
    %get3A_2066 = arith.constant 59 : i32
    %get3A_2067 = arith.index_cast %get3A_2065 : i32 to index
    %get3A_2068 = arith.index_cast %get3A_2066 : i32 to index
    %get3A_2069 = arith.constant 0 : index
    %get3A_2070 = tpu.vector_load %arg5[%get3A_2067, %get3A_2068, %get3A_2069] {strides = array<i32>} : memref<3x64x16xf32, #tpu.memory_space<vmem>>, vector<1x1x16xf32>,
    %get3A_2071 = vector.shape_cast %get3A_2070 : vector<1x1x16xf32> to vector<16xf32>
    %sub3A_2072 = arith.subf %get3A_45, %get3A_2071 : vector<16xf32>
    %get3A_2073 = arith.constant 1 : i32
    %get3A_2074 = arith.constant 59 : i32
    %get3A_2075 = arith.index_cast %get3A_2073 : i32 to index
    %get3A_2076 = arith.index_cast %get3A_2074 : i32 to index
    %get3A_2077 = arith.constant 0 : index
    %get3A_2078 = tpu.vector_load %arg5[%get3A_2075, %get3A_2076, %get3A_2077] {strides = array<i32>} : memref<3x64x16xf32, #tpu.memory_space<vmem>>, vector<1x1x16xf32>,
    %get3A_2079 = vector.shape_cast %get3A_2078 : vector<1x1x16xf32> to vector<16xf32>
    %sub3A_2080 = arith.subf %get3A_50, %get3A_2079 : vector<16xf32>
    %get3A_2081 = arith.constant 2 : i32
    %get3A_2082 = arith.constant 59 : i32
    %get3A_2083 = arith.index_cast %get3A_2081 : i32 to index
    %get3A_2084 = arith.index_cast %get3A_2082 : i32 to index
    %get3A_2085 = arith.constant 0 : index
    %get3A_2086 = tpu.vector_load %arg5[%get3A_2083, %get3A_2084, %get3A_2085] {strides = array<i32>} : memref<3x64x16xf32, #tpu.memory_space<vmem>>, vector<1x1x16xf32>,
    %get3A_2087 = vector.shape_cast %get3A_2086 : vector<1x1x16xf32> to vector<16xf32>
    %sub3A_2088 = arith.subf %get3A_55, %get3A_2087 : vector<16xf32>
    %mul3A_2089 = arith.mulf %sub3A_2072, %sub3A_2072 : vector<16xf32>
    %mul3A_2090 = arith.mulf %sub3A_2080, %sub3A_2080 : vector<16xf32>
    %add3A_2091 = arith.addf %mul3A_2089, %mul3A_2090 : vector<16xf32>
    %mul3A_2092 = arith.mulf %sub3A_2088, %sub3A_2088 : vector<16xf32>
    %add3A_2093 = arith.addf %add3A_2091, %mul3A_2092 : vector<16xf32>
    %lt3A_2094 = arith.cmpf olt, %add3A_2093, %select_n3A_2061 : vector<16xf32>
    %select_n3A_2095 = arith.select %lt3A_2094, %add3A_2093, %select_n3A_2061 : vector<16xi1>, vector<16xf32>
    %broadcast_in_dim3A_2096 = arith.constant 59 : i32
    %broadcast_in_dim3A_2097 = vector.broadcast %broadcast_in_dim3A_2096 : i32 to vector<16xi32>
    %select_n3A_2098 = arith.select %lt3A_2094, %broadcast_in_dim3A_2097, %select_n3A_2064 : vector<16xi1>, vector<16xi32>
    %get3A_2099 = arith.constant 0 : i32
    %get3A_2100 = arith.constant 60 : i32
    %get3A_2101 = arith.index_cast %get3A_2099 : i32 to index
    %get3A_2102 = arith.index_cast %get3A_2100 : i32 to index
    %get3A_2103 = arith.constant 0 : index
    %get3A_2104 = tpu.vector_load %arg5[%get3A_2101, %get3A_2102, %get3A_2103] {strides = array<i32>} : memref<3x64x16xf32, #tpu.memory_space<vmem>>, vector<1x1x16xf32>,
    %get3A_2105 = vector.shape_cast %get3A_2104 : vector<1x1x16xf32> to vector<16xf32>
    %sub3A_2106 = arith.subf %get3A_45, %get3A_2105 : vector<16xf32>
    %get3A_2107 = arith.constant 1 : i32
    %get3A_2108 = arith.constant 60 : i32
    %get3A_2109 = arith.index_cast %get3A_2107 : i32 to index
    %get3A_2110 = arith.index_cast %get3A_2108 : i32 to index
    %get3A_2111 = arith.constant 0 : index
    %get3A_2112 = tpu.vector_load %arg5[%get3A_2109, %get3A_2110, %get3A_2111] {strides = array<i32>} : memref<3x64x16xf32, #tpu.memory_space<vmem>>, vector<1x1x16xf32>,
    %get3A_2113 = vector.shape_cast %get3A_2112 : vector<1x1x16xf32> to vector<16xf32>
    %sub3A_2114 = arith.subf %get3A_50, %get3A_2113 : vector<16xf32>
    %get3A_2115 = arith.constant 2 : i32
    %get3A_2116 = arith.constant 60 : i32
    %get3A_2117 = arith.index_cast %get3A_2115 : i32 to index
    %get3A_2118 = arith.index_cast %get3A_2116 : i32 to index
    %get3A_2119 = arith.constant 0 : index
    %get3A_2120 = tpu.vector_load %arg5[%get3A_2117, %get3A_2118, %get3A_2119] {strides = array<i32>} : memref<3x64x16xf32, #tpu.memory_space<vmem>>, vector<1x1x16xf32>,
    %get3A_2121 = vector.shape_cast %get3A_2120 : vector<1x1x16xf32> to vector<16xf32>
    %sub3A_2122 = arith.subf %get3A_55, %get3A_2121 : vector<16xf32>
    %mul3A_2123 = arith.mulf %sub3A_2106, %sub3A_2106 : vector<16xf32>
    %mul3A_2124 = arith.mulf %sub3A_2114, %sub3A_2114 : vector<16xf32>
    %add3A_2125 = arith.addf %mul3A_2123, %mul3A_2124 : vector<16xf32>
    %mul3A_2126 = arith.mulf %sub3A_2122, %sub3A_2122 : vector<16xf32>
    %add3A_2127 = arith.addf %add3A_2125, %mul3A_2126 : vector<16xf32>
    %lt3A_2128 = arith.cmpf olt, %add3A_2127, %select_n3A_2095 : vector<16xf32>
    %select_n3A_2129 = arith.select %lt3A_2128, %add3A_2127, %select_n3A_2095 : vector<16xi1>, vector<16xf32>
    %broadcast_in_dim3A_2130 = arith.constant 60 : i32
    %broadcast_in_dim3A_2131 = vector.broadcast %broadcast_in_dim3A_2130 : i32 to vector<16xi32>
    %select_n3A_2132 = arith.select %lt3A_2128, %broadcast_in_dim3A_2131, %select_n3A_2098 : vector<16xi1>, vector<16xi32>
    %get3A_2133 = arith.constant 0 : i32
    %get3A_2134 = arith.constant 61 : i32
    %get3A_2135 = arith.index_cast %get3A_2133 : i32 to index
    %get3A_2136 = arith.index_cast %get3A_2134 : i32 to index
    %get3A_2137 = arith.constant 0 : index
    %get3A_2138 = tpu.vector_load %arg5[%get3A_2135, %get3A_2136, %get3A_2137] {strides = array<i32>} : memref<3x64x16xf32, #tpu.memory_space<vmem>>, vector<1x1x16xf32>,
    %get3A_2139 = vector.shape_cast %get3A_2138 : vector<1x1x16xf32> to vector<16xf32>
    %sub3A_2140 = arith.subf %get3A_45, %get3A_2139 : vector<16xf32>
    %get3A_2141 = arith.constant 1 : i32
    %get3A_2142 = arith.constant 61 : i32
    %get3A_2143 = arith.index_cast %get3A_2141 : i32 to index
    %get3A_2144 = arith.index_cast %get3A_2142 : i32 to index
    %get3A_2145 = arith.constant 0 : index
    %get3A_2146 = tpu.vector_load %arg5[%get3A_2143, %get3A_2144, %get3A_2145] {strides = array<i32>} : memref<3x64x16xf32, #tpu.memory_space<vmem>>, vector<1x1x16xf32>,
    %get3A_2147 = vector.shape_cast %get3A_2146 : vector<1x1x16xf32> to vector<16xf32>
    %sub3A_2148 = arith.subf %get3A_50, %get3A_2147 : vector<16xf32>
    %get3A_2149 = arith.constant 2 : i32
    %get3A_2150 = arith.constant 61 : i32
    %get3A_2151 = arith.index_cast %get3A_2149 : i32 to index
    %get3A_2152 = arith.index_cast %get3A_2150 : i32 to index
    %get3A_2153 = arith.constant 0 : index
    %get3A_2154 = tpu.vector_load %arg5[%get3A_2151, %get3A_2152, %get3A_2153] {strides = array<i32>} : memref<3x64x16xf32, #tpu.memory_space<vmem>>, vector<1x1x16xf32>,
    %get3A_2155 = vector.shape_cast %get3A_2154 : vector<1x1x16xf32> to vector<16xf32>
    %sub3A_2156 = arith.subf %get3A_55, %get3A_2155 : vector<16xf32>
    %mul3A_2157 = arith.mulf %sub3A_2140, %sub3A_2140 : vector<16xf32>
    %mul3A_2158 = arith.mulf %sub3A_2148, %sub3A_2148 : vector<16xf32>
    %add3A_2159 = arith.addf %mul3A_2157, %mul3A_2158 : vector<16xf32>
    %mul3A_2160 = arith.mulf %sub3A_2156, %sub3A_2156 : vector<16xf32>
    %add3A_2161 = arith.addf %add3A_2159, %mul3A_2160 : vector<16xf32>
    %lt3A_2162 = arith.cmpf olt, %add3A_2161, %select_n3A_2129 : vector<16xf32>
    %select_n3A_2163 = arith.select %lt3A_2162, %add3A_2161, %select_n3A_2129 : vector<16xi1>, vector<16xf32>
    %broadcast_in_dim3A_2164 = arith.constant 61 : i32
    %broadcast_in_dim3A_2165 = vector.broadcast %broadcast_in_dim3A_2164 : i32 to vector<16xi32>
    %select_n3A_2166 = arith.select %lt3A_2162, %broadcast_in_dim3A_2165, %select_n3A_2132 : vector<16xi1>, vector<16xi32>
    %get3A_2167 = arith.constant 0 : i32
    %get3A_2168 = arith.constant 62 : i32
    %get3A_2169 = arith.index_cast %get3A_2167 : i32 to index
    %get3A_2170 = arith.index_cast %get3A_2168 : i32 to index
    %get3A_2171 = arith.constant 0 : index
    %get3A_2172 = tpu.vector_load %arg5[%get3A_2169, %get3A_2170, %get3A_2171] {strides = array<i32>} : memref<3x64x16xf32, #tpu.memory_space<vmem>>, vector<1x1x16xf32>,
    %get3A_2173 = vector.shape_cast %get3A_2172 : vector<1x1x16xf32> to vector<16xf32>
    %sub3A_2174 = arith.subf %get3A_45, %get3A_2173 : vector<16xf32>
    %get3A_2175 = arith.constant 1 : i32
    %get3A_2176 = arith.constant 62 : i32
    %get3A_2177 = arith.index_cast %get3A_2175 : i32 to index
    %get3A_2178 = arith.index_cast %get3A_2176 : i32 to index
    %get3A_2179 = arith.constant 0 : index
    %get3A_2180 = tpu.vector_load %arg5[%get3A_2177, %get3A_2178, %get3A_2179] {strides = array<i32>} : memref<3x64x16xf32, #tpu.memory_space<vmem>>, vector<1x1x16xf32>,
    %get3A_2181 = vector.shape_cast %get3A_2180 : vector<1x1x16xf32> to vector<16xf32>
    %sub3A_2182 = arith.subf %get3A_50, %get3A_2181 : vector<16xf32>
    %get3A_2183 = arith.constant 2 : i32
    %get3A_2184 = arith.constant 62 : i32
    %get3A_2185 = arith.index_cast %get3A_2183 : i32 to index
    %get3A_2186 = arith.index_cast %get3A_2184 : i32 to index
    %get3A_2187 = arith.constant 0 : index
    %get3A_2188 = tpu.vector_load %arg5[%get3A_2185, %get3A_2186, %get3A_2187] {strides = array<i32>} : memref<3x64x16xf32, #tpu.memory_space<vmem>>, vector<1x1x16xf32>,
    %get3A_2189 = vector.shape_cast %get3A_2188 : vector<1x1x16xf32> to vector<16xf32>
    %sub3A_2190 = arith.subf %get3A_55, %get3A_2189 : vector<16xf32>
    %mul3A_2191 = arith.mulf %sub3A_2174, %sub3A_2174 : vector<16xf32>
    %mul3A_2192 = arith.mulf %sub3A_2182, %sub3A_2182 : vector<16xf32>
    %add3A_2193 = arith.addf %mul3A_2191, %mul3A_2192 : vector<16xf32>
    %mul3A_2194 = arith.mulf %sub3A_2190, %sub3A_2190 : vector<16xf32>
    %add3A_2195 = arith.addf %add3A_2193, %mul3A_2194 : vector<16xf32>
    %lt3A_2196 = arith.cmpf olt, %add3A_2195, %select_n3A_2163 : vector<16xf32>
    %select_n3A_2197 = arith.select %lt3A_2196, %add3A_2195, %select_n3A_2163 : vector<16xi1>, vector<16xf32>
    %broadcast_in_dim3A_2198 = arith.constant 62 : i32
    %broadcast_in_dim3A_2199 = vector.broadcast %broadcast_in_dim3A_2198 : i32 to vector<16xi32>
    %select_n3A_2200 = arith.select %lt3A_2196, %broadcast_in_dim3A_2199, %select_n3A_2166 : vector<16xi1>, vector<16xi32>
    %get3A_2201 = arith.constant 0 : i32
    %get3A_2202 = arith.constant 63 : i32
    %get3A_2203 = arith.index_cast %get3A_2201 : i32 to index
    %get3A_2204 = arith.index_cast %get3A_2202 : i32 to index
    %get3A_2205 = arith.constant 0 : index
    %get3A_2206 = tpu.vector_load %arg5[%get3A_2203, %get3A_2204, %get3A_2205] {strides = array<i32>} : memref<3x64x16xf32, #tpu.memory_space<vmem>>, vector<1x1x16xf32>,
    %get3A_2207 = vector.shape_cast %get3A_2206 : vector<1x1x16xf32> to vector<16xf32>
    %sub3A_2208 = arith.subf %get3A_45, %get3A_2207 : vector<16xf32>
    %get3A_2209 = arith.constant 1 : i32
    %get3A_2210 = arith.constant 63 : i32
    %get3A_2211 = arith.index_cast %get3A_2209 : i32 to index
    %get3A_2212 = arith.index_cast %get3A_2210 : i32 to index
    %get3A_2213 = arith.constant 0 : index
    %get3A_2214 = tpu.vector_load %arg5[%get3A_2211, %get3A_2212, %get3A_2213] {strides = array<i32>} : memref<3x64x16xf32, #tpu.memory_space<vmem>>, vector<1x1x16xf32>,
    %get3A_2215 = vector.shape_cast %get3A_2214 : vector<1x1x16xf32> to vector<16xf32>
    %sub3A_2216 = arith.subf %get3A_50, %get3A_2215 : vector<16xf32>
    %get3A_2217 = arith.constant 2 : i32
    %get3A_2218 = arith.constant 63 : i32
    %get3A_2219 = arith.index_cast %get3A_2217 : i32 to index
    %get3A_2220 = arith.index_cast %get3A_2218 : i32 to index
    %get3A_2221 = arith.constant 0 : index
    %get3A_2222 = tpu.vector_load %arg5[%get3A_2219, %get3A_2220, %get3A_2221] {strides = array<i32>} : memref<3x64x16xf32, #tpu.memory_space<vmem>>, vector<1x1x16xf32>,
    %get3A_2223 = vector.shape_cast %get3A_2222 : vector<1x1x16xf32> to vector<16xf32>
    %sub3A_2224 = arith.subf %get3A_55, %get3A_2223 : vector<16xf32>
    %mul3A_2225 = arith.mulf %sub3A_2208, %sub3A_2208 : vector<16xf32>
    %mul3A_2226 = arith.mulf %sub3A_2216, %sub3A_2216 : vector<16xf32>
    %add3A_2227 = arith.addf %mul3A_2225, %mul3A_2226 : vector<16xf32>
    %mul3A_2228 = arith.mulf %sub3A_2224, %sub3A_2224 : vector<16xf32>
    %add3A_2229 = arith.addf %add3A_2227, %mul3A_2228 : vector<16xf32>
    %lt3A_2230 = arith.cmpf olt, %add3A_2229, %select_n3A_2197 : vector<16xf32>
    %select_n3A_2231 = arith.select %lt3A_2230, %add3A_2229, %select_n3A_2197 : vector<16xi1>, vector<16xf32>
    %broadcast_in_dim3A_2232 = arith.constant 63 : i32
    %broadcast_in_dim3A_2233 = vector.broadcast %broadcast_in_dim3A_2232 : i32 to vector<16xi32>
    %select_n3A_2234 = arith.select %lt3A_2230, %broadcast_in_dim3A_2233, %select_n3A_2200 : vector<16xi1>, vector<16xi32>
    %swap3A = arith.constant 0 : index
    %swap3A_2235 = tpu.vector_load %arg7[%swap3A] {strides = array<i32>} : memref<16xi32, #tpu.memory_space<vmem>>, vector<16xi32>,
    %swap3A_2236 = vector.shape_cast %swap3A_2235 : vector<16xi32> to vector<16xi32>
    %swap3A_2237 = vector.shape_cast %select_n3A_2234 : vector<16xi32> to vector<16xi32>
    tpu.vector_store %arg7[%swap3A], %swap3A_2237 {strides = array<i32>} : memref<16xi32, #tpu.memory_space<vmem>>, vector<16xi32>,
    %mul3A_2238 = arith.constant 16 : i32
    %mul3A_2239 = arith.muli %add3A, %mul3A_2238 : i32
    "tpu.region"() ({
      %run_scoped3A_2240 = tpu.sem_alloc : memref<!tpu.dma_semaphore, #tpu.memory_space<semaphore_mem>>
      %dma_start3A = tpu.memref_slice %arg4[%mul3A_2239] : memref<512xi32, #tpu.memory_space<hbm>> -> memref<16xi32, #tpu.memory_space<hbm>>
      %dma_start3A_2241 = tpu.memref_slice %arg4[%mul3A_2239] : memref<512xi32, #tpu.memory_space<hbm>> -> memref<16xi32, #tpu.memory_space<hbm>>
      tpu.enqueue_dma source(%arg7 : memref<16xi32, #tpu.memory_space<vmem>>) target(%dma_start3A_2241 : memref<16xi32, #tpu.memory_space<hbm>>) target_semaphore(%run_scoped3A_2240 : memref<!tpu.dma_semaphore, #tpu.memory_space<semaphore_mem>>)
      %dma_wait3A = tpu.memref_slice %arg4[%mul3A_2239] : memref<512xi32, #tpu.memory_space<hbm>> -> memref<16xi32, #tpu.memory_space<hbm>>
      %dma_wait3A_2242 = tpu.memref_slice %arg4[%mul3A_2239] : memref<512xi32, #tpu.memory_space<hbm>> -> memref<16xi32, #tpu.memory_space<hbm>>
      tpu.wait_dma2 semaphore(%run_scoped3A_2240 : memref<!tpu.dma_semaphore, #tpu.memory_space<semaphore_mem>>) src(%arg7 : memref<16xi32, #tpu.memory_space<vmem>>) dst(%dma_wait3A_2242 : memref<16xi32, #tpu.memory_space<hbm>>)
      tpu.yield
    }) : () -> ()
    return
  }
}

module attributes {stable_mosaic.version = 14 : i64} {
  func.func @_qc_kernel(%arg0: i32, %arg1: memref<3x8x128xf32, #tpu.memory_space<vmem>>, %arg2: memref<3x8x128xf32, #tpu.memory_space<vmem>>, %arg3: memref<3x8x128xf32, #tpu.memory_space<vmem>>, %arg4: memref<512xi32, #tpu.memory_space<vmem>>, %arg5: memref<3x16xf32, #tpu.memory_space<vmem>>, %arg6: memref<16xf32, #tpu.memory_space<vmem>>, %arg7: memref<16x32xf32, #tpu.memory_space<vmem>>, %arg8: memref<32xf32, #tpu.memory_space<vmem>>, %arg9: memref<32x64xf32, #tpu.memory_space<vmem>>, %arg10: memref<64xf32, #tpu.memory_space<vmem>>, %arg11: memref<3x16xf32, #tpu.memory_space<vmem>>, %arg12: memref<16xf32, #tpu.memory_space<vmem>>, %arg13: memref<16x32xf32, #tpu.memory_space<vmem>>, %arg14: memref<32xf32, #tpu.memory_space<vmem>>, %arg15: memref<32x64xf32, #tpu.memory_space<vmem>>, %arg16: memref<64xf32, #tpu.memory_space<vmem>>, %arg17: memref<3x16xf32, #tpu.memory_space<vmem>>, %arg18: memref<16xf32, #tpu.memory_space<vmem>>, %arg19: memref<16x32xf32, #tpu.memory_space<vmem>>, %arg20: memref<32xf32, #tpu.memory_space<vmem>>, %arg21: memref<32x64xf32, #tpu.memory_space<vmem>>, %arg22: memref<64xf32, #tpu.memory_space<vmem>>, %arg23: memref<64x192xf32, #tpu.memory_space<vmem>>, %arg24: memref<64xf32, #tpu.memory_space<vmem>>, %arg25: memref<64x64xf32, #tpu.memory_space<vmem>>, %arg26: memref<64xf32, #tpu.memory_space<vmem>>, %arg27: memref<32x64xf32, #tpu.memory_space<vmem>>, %arg28: memref<32xf32, #tpu.memory_space<vmem>>, %arg29: memref<5x32xf32, #tpu.memory_space<vmem>>, %arg30: memref<5xf32, #tpu.memory_space<vmem>>, %arg31: memref<32x64xf32, #tpu.memory_space<vmem>>, %arg32: memref<32xf32, #tpu.memory_space<vmem>>, %arg33: memref<1x32xf32, #tpu.memory_space<vmem>>, %arg34: memref<1x1xf32, #tpu.memory_space<vmem>>, %arg35: memref<5x8x64xf32, #tpu.memory_space<vmem>>, %arg36: memref<8x64xf32, #tpu.memory_space<vmem>>, %arg37: memref<8x64x64xf32, #tpu.memory_space<vmem>>, %arg38: memref<8x64x192xf32, #tpu.memory_space<vmem>>) attributes {dimension_semantics = [#tpu.dimension_semantics<arbitrary>], iteration_bounds = array<i64: 1>, scalar_prefetch = 0 : i64, scratch_operands = 0 : i64, tpu.core_type = #tpu.core_type<tc>, window_params = [{transform_indices = @transform_0, window_bounds = array<i64: 3, 8, 128>}, {transform_indices = @transform_1, window_bounds = array<i64: 3, 8, 128>}, {transform_indices = @transform_2, window_bounds = array<i64: 3, 8, 128>}, {pipeline_mode = #tpu.pipeline_mode<synchronous>, transform_indices = @transform_3, window_bounds = array<i64: 512>}, {pipeline_mode = #tpu.pipeline_mode<synchronous>, transform_indices = @transform_4, window_bounds = array<i64: 3, 16>}, {pipeline_mode = #tpu.pipeline_mode<synchronous>, transform_indices = @transform_5, window_bounds = array<i64: 16>}, {pipeline_mode = #tpu.pipeline_mode<synchronous>, transform_indices = @transform_6, window_bounds = array<i64: 16, 32>}, {pipeline_mode = #tpu.pipeline_mode<synchronous>, transform_indices = @transform_7, window_bounds = array<i64: 32>}, {pipeline_mode = #tpu.pipeline_mode<synchronous>, transform_indices = @transform_8, window_bounds = array<i64: 32, 64>}, {pipeline_mode = #tpu.pipeline_mode<synchronous>, transform_indices = @transform_9, window_bounds = array<i64: 64>}, {pipeline_mode = #tpu.pipeline_mode<synchronous>, transform_indices = @transform_10, window_bounds = array<i64: 3, 16>}, {pipeline_mode = #tpu.pipeline_mode<synchronous>, transform_indices = @transform_11, window_bounds = array<i64: 16>}, {pipeline_mode = #tpu.pipeline_mode<synchronous>, transform_indices = @transform_12, window_bounds = array<i64: 16, 32>}, {pipeline_mode = #tpu.pipeline_mode<synchronous>, transform_indices = @transform_13, window_bounds = array<i64: 32>}, {pipeline_mode = #tpu.pipeline_mode<synchronous>, transform_indices = @transform_14, window_bounds = array<i64: 32, 64>}, {pipeline_mode = #tpu.pipeline_mode<synchronous>, transform_indices = @transform_15, window_bounds = array<i64: 64>}, {pipeline_mode = #tpu.pipeline_mode<synchronous>, transform_indices = @transform_16, window_bounds = array<i64: 3, 16>}, {pipeline_mode = #tpu.pipeline_mode<synchronous>, transform_indices = @transform_17, window_bounds = array<i64: 16>}, {pipeline_mode = #tpu.pipeline_mode<synchronous>, transform_indices = @transform_18, window_bounds = array<i64: 16, 32>}, {pipeline_mode = #tpu.pipeline_mode<synchronous>, transform_indices = @transform_19, window_bounds = array<i64: 32>}, {pipeline_mode = #tpu.pipeline_mode<synchronous>, transform_indices = @transform_20, window_bounds = array<i64: 32, 64>}, {pipeline_mode = #tpu.pipeline_mode<synchronous>, transform_indices = @transform_21, window_bounds = array<i64: 64>}, {pipeline_mode = #tpu.pipeline_mode<synchronous>, transform_indices = @transform_22, window_bounds = array<i64: 64, 192>}, {pipeline_mode = #tpu.pipeline_mode<synchronous>, transform_indices = @transform_23, window_bounds = array<i64: 64>}, {pipeline_mode = #tpu.pipeline_mode<synchronous>, transform_indices = @transform_24, window_bounds = array<i64: 64, 64>}, {pipeline_mode = #tpu.pipeline_mode<synchronous>, transform_indices = @transform_25, window_bounds = array<i64: 64>}, {pipeline_mode = #tpu.pipeline_mode<synchronous>, transform_indices = @transform_26, window_bounds = array<i64: 32, 64>}, {pipeline_mode = #tpu.pipeline_mode<synchronous>, transform_indices = @transform_27, window_bounds = array<i64: 32>}, {pipeline_mode = #tpu.pipeline_mode<synchronous>, transform_indices = @transform_28, window_bounds = array<i64: 5, 32>}, {pipeline_mode = #tpu.pipeline_mode<synchronous>, transform_indices = @transform_29, window_bounds = array<i64: 5>}, {pipeline_mode = #tpu.pipeline_mode<synchronous>, transform_indices = @transform_30, window_bounds = array<i64: 32, 64>}, {pipeline_mode = #tpu.pipeline_mode<synchronous>, transform_indices = @transform_31, window_bounds = array<i64: 32>}, {pipeline_mode = #tpu.pipeline_mode<synchronous>, transform_indices = @transform_32, window_bounds = array<i64: 1, 32>}, {pipeline_mode = #tpu.pipeline_mode<synchronous>, transform_indices = @transform_33, window_bounds = array<i64: 1, 1>}, {pipeline_mode = #tpu.pipeline_mode<synchronous>, transform_indices = @transform_34, window_bounds = array<i64: 5, 8, 64>}, {pipeline_mode = #tpu.pipeline_mode<synchronous>, transform_indices = @transform_35, window_bounds = array<i64: 8, 64>}, {pipeline_mode = #tpu.pipeline_mode<synchronous>, transform_indices = @transform_36, window_bounds = array<i64: 8, 64, 64>}, {pipeline_mode = #tpu.pipeline_mode<synchronous>, transform_indices = @transform_37, window_bounds = array<i64: 8, 64, 192>}]} {
    %get3A = arith.constant 0 : index
    %get3A_0 = arith.constant 0 : index
    %get3A_1 = arith.constant 0 : index
    %get3A_2 = vector.load %arg1[%get3A, %get3A_0, %get3A_1] : memref<3x8x128xf32, #tpu.memory_space<vmem>>, vector<3x8x128xf32>
    %reshape3A = vector.shape_cast %get3A_2 : vector<3x8x128xf32> to vector<24x128xf32>
    %slice3A = vector.extract_strided_slice %reshape3A {offsets = [0, 0], sizes = [1, 64], strides = [1, 1]} : vector<24x128xf32> to vector<1x64xf32>
    %slice3A_3 = vector.extract_strided_slice %reshape3A {offsets = [1, 0], sizes = [1, 64], strides = [1, 1]} : vector<24x128xf32> to vector<1x64xf32>
    %slice3A_4 = vector.extract_strided_slice %reshape3A {offsets = [2, 0], sizes = [1, 64], strides = [1, 1]} : vector<24x128xf32> to vector<1x64xf32>
    %slice3A_5 = vector.extract_strided_slice %reshape3A {offsets = [3, 0], sizes = [1, 64], strides = [1, 1]} : vector<24x128xf32> to vector<1x64xf32>
    %slice3A_6 = vector.extract_strided_slice %reshape3A {offsets = [4, 0], sizes = [1, 64], strides = [1, 1]} : vector<24x128xf32> to vector<1x64xf32>
    %slice3A_7 = vector.extract_strided_slice %reshape3A {offsets = [5, 0], sizes = [1, 64], strides = [1, 1]} : vector<24x128xf32> to vector<1x64xf32>
    %slice3A_8 = vector.extract_strided_slice %reshape3A {offsets = [6, 0], sizes = [1, 64], strides = [1, 1]} : vector<24x128xf32> to vector<1x64xf32>
    %slice3A_9 = vector.extract_strided_slice %reshape3A {offsets = [7, 0], sizes = [1, 64], strides = [1, 1]} : vector<24x128xf32> to vector<1x64xf32>
    %concatenate3A = tpu.concatenate %slice3A, %slice3A_3, %slice3A_4, %slice3A_5, %slice3A_6, %slice3A_7, %slice3A_8, %slice3A_9 in 1 : vector<1x64xf32>, vector<1x64xf32>, vector<1x64xf32>, vector<1x64xf32>, vector<1x64xf32>, vector<1x64xf32>, vector<1x64xf32>, vector<1x64xf32> -> vector<1x512xf32>
    %slice3A_10 = vector.extract_strided_slice %reshape3A {offsets = [8, 0], sizes = [1, 64], strides = [1, 1]} : vector<24x128xf32> to vector<1x64xf32>
    %slice3A_11 = vector.extract_strided_slice %reshape3A {offsets = [9, 0], sizes = [1, 64], strides = [1, 1]} : vector<24x128xf32> to vector<1x64xf32>
    %slice3A_12 = vector.extract_strided_slice %reshape3A {offsets = [10, 0], sizes = [1, 64], strides = [1, 1]} : vector<24x128xf32> to vector<1x64xf32>
    %slice3A_13 = vector.extract_strided_slice %reshape3A {offsets = [11, 0], sizes = [1, 64], strides = [1, 1]} : vector<24x128xf32> to vector<1x64xf32>
    %slice3A_14 = vector.extract_strided_slice %reshape3A {offsets = [12, 0], sizes = [1, 64], strides = [1, 1]} : vector<24x128xf32> to vector<1x64xf32>
    %slice3A_15 = vector.extract_strided_slice %reshape3A {offsets = [13, 0], sizes = [1, 64], strides = [1, 1]} : vector<24x128xf32> to vector<1x64xf32>
    %slice3A_16 = vector.extract_strided_slice %reshape3A {offsets = [14, 0], sizes = [1, 64], strides = [1, 1]} : vector<24x128xf32> to vector<1x64xf32>
    %slice3A_17 = vector.extract_strided_slice %reshape3A {offsets = [15, 0], sizes = [1, 64], strides = [1, 1]} : vector<24x128xf32> to vector<1x64xf32>
    %concatenate3A_18 = tpu.concatenate %slice3A_10, %slice3A_11, %slice3A_12, %slice3A_13, %slice3A_14, %slice3A_15, %slice3A_16, %slice3A_17 in 1 : vector<1x64xf32>, vector<1x64xf32>, vector<1x64xf32>, vector<1x64xf32>, vector<1x64xf32>, vector<1x64xf32>, vector<1x64xf32>, vector<1x64xf32> -> vector<1x512xf32>
    %slice3A_19 = vector.extract_strided_slice %reshape3A {offsets = [16, 0], sizes = [1, 64], strides = [1, 1]} : vector<24x128xf32> to vector<1x64xf32>
    %slice3A_20 = vector.extract_strided_slice %reshape3A {offsets = [17, 0], sizes = [1, 64], strides = [1, 1]} : vector<24x128xf32> to vector<1x64xf32>
    %slice3A_21 = vector.extract_strided_slice %reshape3A {offsets = [18, 0], sizes = [1, 64], strides = [1, 1]} : vector<24x128xf32> to vector<1x64xf32>
    %slice3A_22 = vector.extract_strided_slice %reshape3A {offsets = [19, 0], sizes = [1, 64], strides = [1, 1]} : vector<24x128xf32> to vector<1x64xf32>
    %slice3A_23 = vector.extract_strided_slice %reshape3A {offsets = [20, 0], sizes = [1, 64], strides = [1, 1]} : vector<24x128xf32> to vector<1x64xf32>
    %slice3A_24 = vector.extract_strided_slice %reshape3A {offsets = [21, 0], sizes = [1, 64], strides = [1, 1]} : vector<24x128xf32> to vector<1x64xf32>
    %slice3A_25 = vector.extract_strided_slice %reshape3A {offsets = [22, 0], sizes = [1, 64], strides = [1, 1]} : vector<24x128xf32> to vector<1x64xf32>
    %slice3A_26 = vector.extract_strided_slice %reshape3A {offsets = [23, 0], sizes = [1, 64], strides = [1, 1]} : vector<24x128xf32> to vector<1x64xf32>
    %concatenate3A_27 = tpu.concatenate %slice3A_19, %slice3A_20, %slice3A_21, %slice3A_22, %slice3A_23, %slice3A_24, %slice3A_25, %slice3A_26 in 1 : vector<1x64xf32>, vector<1x64xf32>, vector<1x64xf32>, vector<1x64xf32>, vector<1x64xf32>, vector<1x64xf32>, vector<1x64xf32>, vector<1x64xf32> -> vector<1x512xf32>
    %concatenate3A_28 = tpu.concatenate %concatenate3A, %concatenate3A_18, %concatenate3A_27 in 0 : vector<1x512xf32>, vector<1x512xf32>, vector<1x512xf32> -> vector<3x512xf32>
    %get3A_29 = arith.constant 0 : index
    %get3A_30 = arith.constant 0 : index
    %get3A_31 = arith.constant 0 : index
    %get3A_32 = vector.load %arg2[%get3A_29, %get3A_30, %get3A_31] : memref<3x8x128xf32, #tpu.memory_space<vmem>>, vector<3x8x128xf32>
    %reshape3A_33 = vector.shape_cast %get3A_32 : vector<3x8x128xf32> to vector<24x128xf32>
    %slice3A_34 = vector.extract_strided_slice %reshape3A_33 {offsets = [0, 0], sizes = [1, 64], strides = [1, 1]} : vector<24x128xf32> to vector<1x64xf32>
    %slice3A_35 = vector.extract_strided_slice %reshape3A_33 {offsets = [1, 0], sizes = [1, 64], strides = [1, 1]} : vector<24x128xf32> to vector<1x64xf32>
    %slice3A_36 = vector.extract_strided_slice %reshape3A_33 {offsets = [2, 0], sizes = [1, 64], strides = [1, 1]} : vector<24x128xf32> to vector<1x64xf32>
    %slice3A_37 = vector.extract_strided_slice %reshape3A_33 {offsets = [3, 0], sizes = [1, 64], strides = [1, 1]} : vector<24x128xf32> to vector<1x64xf32>
    %slice3A_38 = vector.extract_strided_slice %reshape3A_33 {offsets = [4, 0], sizes = [1, 64], strides = [1, 1]} : vector<24x128xf32> to vector<1x64xf32>
    %slice3A_39 = vector.extract_strided_slice %reshape3A_33 {offsets = [5, 0], sizes = [1, 64], strides = [1, 1]} : vector<24x128xf32> to vector<1x64xf32>
    %slice3A_40 = vector.extract_strided_slice %reshape3A_33 {offsets = [6, 0], sizes = [1, 64], strides = [1, 1]} : vector<24x128xf32> to vector<1x64xf32>
    %slice3A_41 = vector.extract_strided_slice %reshape3A_33 {offsets = [7, 0], sizes = [1, 64], strides = [1, 1]} : vector<24x128xf32> to vector<1x64xf32>
    %concatenate3A_42 = tpu.concatenate %slice3A_34, %slice3A_35, %slice3A_36, %slice3A_37, %slice3A_38, %slice3A_39, %slice3A_40, %slice3A_41 in 1 : vector<1x64xf32>, vector<1x64xf32>, vector<1x64xf32>, vector<1x64xf32>, vector<1x64xf32>, vector<1x64xf32>, vector<1x64xf32>, vector<1x64xf32> -> vector<1x512xf32>
    %slice3A_43 = vector.extract_strided_slice %reshape3A_33 {offsets = [8, 0], sizes = [1, 64], strides = [1, 1]} : vector<24x128xf32> to vector<1x64xf32>
    %slice3A_44 = vector.extract_strided_slice %reshape3A_33 {offsets = [9, 0], sizes = [1, 64], strides = [1, 1]} : vector<24x128xf32> to vector<1x64xf32>
    %slice3A_45 = vector.extract_strided_slice %reshape3A_33 {offsets = [10, 0], sizes = [1, 64], strides = [1, 1]} : vector<24x128xf32> to vector<1x64xf32>
    %slice3A_46 = vector.extract_strided_slice %reshape3A_33 {offsets = [11, 0], sizes = [1, 64], strides = [1, 1]} : vector<24x128xf32> to vector<1x64xf32>
    %slice3A_47 = vector.extract_strided_slice %reshape3A_33 {offsets = [12, 0], sizes = [1, 64], strides = [1, 1]} : vector<24x128xf32> to vector<1x64xf32>
    %slice3A_48 = vector.extract_strided_slice %reshape3A_33 {offsets = [13, 0], sizes = [1, 64], strides = [1, 1]} : vector<24x128xf32> to vector<1x64xf32>
    %slice3A_49 = vector.extract_strided_slice %reshape3A_33 {offsets = [14, 0], sizes = [1, 64], strides = [1, 1]} : vector<24x128xf32> to vector<1x64xf32>
    %slice3A_50 = vector.extract_strided_slice %reshape3A_33 {offsets = [15, 0], sizes = [1, 64], strides = [1, 1]} : vector<24x128xf32> to vector<1x64xf32>
    %concatenate3A_51 = tpu.concatenate %slice3A_43, %slice3A_44, %slice3A_45, %slice3A_46, %slice3A_47, %slice3A_48, %slice3A_49, %slice3A_50 in 1 : vector<1x64xf32>, vector<1x64xf32>, vector<1x64xf32>, vector<1x64xf32>, vector<1x64xf32>, vector<1x64xf32>, vector<1x64xf32>, vector<1x64xf32> -> vector<1x512xf32>
    %slice3A_52 = vector.extract_strided_slice %reshape3A_33 {offsets = [16, 0], sizes = [1, 64], strides = [1, 1]} : vector<24x128xf32> to vector<1x64xf32>
    %slice3A_53 = vector.extract_strided_slice %reshape3A_33 {offsets = [17, 0], sizes = [1, 64], strides = [1, 1]} : vector<24x128xf32> to vector<1x64xf32>
    %slice3A_54 = vector.extract_strided_slice %reshape3A_33 {offsets = [18, 0], sizes = [1, 64], strides = [1, 1]} : vector<24x128xf32> to vector<1x64xf32>
    %slice3A_55 = vector.extract_strided_slice %reshape3A_33 {offsets = [19, 0], sizes = [1, 64], strides = [1, 1]} : vector<24x128xf32> to vector<1x64xf32>
    %slice3A_56 = vector.extract_strided_slice %reshape3A_33 {offsets = [20, 0], sizes = [1, 64], strides = [1, 1]} : vector<24x128xf32> to vector<1x64xf32>
    %slice3A_57 = vector.extract_strided_slice %reshape3A_33 {offsets = [21, 0], sizes = [1, 64], strides = [1, 1]} : vector<24x128xf32> to vector<1x64xf32>
    %slice3A_58 = vector.extract_strided_slice %reshape3A_33 {offsets = [22, 0], sizes = [1, 64], strides = [1, 1]} : vector<24x128xf32> to vector<1x64xf32>
    %slice3A_59 = vector.extract_strided_slice %reshape3A_33 {offsets = [23, 0], sizes = [1, 64], strides = [1, 1]} : vector<24x128xf32> to vector<1x64xf32>
    %concatenate3A_60 = tpu.concatenate %slice3A_52, %slice3A_53, %slice3A_54, %slice3A_55, %slice3A_56, %slice3A_57, %slice3A_58, %slice3A_59 in 1 : vector<1x64xf32>, vector<1x64xf32>, vector<1x64xf32>, vector<1x64xf32>, vector<1x64xf32>, vector<1x64xf32>, vector<1x64xf32>, vector<1x64xf32> -> vector<1x512xf32>
    %concatenate3A_61 = tpu.concatenate %concatenate3A_42, %concatenate3A_51, %concatenate3A_60 in 0 : vector<1x512xf32>, vector<1x512xf32>, vector<1x512xf32> -> vector<3x512xf32>
    %get3A_62 = arith.constant 0 : index
    %get3A_63 = arith.constant 0 : index
    %get3A_64 = arith.constant 0 : index
    %get3A_65 = vector.load %arg3[%get3A_62, %get3A_63, %get3A_64] : memref<3x8x128xf32, #tpu.memory_space<vmem>>, vector<3x8x128xf32>
    %reshape3A_66 = vector.shape_cast %get3A_65 : vector<3x8x128xf32> to vector<24x128xf32>
    %slice3A_67 = vector.extract_strided_slice %reshape3A_66 {offsets = [0, 0], sizes = [1, 64], strides = [1, 1]} : vector<24x128xf32> to vector<1x64xf32>
    %slice3A_68 = vector.extract_strided_slice %reshape3A_66 {offsets = [1, 0], sizes = [1, 64], strides = [1, 1]} : vector<24x128xf32> to vector<1x64xf32>
    %slice3A_69 = vector.extract_strided_slice %reshape3A_66 {offsets = [2, 0], sizes = [1, 64], strides = [1, 1]} : vector<24x128xf32> to vector<1x64xf32>
    %slice3A_70 = vector.extract_strided_slice %reshape3A_66 {offsets = [3, 0], sizes = [1, 64], strides = [1, 1]} : vector<24x128xf32> to vector<1x64xf32>
    %slice3A_71 = vector.extract_strided_slice %reshape3A_66 {offsets = [4, 0], sizes = [1, 64], strides = [1, 1]} : vector<24x128xf32> to vector<1x64xf32>
    %slice3A_72 = vector.extract_strided_slice %reshape3A_66 {offsets = [5, 0], sizes = [1, 64], strides = [1, 1]} : vector<24x128xf32> to vector<1x64xf32>
    %slice3A_73 = vector.extract_strided_slice %reshape3A_66 {offsets = [6, 0], sizes = [1, 64], strides = [1, 1]} : vector<24x128xf32> to vector<1x64xf32>
    %slice3A_74 = vector.extract_strided_slice %reshape3A_66 {offsets = [7, 0], sizes = [1, 64], strides = [1, 1]} : vector<24x128xf32> to vector<1x64xf32>
    %concatenate3A_75 = tpu.concatenate %slice3A_67, %slice3A_68, %slice3A_69, %slice3A_70, %slice3A_71, %slice3A_72, %slice3A_73, %slice3A_74 in 1 : vector<1x64xf32>, vector<1x64xf32>, vector<1x64xf32>, vector<1x64xf32>, vector<1x64xf32>, vector<1x64xf32>, vector<1x64xf32>, vector<1x64xf32> -> vector<1x512xf32>
    %slice3A_76 = vector.extract_strided_slice %reshape3A_66 {offsets = [8, 0], sizes = [1, 64], strides = [1, 1]} : vector<24x128xf32> to vector<1x64xf32>
    %slice3A_77 = vector.extract_strided_slice %reshape3A_66 {offsets = [9, 0], sizes = [1, 64], strides = [1, 1]} : vector<24x128xf32> to vector<1x64xf32>
    %slice3A_78 = vector.extract_strided_slice %reshape3A_66 {offsets = [10, 0], sizes = [1, 64], strides = [1, 1]} : vector<24x128xf32> to vector<1x64xf32>
    %slice3A_79 = vector.extract_strided_slice %reshape3A_66 {offsets = [11, 0], sizes = [1, 64], strides = [1, 1]} : vector<24x128xf32> to vector<1x64xf32>
    %slice3A_80 = vector.extract_strided_slice %reshape3A_66 {offsets = [12, 0], sizes = [1, 64], strides = [1, 1]} : vector<24x128xf32> to vector<1x64xf32>
    %slice3A_81 = vector.extract_strided_slice %reshape3A_66 {offsets = [13, 0], sizes = [1, 64], strides = [1, 1]} : vector<24x128xf32> to vector<1x64xf32>
    %slice3A_82 = vector.extract_strided_slice %reshape3A_66 {offsets = [14, 0], sizes = [1, 64], strides = [1, 1]} : vector<24x128xf32> to vector<1x64xf32>
    %slice3A_83 = vector.extract_strided_slice %reshape3A_66 {offsets = [15, 0], sizes = [1, 64], strides = [1, 1]} : vector<24x128xf32> to vector<1x64xf32>
    %concatenate3A_84 = tpu.concatenate %slice3A_76, %slice3A_77, %slice3A_78, %slice3A_79, %slice3A_80, %slice3A_81, %slice3A_82, %slice3A_83 in 1 : vector<1x64xf32>, vector<1x64xf32>, vector<1x64xf32>, vector<1x64xf32>, vector<1x64xf32>, vector<1x64xf32>, vector<1x64xf32>, vector<1x64xf32> -> vector<1x512xf32>
    %slice3A_85 = vector.extract_strided_slice %reshape3A_66 {offsets = [16, 0], sizes = [1, 64], strides = [1, 1]} : vector<24x128xf32> to vector<1x64xf32>
    %slice3A_86 = vector.extract_strided_slice %reshape3A_66 {offsets = [17, 0], sizes = [1, 64], strides = [1, 1]} : vector<24x128xf32> to vector<1x64xf32>
    %slice3A_87 = vector.extract_strided_slice %reshape3A_66 {offsets = [18, 0], sizes = [1, 64], strides = [1, 1]} : vector<24x128xf32> to vector<1x64xf32>
    %slice3A_88 = vector.extract_strided_slice %reshape3A_66 {offsets = [19, 0], sizes = [1, 64], strides = [1, 1]} : vector<24x128xf32> to vector<1x64xf32>
    %slice3A_89 = vector.extract_strided_slice %reshape3A_66 {offsets = [20, 0], sizes = [1, 64], strides = [1, 1]} : vector<24x128xf32> to vector<1x64xf32>
    %slice3A_90 = vector.extract_strided_slice %reshape3A_66 {offsets = [21, 0], sizes = [1, 64], strides = [1, 1]} : vector<24x128xf32> to vector<1x64xf32>
    %slice3A_91 = vector.extract_strided_slice %reshape3A_66 {offsets = [22, 0], sizes = [1, 64], strides = [1, 1]} : vector<24x128xf32> to vector<1x64xf32>
    %slice3A_92 = vector.extract_strided_slice %reshape3A_66 {offsets = [23, 0], sizes = [1, 64], strides = [1, 1]} : vector<24x128xf32> to vector<1x64xf32>
    %concatenate3A_93 = tpu.concatenate %slice3A_85, %slice3A_86, %slice3A_87, %slice3A_88, %slice3A_89, %slice3A_90, %slice3A_91, %slice3A_92 in 1 : vector<1x64xf32>, vector<1x64xf32>, vector<1x64xf32>, vector<1x64xf32>, vector<1x64xf32>, vector<1x64xf32>, vector<1x64xf32>, vector<1x64xf32> -> vector<1x512xf32>
    %concatenate3A_94 = tpu.concatenate %concatenate3A_75, %concatenate3A_84, %concatenate3A_93 in 0 : vector<1x512xf32>, vector<1x512xf32>, vector<1x512xf32> -> vector<3x512xf32>
    %get3A_95 = arith.constant 0 : index
    %get3A_96 = arith.constant 0 : index
    %get3A_97 = vector.load %arg5[%get3A_95, %get3A_96] : memref<3x16xf32, #tpu.memory_space<vmem>>, vector<3x16xf32>
    %dot_general3A = arith.constant dense<0.000000e+00> : vector<512x16xf32>
    %dot_general3A_98 = tpu.matmul %concatenate3A_28, %get3A_97, %dot_general3A {dimension_numbers = #tpu.dot_dimension_numbers<[0], [0], [1], [1], [0, 1, 1, 1], [], []>, transpose_lhs_hint = false} : vector<3x512xf32>, vector<3x16xf32>, vector<512x16xf32> -> vector<512x16xf32>
    %get3A_99 = arith.constant 0 : index
    %get3A_100 = vector.load %arg6[%get3A_99] : memref<16xf32, #tpu.memory_space<vmem>>, vector<16xf32>
    %reshape3A_101 = vector.shape_cast %get3A_100 : vector<16xf32> to vector<1x16xf32>
    %add3A = vector.broadcast %reshape3A_101 : vector<1x16xf32> to vector<512x16xf32>
    %add3A_102 = arith.addf %dot_general3A_98, %add3A : vector<512x16xf32>
    %max3A = arith.constant 0.000000e+00 : f32
    %max3A_103 = vector.broadcast %max3A : f32 to vector<512x16xf32>
    %max3A_104 = arith.maximumf %add3A_102, %max3A_103 : vector<512x16xf32>
    %get3A_105 = arith.constant 0 : index
    %get3A_106 = arith.constant 0 : index
    %get3A_107 = vector.load %arg7[%get3A_105, %get3A_106] : memref<16x32xf32, #tpu.memory_space<vmem>>, vector<16x32xf32>
    %dot_general3A_108 = arith.constant dense<0.000000e+00> : vector<512x32xf32>
    %dot_general3A_109 = tpu.matmul %max3A_104, %get3A_107, %dot_general3A_108 {dimension_numbers = #tpu.dot_dimension_numbers<[1], [0], [0], [1], [0, 0, 1, 1], [], []>, transpose_lhs_hint = false} : vector<512x16xf32>, vector<16x32xf32>, vector<512x32xf32> -> vector<512x32xf32>
    %get3A_110 = arith.constant 0 : index
    %get3A_111 = vector.load %arg8[%get3A_110] : memref<32xf32, #tpu.memory_space<vmem>>, vector<32xf32>
    %reshape3A_112 = vector.shape_cast %get3A_111 : vector<32xf32> to vector<1x32xf32>
    %add3A_113 = vector.broadcast %reshape3A_112 : vector<1x32xf32> to vector<512x32xf32>
    %add3A_114 = arith.addf %dot_general3A_109, %add3A_113 : vector<512x32xf32>
    %max3A_115 = arith.constant 0.000000e+00 : f32
    %max3A_116 = vector.broadcast %max3A_115 : f32 to vector<512x32xf32>
    %max3A_117 = arith.maximumf %add3A_114, %max3A_116 : vector<512x32xf32>
    %get3A_118 = arith.constant 0 : index
    %get3A_119 = arith.constant 0 : index
    %get3A_120 = vector.load %arg9[%get3A_118, %get3A_119] : memref<32x64xf32, #tpu.memory_space<vmem>>, vector<32x64xf32>
    %dot_general3A_121 = arith.constant dense<0.000000e+00> : vector<512x64xf32>
    %dot_general3A_122 = tpu.matmul %max3A_117, %get3A_120, %dot_general3A_121 {dimension_numbers = #tpu.dot_dimension_numbers<[1], [0], [0], [1], [0, 0, 1, 1], [], []>, transpose_lhs_hint = false} : vector<512x32xf32>, vector<32x64xf32>, vector<512x64xf32> -> vector<512x64xf32>
    %get3A_123 = arith.constant 0 : index
    %get3A_124 = vector.load %arg10[%get3A_123] : memref<64xf32, #tpu.memory_space<vmem>>, vector<64xf32>
    %reshape3A_125 = vector.shape_cast %get3A_124 : vector<64xf32> to vector<1x64xf32>
    %add3A_126 = vector.broadcast %reshape3A_125 : vector<1x64xf32> to vector<512x64xf32>
    %add3A_127 = arith.addf %dot_general3A_122, %add3A_126 : vector<512x64xf32>
    %get3A_128 = arith.constant 0 : index
    %get3A_129 = arith.constant 0 : index
    %get3A_130 = vector.load %arg11[%get3A_128, %get3A_129] : memref<3x16xf32, #tpu.memory_space<vmem>>, vector<3x16xf32>
    %dot_general3A_131 = arith.constant dense<0.000000e+00> : vector<512x16xf32>
    %dot_general3A_132 = tpu.matmul %concatenate3A_61, %get3A_130, %dot_general3A_131 {dimension_numbers = #tpu.dot_dimension_numbers<[0], [0], [1], [1], [0, 1, 1, 1], [], []>, transpose_lhs_hint = false} : vector<3x512xf32>, vector<3x16xf32>, vector<512x16xf32> -> vector<512x16xf32>
    %get3A_133 = arith.constant 0 : index
    %get3A_134 = vector.load %arg12[%get3A_133] : memref<16xf32, #tpu.memory_space<vmem>>, vector<16xf32>
    %reshape3A_135 = vector.shape_cast %get3A_134 : vector<16xf32> to vector<1x16xf32>
    %add3A_136 = vector.broadcast %reshape3A_135 : vector<1x16xf32> to vector<512x16xf32>
    %add3A_137 = arith.addf %dot_general3A_132, %add3A_136 : vector<512x16xf32>
    %max3A_138 = arith.constant 0.000000e+00 : f32
    %max3A_139 = vector.broadcast %max3A_138 : f32 to vector<512x16xf32>
    %max3A_140 = arith.maximumf %add3A_137, %max3A_139 : vector<512x16xf32>
    %get3A_141 = arith.constant 0 : index
    %get3A_142 = arith.constant 0 : index
    %get3A_143 = vector.load %arg13[%get3A_141, %get3A_142] : memref<16x32xf32, #tpu.memory_space<vmem>>, vector<16x32xf32>
    %dot_general3A_144 = arith.constant dense<0.000000e+00> : vector<512x32xf32>
    %dot_general3A_145 = tpu.matmul %max3A_140, %get3A_143, %dot_general3A_144 {dimension_numbers = #tpu.dot_dimension_numbers<[1], [0], [0], [1], [0, 0, 1, 1], [], []>, transpose_lhs_hint = false} : vector<512x16xf32>, vector<16x32xf32>, vector<512x32xf32> -> vector<512x32xf32>
    %get3A_146 = arith.constant 0 : index
    %get3A_147 = vector.load %arg14[%get3A_146] : memref<32xf32, #tpu.memory_space<vmem>>, vector<32xf32>
    %reshape3A_148 = vector.shape_cast %get3A_147 : vector<32xf32> to vector<1x32xf32>
    %add3A_149 = vector.broadcast %reshape3A_148 : vector<1x32xf32> to vector<512x32xf32>
    %add3A_150 = arith.addf %dot_general3A_145, %add3A_149 : vector<512x32xf32>
    %max3A_151 = arith.constant 0.000000e+00 : f32
    %max3A_152 = vector.broadcast %max3A_151 : f32 to vector<512x32xf32>
    %max3A_153 = arith.maximumf %add3A_150, %max3A_152 : vector<512x32xf32>
    %get3A_154 = arith.constant 0 : index
    %get3A_155 = arith.constant 0 : index
    %get3A_156 = vector.load %arg15[%get3A_154, %get3A_155] : memref<32x64xf32, #tpu.memory_space<vmem>>, vector<32x64xf32>
    %dot_general3A_157 = arith.constant dense<0.000000e+00> : vector<512x64xf32>
    %dot_general3A_158 = tpu.matmul %max3A_153, %get3A_156, %dot_general3A_157 {dimension_numbers = #tpu.dot_dimension_numbers<[1], [0], [0], [1], [0, 0, 1, 1], [], []>, transpose_lhs_hint = false} : vector<512x32xf32>, vector<32x64xf32>, vector<512x64xf32> -> vector<512x64xf32>
    %get3A_159 = arith.constant 0 : index
    %get3A_160 = vector.load %arg16[%get3A_159] : memref<64xf32, #tpu.memory_space<vmem>>, vector<64xf32>
    %reshape3A_161 = vector.shape_cast %get3A_160 : vector<64xf32> to vector<1x64xf32>
    %add3A_162 = vector.broadcast %reshape3A_161 : vector<1x64xf32> to vector<512x64xf32>
    %add3A_163 = arith.addf %dot_general3A_158, %add3A_162 : vector<512x64xf32>
    %get3A_164 = arith.constant 0 : index
    %get3A_165 = arith.constant 0 : index
    %get3A_166 = vector.load %arg17[%get3A_164, %get3A_165] : memref<3x16xf32, #tpu.memory_space<vmem>>, vector<3x16xf32>
    %dot_general3A_167 = arith.constant dense<0.000000e+00> : vector<512x16xf32>
    %dot_general3A_168 = tpu.matmul %concatenate3A_94, %get3A_166, %dot_general3A_167 {dimension_numbers = #tpu.dot_dimension_numbers<[0], [0], [1], [1], [0, 1, 1, 1], [], []>, transpose_lhs_hint = false} : vector<3x512xf32>, vector<3x16xf32>, vector<512x16xf32> -> vector<512x16xf32>
    %get3A_169 = arith.constant 0 : index
    %get3A_170 = vector.load %arg18[%get3A_169] : memref<16xf32, #tpu.memory_space<vmem>>, vector<16xf32>
    %reshape3A_171 = vector.shape_cast %get3A_170 : vector<16xf32> to vector<1x16xf32>
    %add3A_172 = vector.broadcast %reshape3A_171 : vector<1x16xf32> to vector<512x16xf32>
    %add3A_173 = arith.addf %dot_general3A_168, %add3A_172 : vector<512x16xf32>
    %max3A_174 = arith.constant 0.000000e+00 : f32
    %max3A_175 = vector.broadcast %max3A_174 : f32 to vector<512x16xf32>
    %max3A_176 = arith.maximumf %add3A_173, %max3A_175 : vector<512x16xf32>
    %get3A_177 = arith.constant 0 : index
    %get3A_178 = arith.constant 0 : index
    %get3A_179 = vector.load %arg19[%get3A_177, %get3A_178] : memref<16x32xf32, #tpu.memory_space<vmem>>, vector<16x32xf32>
    %dot_general3A_180 = arith.constant dense<0.000000e+00> : vector<512x32xf32>
    %dot_general3A_181 = tpu.matmul %max3A_176, %get3A_179, %dot_general3A_180 {dimension_numbers = #tpu.dot_dimension_numbers<[1], [0], [0], [1], [0, 0, 1, 1], [], []>, transpose_lhs_hint = false} : vector<512x16xf32>, vector<16x32xf32>, vector<512x32xf32> -> vector<512x32xf32>
    %get3A_182 = arith.constant 0 : index
    %get3A_183 = vector.load %arg20[%get3A_182] : memref<32xf32, #tpu.memory_space<vmem>>, vector<32xf32>
    %reshape3A_184 = vector.shape_cast %get3A_183 : vector<32xf32> to vector<1x32xf32>
    %add3A_185 = vector.broadcast %reshape3A_184 : vector<1x32xf32> to vector<512x32xf32>
    %add3A_186 = arith.addf %dot_general3A_181, %add3A_185 : vector<512x32xf32>
    %max3A_187 = arith.constant 0.000000e+00 : f32
    %max3A_188 = vector.broadcast %max3A_187 : f32 to vector<512x32xf32>
    %max3A_189 = arith.maximumf %add3A_186, %max3A_188 : vector<512x32xf32>
    %get3A_190 = arith.constant 0 : index
    %get3A_191 = arith.constant 0 : index
    %get3A_192 = vector.load %arg21[%get3A_190, %get3A_191] : memref<32x64xf32, #tpu.memory_space<vmem>>, vector<32x64xf32>
    %dot_general3A_193 = arith.constant dense<0.000000e+00> : vector<512x64xf32>
    %dot_general3A_194 = tpu.matmul %max3A_189, %get3A_192, %dot_general3A_193 {dimension_numbers = #tpu.dot_dimension_numbers<[1], [0], [0], [1], [0, 0, 1, 1], [], []>, transpose_lhs_hint = false} : vector<512x32xf32>, vector<32x64xf32>, vector<512x64xf32> -> vector<512x64xf32>
    %get3A_195 = arith.constant 0 : index
    %get3A_196 = vector.load %arg22[%get3A_195] : memref<64xf32, #tpu.memory_space<vmem>>, vector<64xf32>
    %reshape3A_197 = vector.shape_cast %get3A_196 : vector<64xf32> to vector<1x64xf32>
    %add3A_198 = vector.broadcast %reshape3A_197 : vector<1x64xf32> to vector<512x64xf32>
    %add3A_199 = arith.addf %dot_general3A_194, %add3A_198 : vector<512x64xf32>
    %concatenate3A_200 = tpu.concatenate %add3A_127, %add3A_163, %add3A_199 in 1 : vector<512x64xf32>, vector<512x64xf32>, vector<512x64xf32> -> vector<512x192xf32>
    %get3A_201 = arith.constant 0 : index
    %get3A_202 = vector.load %arg4[%get3A_201] : memref<512xi32, #tpu.memory_space<vmem>>, vector<512xi32>
    %reshape3A_203 = vector.shape_cast %get3A_202 : vector<512xi32> to vector<1x512xi32>
    %iota3A = tpu.iota {dimensions = array<i32: 0>} : vector<64x64xi32>
    %iota3A_204 = tpu.iota {dimensions = array<i32: 1>} : vector<64x64xi32>
    %slice3A_205 = vector.extract_strided_slice %reshape3A_203 {offsets = [0, 0], sizes = [1, 64], strides = [1, 1]} : vector<1x512xi32> to vector<1x64xi32>
    %eq3A = vector.broadcast %slice3A_205 : vector<1x64xi32> to vector<64x64xi32>
    %eq3A_206 = arith.cmpi eq, %iota3A, %eq3A : vector<64x64xi32>
    %add3A_207 = arith.constant 1 : i32
    %add3A_208 = vector.broadcast %add3A_207 : i32 to vector<64x64xi32>
    %add3A_209 = arith.addi %iota3A_204, %add3A_208 : vector<64x64xi32>
    %jit3A = arith.constant 0 : i32
    %broadcast_in_dim3A = vector.broadcast %jit3A : i32 to vector<64x64xi32>
    %select_n3A = arith.select %eq3A_206, %add3A_209, %broadcast_in_dim3A : vector<64x64xi1>, vector<64x64xi32>
    %reduce_max3A = arith.constant dense<-2147483648> : vector<64xi32>
    %reduce_max3A_210 = vector.multi_reduction <maxsi>, %select_n3A, %reduce_max3A [1] : vector<64x64xi32> to vector<64xi32>
    %broadcast_in_dim3A_211 = vector.shape_cast %reduce_max3A_210 : vector<64xi32> to vector<64x1xi32>
    %eq3A_212 = vector.broadcast %broadcast_in_dim3A_211 : vector<64x1xi32> to vector<64x64xi32>
    %eq3A_213 = arith.cmpi eq, %select_n3A, %eq3A_212 : vector<64x64xi32>
    %gt3A = arith.constant 0 : i32
    %gt3A_214 = vector.broadcast %gt3A : i32 to vector<64x1xi32>
    %gt3A_215 = arith.cmpi sgt, %broadcast_in_dim3A_211, %gt3A_214 : vector<64x1xi32>
    %and3A = vector.broadcast %gt3A_215 : vector<64x1xi1> to vector<64x64xi1>
    %and3A_216 = arith.andi %eq3A_213, %and3A : vector<64x64xi1>
    %convert_element_type3A = arith.extui %and3A_216 : vector<64x64xi1> to vector<64x64xi32>
    %convert_element_type3A_217 = arith.sitofp %convert_element_type3A : vector<64x64xi32> to vector<64x64xf32>
    %slice3A_218 = vector.extract_strided_slice %concatenate3A_200 {offsets = [0, 0], sizes = [64, 192], strides = [1, 1]} : vector<512x192xf32> to vector<64x192xf32>
    %dot_general3A_219 = arith.constant dense<0.000000e+00> : vector<64x192xf32>
    %dot_general3A_220 = tpu.matmul %convert_element_type3A_217, %slice3A_218, %dot_general3A_219 {dimension_numbers = #tpu.dot_dimension_numbers<[1], [0], [0], [1], [0, 0, 1, 1], [], []>, transpose_lhs_hint = false} : vector<64x64xf32>, vector<64x192xf32>, vector<64x192xf32> -> vector<64x192xf32>
    %swap3A = arith.constant 0 : index
    %swap3A_221 = arith.constant 0 : index
    %swap3A_222 = arith.constant 0 : index
    %swap3A_223 = vector.load %arg38[%swap3A, %swap3A_221, %swap3A_222] : memref<8x64x192xf32, #tpu.memory_space<vmem>>, vector<1x64x192xf32>
    %swap3A_224 = vector.shape_cast %swap3A_223 : vector<1x64x192xf32> to vector<64x192xf32>
    %swap3A_225 = vector.shape_cast %dot_general3A_220 : vector<64x192xf32> to vector<1x64x192xf32>
    tpu.vector_store %arg38[%swap3A, %swap3A_221, %swap3A_222], %swap3A_225 {strides = array<i32>} : memref<8x64x192xf32, #tpu.memory_space<vmem>>, vector<1x64x192xf32>,
    %slice3A_226 = vector.extract_strided_slice %reshape3A_203 {offsets = [0, 64], sizes = [1, 64], strides = [1, 1]} : vector<1x512xi32> to vector<1x64xi32>
    %eq3A_227 = vector.broadcast %slice3A_226 : vector<1x64xi32> to vector<64x64xi32>
    %eq3A_228 = arith.cmpi eq, %iota3A, %eq3A_227 : vector<64x64xi32>
    %add3A_229 = arith.constant 1 : i32
    %add3A_230 = vector.broadcast %add3A_229 : i32 to vector<64x64xi32>
    %add3A_231 = arith.addi %iota3A_204, %add3A_230 : vector<64x64xi32>
    %jit3A_232 = arith.constant 0 : i32
    %broadcast_in_dim3A_233 = vector.broadcast %jit3A_232 : i32 to vector<64x64xi32>
    %select_n3A_234 = arith.select %eq3A_228, %add3A_231, %broadcast_in_dim3A_233 : vector<64x64xi1>, vector<64x64xi32>
    %reduce_max3A_235 = arith.constant dense<-2147483648> : vector<64xi32>
    %reduce_max3A_236 = vector.multi_reduction <maxsi>, %select_n3A_234, %reduce_max3A_235 [1] : vector<64x64xi32> to vector<64xi32>
    %broadcast_in_dim3A_237 = vector.shape_cast %reduce_max3A_236 : vector<64xi32> to vector<64x1xi32>
    %eq3A_238 = vector.broadcast %broadcast_in_dim3A_237 : vector<64x1xi32> to vector<64x64xi32>
    %eq3A_239 = arith.cmpi eq, %select_n3A_234, %eq3A_238 : vector<64x64xi32>
    %gt3A_240 = arith.constant 0 : i32
    %gt3A_241 = vector.broadcast %gt3A_240 : i32 to vector<64x1xi32>
    %gt3A_242 = arith.cmpi sgt, %broadcast_in_dim3A_237, %gt3A_241 : vector<64x1xi32>
    %and3A_243 = vector.broadcast %gt3A_242 : vector<64x1xi1> to vector<64x64xi1>
    %and3A_244 = arith.andi %eq3A_239, %and3A_243 : vector<64x64xi1>
    %convert_element_type3A_245 = arith.extui %and3A_244 : vector<64x64xi1> to vector<64x64xi32>
    %convert_element_type3A_246 = arith.sitofp %convert_element_type3A_245 : vector<64x64xi32> to vector<64x64xf32>
    %slice3A_247 = vector.extract_strided_slice %concatenate3A_200 {offsets = [64, 0], sizes = [64, 192], strides = [1, 1]} : vector<512x192xf32> to vector<64x192xf32>
    %dot_general3A_248 = arith.constant dense<0.000000e+00> : vector<64x192xf32>
    %dot_general3A_249 = tpu.matmul %convert_element_type3A_246, %slice3A_247, %dot_general3A_248 {dimension_numbers = #tpu.dot_dimension_numbers<[1], [0], [0], [1], [0, 0, 1, 1], [], []>, transpose_lhs_hint = false} : vector<64x64xf32>, vector<64x192xf32>, vector<64x192xf32> -> vector<64x192xf32>
    %swap3A_250 = arith.constant 1 : index
    %swap3A_251 = arith.constant 0 : index
    %swap3A_252 = arith.constant 0 : index
    %swap3A_253 = vector.load %arg38[%swap3A_250, %swap3A_251, %swap3A_252] : memref<8x64x192xf32, #tpu.memory_space<vmem>>, vector<1x64x192xf32>
    %swap3A_254 = vector.shape_cast %swap3A_253 : vector<1x64x192xf32> to vector<64x192xf32>
    %swap3A_255 = vector.shape_cast %dot_general3A_249 : vector<64x192xf32> to vector<1x64x192xf32>
    tpu.vector_store %arg38[%swap3A_250, %swap3A_251, %swap3A_252], %swap3A_255 {strides = array<i32>} : memref<8x64x192xf32, #tpu.memory_space<vmem>>, vector<1x64x192xf32>,
    %slice3A_256 = vector.extract_strided_slice %reshape3A_203 {offsets = [0, 128], sizes = [1, 64], strides = [1, 1]} : vector<1x512xi32> to vector<1x64xi32>
    %eq3A_257 = vector.broadcast %slice3A_256 : vector<1x64xi32> to vector<64x64xi32>
    %eq3A_258 = arith.cmpi eq, %iota3A, %eq3A_257 : vector<64x64xi32>
    %add3A_259 = arith.constant 1 : i32
    %add3A_260 = vector.broadcast %add3A_259 : i32 to vector<64x64xi32>
    %add3A_261 = arith.addi %iota3A_204, %add3A_260 : vector<64x64xi32>
    %jit3A_262 = arith.constant 0 : i32
    %broadcast_in_dim3A_263 = vector.broadcast %jit3A_262 : i32 to vector<64x64xi32>
    %select_n3A_264 = arith.select %eq3A_258, %add3A_261, %broadcast_in_dim3A_263 : vector<64x64xi1>, vector<64x64xi32>
    %reduce_max3A_265 = arith.constant dense<-2147483648> : vector<64xi32>
    %reduce_max3A_266 = vector.multi_reduction <maxsi>, %select_n3A_264, %reduce_max3A_265 [1] : vector<64x64xi32> to vector<64xi32>
    %broadcast_in_dim3A_267 = vector.shape_cast %reduce_max3A_266 : vector<64xi32> to vector<64x1xi32>
    %eq3A_268 = vector.broadcast %broadcast_in_dim3A_267 : vector<64x1xi32> to vector<64x64xi32>
    %eq3A_269 = arith.cmpi eq, %select_n3A_264, %eq3A_268 : vector<64x64xi32>
    %gt3A_270 = arith.constant 0 : i32
    %gt3A_271 = vector.broadcast %gt3A_270 : i32 to vector<64x1xi32>
    %gt3A_272 = arith.cmpi sgt, %broadcast_in_dim3A_267, %gt3A_271 : vector<64x1xi32>
    %and3A_273 = vector.broadcast %gt3A_272 : vector<64x1xi1> to vector<64x64xi1>
    %and3A_274 = arith.andi %eq3A_269, %and3A_273 : vector<64x64xi1>
    %convert_element_type3A_275 = arith.extui %and3A_274 : vector<64x64xi1> to vector<64x64xi32>
    %convert_element_type3A_276 = arith.sitofp %convert_element_type3A_275 : vector<64x64xi32> to vector<64x64xf32>
    %slice3A_277 = vector.extract_strided_slice %concatenate3A_200 {offsets = [128, 0], sizes = [64, 192], strides = [1, 1]} : vector<512x192xf32> to vector<64x192xf32>
    %dot_general3A_278 = arith.constant dense<0.000000e+00> : vector<64x192xf32>
    %dot_general3A_279 = tpu.matmul %convert_element_type3A_276, %slice3A_277, %dot_general3A_278 {dimension_numbers = #tpu.dot_dimension_numbers<[1], [0], [0], [1], [0, 0, 1, 1], [], []>, transpose_lhs_hint = false} : vector<64x64xf32>, vector<64x192xf32>, vector<64x192xf32> -> vector<64x192xf32>
    %swap3A_280 = arith.constant 2 : index
    %swap3A_281 = arith.constant 0 : index
    %swap3A_282 = arith.constant 0 : index
    %swap3A_283 = vector.load %arg38[%swap3A_280, %swap3A_281, %swap3A_282] : memref<8x64x192xf32, #tpu.memory_space<vmem>>, vector<1x64x192xf32>
    %swap3A_284 = vector.shape_cast %swap3A_283 : vector<1x64x192xf32> to vector<64x192xf32>
    %swap3A_285 = vector.shape_cast %dot_general3A_279 : vector<64x192xf32> to vector<1x64x192xf32>
    tpu.vector_store %arg38[%swap3A_280, %swap3A_281, %swap3A_282], %swap3A_285 {strides = array<i32>} : memref<8x64x192xf32, #tpu.memory_space<vmem>>, vector<1x64x192xf32>,
    %slice3A_286 = vector.extract_strided_slice %reshape3A_203 {offsets = [0, 192], sizes = [1, 64], strides = [1, 1]} : vector<1x512xi32> to vector<1x64xi32>
    %eq3A_287 = vector.broadcast %slice3A_286 : vector<1x64xi32> to vector<64x64xi32>
    %eq3A_288 = arith.cmpi eq, %iota3A, %eq3A_287 : vector<64x64xi32>
    %add3A_289 = arith.constant 1 : i32
    %add3A_290 = vector.broadcast %add3A_289 : i32 to vector<64x64xi32>
    %add3A_291 = arith.addi %iota3A_204, %add3A_290 : vector<64x64xi32>
    %jit3A_292 = arith.constant 0 : i32
    %broadcast_in_dim3A_293 = vector.broadcast %jit3A_292 : i32 to vector<64x64xi32>
    %select_n3A_294 = arith.select %eq3A_288, %add3A_291, %broadcast_in_dim3A_293 : vector<64x64xi1>, vector<64x64xi32>
    %reduce_max3A_295 = arith.constant dense<-2147483648> : vector<64xi32>
    %reduce_max3A_296 = vector.multi_reduction <maxsi>, %select_n3A_294, %reduce_max3A_295 [1] : vector<64x64xi32> to vector<64xi32>
    %broadcast_in_dim3A_297 = vector.shape_cast %reduce_max3A_296 : vector<64xi32> to vector<64x1xi32>
    %eq3A_298 = vector.broadcast %broadcast_in_dim3A_297 : vector<64x1xi32> to vector<64x64xi32>
    %eq3A_299 = arith.cmpi eq, %select_n3A_294, %eq3A_298 : vector<64x64xi32>
    %gt3A_300 = arith.constant 0 : i32
    %gt3A_301 = vector.broadcast %gt3A_300 : i32 to vector<64x1xi32>
    %gt3A_302 = arith.cmpi sgt, %broadcast_in_dim3A_297, %gt3A_301 : vector<64x1xi32>
    %and3A_303 = vector.broadcast %gt3A_302 : vector<64x1xi1> to vector<64x64xi1>
    %and3A_304 = arith.andi %eq3A_299, %and3A_303 : vector<64x64xi1>
    %convert_element_type3A_305 = arith.extui %and3A_304 : vector<64x64xi1> to vector<64x64xi32>
    %convert_element_type3A_306 = arith.sitofp %convert_element_type3A_305 : vector<64x64xi32> to vector<64x64xf32>
    %slice3A_307 = vector.extract_strided_slice %concatenate3A_200 {offsets = [192, 0], sizes = [64, 192], strides = [1, 1]} : vector<512x192xf32> to vector<64x192xf32>
    %dot_general3A_308 = arith.constant dense<0.000000e+00> : vector<64x192xf32>
    %dot_general3A_309 = tpu.matmul %convert_element_type3A_306, %slice3A_307, %dot_general3A_308 {dimension_numbers = #tpu.dot_dimension_numbers<[1], [0], [0], [1], [0, 0, 1, 1], [], []>, transpose_lhs_hint = false} : vector<64x64xf32>, vector<64x192xf32>, vector<64x192xf32> -> vector<64x192xf32>
    %swap3A_310 = arith.constant 3 : index
    %swap3A_311 = arith.constant 0 : index
    %swap3A_312 = arith.constant 0 : index
    %swap3A_313 = vector.load %arg38[%swap3A_310, %swap3A_311, %swap3A_312] : memref<8x64x192xf32, #tpu.memory_space<vmem>>, vector<1x64x192xf32>
    %swap3A_314 = vector.shape_cast %swap3A_313 : vector<1x64x192xf32> to vector<64x192xf32>
    %swap3A_315 = vector.shape_cast %dot_general3A_309 : vector<64x192xf32> to vector<1x64x192xf32>
    tpu.vector_store %arg38[%swap3A_310, %swap3A_311, %swap3A_312], %swap3A_315 {strides = array<i32>} : memref<8x64x192xf32, #tpu.memory_space<vmem>>, vector<1x64x192xf32>,
    %slice3A_316 = vector.extract_strided_slice %reshape3A_203 {offsets = [0, 256], sizes = [1, 64], strides = [1, 1]} : vector<1x512xi32> to vector<1x64xi32>
    %eq3A_317 = vector.broadcast %slice3A_316 : vector<1x64xi32> to vector<64x64xi32>
    %eq3A_318 = arith.cmpi eq, %iota3A, %eq3A_317 : vector<64x64xi32>
    %add3A_319 = arith.constant 1 : i32
    %add3A_320 = vector.broadcast %add3A_319 : i32 to vector<64x64xi32>
    %add3A_321 = arith.addi %iota3A_204, %add3A_320 : vector<64x64xi32>
    %jit3A_322 = arith.constant 0 : i32
    %broadcast_in_dim3A_323 = vector.broadcast %jit3A_322 : i32 to vector<64x64xi32>
    %select_n3A_324 = arith.select %eq3A_318, %add3A_321, %broadcast_in_dim3A_323 : vector<64x64xi1>, vector<64x64xi32>
    %reduce_max3A_325 = arith.constant dense<-2147483648> : vector<64xi32>
    %reduce_max3A_326 = vector.multi_reduction <maxsi>, %select_n3A_324, %reduce_max3A_325 [1] : vector<64x64xi32> to vector<64xi32>
    %broadcast_in_dim3A_327 = vector.shape_cast %reduce_max3A_326 : vector<64xi32> to vector<64x1xi32>
    %eq3A_328 = vector.broadcast %broadcast_in_dim3A_327 : vector<64x1xi32> to vector<64x64xi32>
    %eq3A_329 = arith.cmpi eq, %select_n3A_324, %eq3A_328 : vector<64x64xi32>
    %gt3A_330 = arith.constant 0 : i32
    %gt3A_331 = vector.broadcast %gt3A_330 : i32 to vector<64x1xi32>
    %gt3A_332 = arith.cmpi sgt, %broadcast_in_dim3A_327, %gt3A_331 : vector<64x1xi32>
    %and3A_333 = vector.broadcast %gt3A_332 : vector<64x1xi1> to vector<64x64xi1>
    %and3A_334 = arith.andi %eq3A_329, %and3A_333 : vector<64x64xi1>
    %convert_element_type3A_335 = arith.extui %and3A_334 : vector<64x64xi1> to vector<64x64xi32>
    %convert_element_type3A_336 = arith.sitofp %convert_element_type3A_335 : vector<64x64xi32> to vector<64x64xf32>
    %slice3A_337 = vector.extract_strided_slice %concatenate3A_200 {offsets = [256, 0], sizes = [64, 192], strides = [1, 1]} : vector<512x192xf32> to vector<64x192xf32>
    %dot_general3A_338 = arith.constant dense<0.000000e+00> : vector<64x192xf32>
    %dot_general3A_339 = tpu.matmul %convert_element_type3A_336, %slice3A_337, %dot_general3A_338 {dimension_numbers = #tpu.dot_dimension_numbers<[1], [0], [0], [1], [0, 0, 1, 1], [], []>, transpose_lhs_hint = false} : vector<64x64xf32>, vector<64x192xf32>, vector<64x192xf32> -> vector<64x192xf32>
    %swap3A_340 = arith.constant 4 : index
    %swap3A_341 = arith.constant 0 : index
    %swap3A_342 = arith.constant 0 : index
    %swap3A_343 = vector.load %arg38[%swap3A_340, %swap3A_341, %swap3A_342] : memref<8x64x192xf32, #tpu.memory_space<vmem>>, vector<1x64x192xf32>
    %swap3A_344 = vector.shape_cast %swap3A_343 : vector<1x64x192xf32> to vector<64x192xf32>
    %swap3A_345 = vector.shape_cast %dot_general3A_339 : vector<64x192xf32> to vector<1x64x192xf32>
    tpu.vector_store %arg38[%swap3A_340, %swap3A_341, %swap3A_342], %swap3A_345 {strides = array<i32>} : memref<8x64x192xf32, #tpu.memory_space<vmem>>, vector<1x64x192xf32>,
    %slice3A_346 = vector.extract_strided_slice %reshape3A_203 {offsets = [0, 320], sizes = [1, 64], strides = [1, 1]} : vector<1x512xi32> to vector<1x64xi32>
    %eq3A_347 = vector.broadcast %slice3A_346 : vector<1x64xi32> to vector<64x64xi32>
    %eq3A_348 = arith.cmpi eq, %iota3A, %eq3A_347 : vector<64x64xi32>
    %add3A_349 = arith.constant 1 : i32
    %add3A_350 = vector.broadcast %add3A_349 : i32 to vector<64x64xi32>
    %add3A_351 = arith.addi %iota3A_204, %add3A_350 : vector<64x64xi32>
    %jit3A_352 = arith.constant 0 : i32
    %broadcast_in_dim3A_353 = vector.broadcast %jit3A_352 : i32 to vector<64x64xi32>
    %select_n3A_354 = arith.select %eq3A_348, %add3A_351, %broadcast_in_dim3A_353 : vector<64x64xi1>, vector<64x64xi32>
    %reduce_max3A_355 = arith.constant dense<-2147483648> : vector<64xi32>
    %reduce_max3A_356 = vector.multi_reduction <maxsi>, %select_n3A_354, %reduce_max3A_355 [1] : vector<64x64xi32> to vector<64xi32>
    %broadcast_in_dim3A_357 = vector.shape_cast %reduce_max3A_356 : vector<64xi32> to vector<64x1xi32>
    %eq3A_358 = vector.broadcast %broadcast_in_dim3A_357 : vector<64x1xi32> to vector<64x64xi32>
    %eq3A_359 = arith.cmpi eq, %select_n3A_354, %eq3A_358 : vector<64x64xi32>
    %gt3A_360 = arith.constant 0 : i32
    %gt3A_361 = vector.broadcast %gt3A_360 : i32 to vector<64x1xi32>
    %gt3A_362 = arith.cmpi sgt, %broadcast_in_dim3A_357, %gt3A_361 : vector<64x1xi32>
    %and3A_363 = vector.broadcast %gt3A_362 : vector<64x1xi1> to vector<64x64xi1>
    %and3A_364 = arith.andi %eq3A_359, %and3A_363 : vector<64x64xi1>
    %convert_element_type3A_365 = arith.extui %and3A_364 : vector<64x64xi1> to vector<64x64xi32>
    %convert_element_type3A_366 = arith.sitofp %convert_element_type3A_365 : vector<64x64xi32> to vector<64x64xf32>
    %slice3A_367 = vector.extract_strided_slice %concatenate3A_200 {offsets = [320, 0], sizes = [64, 192], strides = [1, 1]} : vector<512x192xf32> to vector<64x192xf32>
    %dot_general3A_368 = arith.constant dense<0.000000e+00> : vector<64x192xf32>
    %dot_general3A_369 = tpu.matmul %convert_element_type3A_366, %slice3A_367, %dot_general3A_368 {dimension_numbers = #tpu.dot_dimension_numbers<[1], [0], [0], [1], [0, 0, 1, 1], [], []>, transpose_lhs_hint = false} : vector<64x64xf32>, vector<64x192xf32>, vector<64x192xf32> -> vector<64x192xf32>
    %swap3A_370 = arith.constant 5 : index
    %swap3A_371 = arith.constant 0 : index
    %swap3A_372 = arith.constant 0 : index
    %swap3A_373 = vector.load %arg38[%swap3A_370, %swap3A_371, %swap3A_372] : memref<8x64x192xf32, #tpu.memory_space<vmem>>, vector<1x64x192xf32>
    %swap3A_374 = vector.shape_cast %swap3A_373 : vector<1x64x192xf32> to vector<64x192xf32>
    %swap3A_375 = vector.shape_cast %dot_general3A_369 : vector<64x192xf32> to vector<1x64x192xf32>
    tpu.vector_store %arg38[%swap3A_370, %swap3A_371, %swap3A_372], %swap3A_375 {strides = array<i32>} : memref<8x64x192xf32, #tpu.memory_space<vmem>>, vector<1x64x192xf32>,
    %slice3A_376 = vector.extract_strided_slice %reshape3A_203 {offsets = [0, 384], sizes = [1, 64], strides = [1, 1]} : vector<1x512xi32> to vector<1x64xi32>
    %eq3A_377 = vector.broadcast %slice3A_376 : vector<1x64xi32> to vector<64x64xi32>
    %eq3A_378 = arith.cmpi eq, %iota3A, %eq3A_377 : vector<64x64xi32>
    %add3A_379 = arith.constant 1 : i32
    %add3A_380 = vector.broadcast %add3A_379 : i32 to vector<64x64xi32>
    %add3A_381 = arith.addi %iota3A_204, %add3A_380 : vector<64x64xi32>
    %jit3A_382 = arith.constant 0 : i32
    %broadcast_in_dim3A_383 = vector.broadcast %jit3A_382 : i32 to vector<64x64xi32>
    %select_n3A_384 = arith.select %eq3A_378, %add3A_381, %broadcast_in_dim3A_383 : vector<64x64xi1>, vector<64x64xi32>
    %reduce_max3A_385 = arith.constant dense<-2147483648> : vector<64xi32>
    %reduce_max3A_386 = vector.multi_reduction <maxsi>, %select_n3A_384, %reduce_max3A_385 [1] : vector<64x64xi32> to vector<64xi32>
    %broadcast_in_dim3A_387 = vector.shape_cast %reduce_max3A_386 : vector<64xi32> to vector<64x1xi32>
    %eq3A_388 = vector.broadcast %broadcast_in_dim3A_387 : vector<64x1xi32> to vector<64x64xi32>
    %eq3A_389 = arith.cmpi eq, %select_n3A_384, %eq3A_388 : vector<64x64xi32>
    %gt3A_390 = arith.constant 0 : i32
    %gt3A_391 = vector.broadcast %gt3A_390 : i32 to vector<64x1xi32>
    %gt3A_392 = arith.cmpi sgt, %broadcast_in_dim3A_387, %gt3A_391 : vector<64x1xi32>
    %and3A_393 = vector.broadcast %gt3A_392 : vector<64x1xi1> to vector<64x64xi1>
    %and3A_394 = arith.andi %eq3A_389, %and3A_393 : vector<64x64xi1>
    %convert_element_type3A_395 = arith.extui %and3A_394 : vector<64x64xi1> to vector<64x64xi32>
    %convert_element_type3A_396 = arith.sitofp %convert_element_type3A_395 : vector<64x64xi32> to vector<64x64xf32>
    %slice3A_397 = vector.extract_strided_slice %concatenate3A_200 {offsets = [384, 0], sizes = [64, 192], strides = [1, 1]} : vector<512x192xf32> to vector<64x192xf32>
    %dot_general3A_398 = arith.constant dense<0.000000e+00> : vector<64x192xf32>
    %dot_general3A_399 = tpu.matmul %convert_element_type3A_396, %slice3A_397, %dot_general3A_398 {dimension_numbers = #tpu.dot_dimension_numbers<[1], [0], [0], [1], [0, 0, 1, 1], [], []>, transpose_lhs_hint = false} : vector<64x64xf32>, vector<64x192xf32>, vector<64x192xf32> -> vector<64x192xf32>
    %swap3A_400 = arith.constant 6 : index
    %swap3A_401 = arith.constant 0 : index
    %swap3A_402 = arith.constant 0 : index
    %swap3A_403 = vector.load %arg38[%swap3A_400, %swap3A_401, %swap3A_402] : memref<8x64x192xf32, #tpu.memory_space<vmem>>, vector<1x64x192xf32>
    %swap3A_404 = vector.shape_cast %swap3A_403 : vector<1x64x192xf32> to vector<64x192xf32>
    %swap3A_405 = vector.shape_cast %dot_general3A_399 : vector<64x192xf32> to vector<1x64x192xf32>
    tpu.vector_store %arg38[%swap3A_400, %swap3A_401, %swap3A_402], %swap3A_405 {strides = array<i32>} : memref<8x64x192xf32, #tpu.memory_space<vmem>>, vector<1x64x192xf32>,
    %slice3A_406 = vector.extract_strided_slice %reshape3A_203 {offsets = [0, 448], sizes = [1, 64], strides = [1, 1]} : vector<1x512xi32> to vector<1x64xi32>
    %eq3A_407 = vector.broadcast %slice3A_406 : vector<1x64xi32> to vector<64x64xi32>
    %eq3A_408 = arith.cmpi eq, %iota3A, %eq3A_407 : vector<64x64xi32>
    %add3A_409 = arith.constant 1 : i32
    %add3A_410 = vector.broadcast %add3A_409 : i32 to vector<64x64xi32>
    %add3A_411 = arith.addi %iota3A_204, %add3A_410 : vector<64x64xi32>
    %jit3A_412 = arith.constant 0 : i32
    %broadcast_in_dim3A_413 = vector.broadcast %jit3A_412 : i32 to vector<64x64xi32>
    %select_n3A_414 = arith.select %eq3A_408, %add3A_411, %broadcast_in_dim3A_413 : vector<64x64xi1>, vector<64x64xi32>
    %reduce_max3A_415 = arith.constant dense<-2147483648> : vector<64xi32>
    %reduce_max3A_416 = vector.multi_reduction <maxsi>, %select_n3A_414, %reduce_max3A_415 [1] : vector<64x64xi32> to vector<64xi32>
    %broadcast_in_dim3A_417 = vector.shape_cast %reduce_max3A_416 : vector<64xi32> to vector<64x1xi32>
    %eq3A_418 = vector.broadcast %broadcast_in_dim3A_417 : vector<64x1xi32> to vector<64x64xi32>
    %eq3A_419 = arith.cmpi eq, %select_n3A_414, %eq3A_418 : vector<64x64xi32>
    %gt3A_420 = arith.constant 0 : i32
    %gt3A_421 = vector.broadcast %gt3A_420 : i32 to vector<64x1xi32>
    %gt3A_422 = arith.cmpi sgt, %broadcast_in_dim3A_417, %gt3A_421 : vector<64x1xi32>
    %and3A_423 = vector.broadcast %gt3A_422 : vector<64x1xi1> to vector<64x64xi1>
    %and3A_424 = arith.andi %eq3A_419, %and3A_423 : vector<64x64xi1>
    %convert_element_type3A_425 = arith.extui %and3A_424 : vector<64x64xi1> to vector<64x64xi32>
    %convert_element_type3A_426 = arith.sitofp %convert_element_type3A_425 : vector<64x64xi32> to vector<64x64xf32>
    %slice3A_427 = vector.extract_strided_slice %concatenate3A_200 {offsets = [448, 0], sizes = [64, 192], strides = [1, 1]} : vector<512x192xf32> to vector<64x192xf32>
    %dot_general3A_428 = arith.constant dense<0.000000e+00> : vector<64x192xf32>
    %dot_general3A_429 = tpu.matmul %convert_element_type3A_426, %slice3A_427, %dot_general3A_428 {dimension_numbers = #tpu.dot_dimension_numbers<[1], [0], [0], [1], [0, 0, 1, 1], [], []>, transpose_lhs_hint = false} : vector<64x64xf32>, vector<64x192xf32>, vector<64x192xf32> -> vector<64x192xf32>
    %swap3A_430 = arith.constant 7 : index
    %swap3A_431 = arith.constant 0 : index
    %swap3A_432 = arith.constant 0 : index
    %swap3A_433 = vector.load %arg38[%swap3A_430, %swap3A_431, %swap3A_432] : memref<8x64x192xf32, #tpu.memory_space<vmem>>, vector<1x64x192xf32>
    %swap3A_434 = vector.shape_cast %swap3A_433 : vector<1x64x192xf32> to vector<64x192xf32>
    %swap3A_435 = vector.shape_cast %dot_general3A_429 : vector<64x192xf32> to vector<1x64x192xf32>
    tpu.vector_store %arg38[%swap3A_430, %swap3A_431, %swap3A_432], %swap3A_435 {strides = array<i32>} : memref<8x64x192xf32, #tpu.memory_space<vmem>>, vector<1x64x192xf32>,
    %concatenate3A_436 = tpu.concatenate %dot_general3A_220, %dot_general3A_249, %dot_general3A_279, %dot_general3A_309, %dot_general3A_339, %dot_general3A_369, %dot_general3A_399, %dot_general3A_429 in 0 : vector<64x192xf32>, vector<64x192xf32>, vector<64x192xf32>, vector<64x192xf32>, vector<64x192xf32>, vector<64x192xf32>, vector<64x192xf32>, vector<64x192xf32> -> vector<512x192xf32>
    %get3A_437 = arith.constant 0 : index
    %get3A_438 = arith.constant 0 : index
    %get3A_439 = vector.load %arg23[%get3A_437, %get3A_438] : memref<64x192xf32, #tpu.memory_space<vmem>>, vector<64x192xf32>
    %dot_general3A_440 = arith.constant dense<0.000000e+00> : vector<512x64xf32>
    %dot_general3A_441 = tpu.matmul %concatenate3A_436, %get3A_439, %dot_general3A_440 {dimension_numbers = #tpu.dot_dimension_numbers<[1], [1], [0], [0], [0, 0, 1, 0], [], []>, transpose_lhs_hint = false} : vector<512x192xf32>, vector<64x192xf32>, vector<512x64xf32> -> vector<512x64xf32>
    %get3A_442 = arith.constant 0 : index
    %get3A_443 = vector.load %arg24[%get3A_442] : memref<64xf32, #tpu.memory_space<vmem>>, vector<64xf32>
    %reshape3A_444 = vector.shape_cast %get3A_443 : vector<64xf32> to vector<1x64xf32>
    %add3A_445 = vector.broadcast %reshape3A_444 : vector<1x64xf32> to vector<512x64xf32>
    %add3A_446 = arith.addf %dot_general3A_441, %add3A_445 : vector<512x64xf32>
    %max3A_447 = arith.constant 0.000000e+00 : f32
    %max3A_448 = vector.broadcast %max3A_447 : f32 to vector<512x64xf32>
    %max3A_449 = arith.maximumf %add3A_446, %max3A_448 : vector<512x64xf32>
    %get3A_450 = arith.constant 0 : index
    %get3A_451 = arith.constant 0 : index
    %get3A_452 = vector.load %arg25[%get3A_450, %get3A_451] : memref<64x64xf32, #tpu.memory_space<vmem>>, vector<64x64xf32>
    %dot_general3A_453 = arith.constant dense<0.000000e+00> : vector<512x64xf32>
    %dot_general3A_454 = tpu.matmul %max3A_449, %get3A_452, %dot_general3A_453 {dimension_numbers = #tpu.dot_dimension_numbers<[1], [0], [0], [1], [0, 0, 1, 1], [], []>, transpose_lhs_hint = false} : vector<512x64xf32>, vector<64x64xf32>, vector<512x64xf32> -> vector<512x64xf32>
    %get3A_455 = arith.constant 0 : index
    %get3A_456 = vector.load %arg26[%get3A_455] : memref<64xf32, #tpu.memory_space<vmem>>, vector<64xf32>
    %reshape3A_457 = vector.shape_cast %get3A_456 : vector<64xf32> to vector<1x64xf32>
    %add3A_458 = vector.broadcast %reshape3A_457 : vector<1x64xf32> to vector<512x64xf32>
    %add3A_459 = arith.addf %dot_general3A_454, %add3A_458 : vector<512x64xf32>
    %reshape3A_460 = vector.shape_cast %add3A_459 : vector<512x64xf32> to vector<8x64x64xf32>
    %transpose3A = tpu.transpose %reshape3A_460, [0, 2, 1] : vector<8x64x64xf32> -> vector<8x64x64xf32>
    %swap3A_461 = arith.constant 0 : index
    %swap3A_462 = arith.constant 0 : index
    %swap3A_463 = arith.constant 0 : index
    %swap3A_464 = vector.load %arg37[%swap3A_461, %swap3A_462, %swap3A_463] : memref<8x64x64xf32, #tpu.memory_space<vmem>>, vector<8x64x64xf32>
    tpu.vector_store %arg37[%swap3A_461, %swap3A_462, %swap3A_463], %transpose3A {strides = array<i32>} : memref<8x64x64xf32, #tpu.memory_space<vmem>>, vector<8x64x64xf32>,
    %get3A_465 = arith.constant 0 : index
    %get3A_466 = arith.constant 0 : index
    %get3A_467 = vector.load %arg27[%get3A_465, %get3A_466] : memref<32x64xf32, #tpu.memory_space<vmem>>, vector<32x64xf32>
    %dot_general3A_468 = arith.constant dense<0.000000e+00> : vector<512x32xf32>
    %dot_general3A_469 = tpu.matmul %add3A_459, %get3A_467, %dot_general3A_468 {dimension_numbers = #tpu.dot_dimension_numbers<[1], [1], [0], [0], [0, 0, 1, 0], [], []>, transpose_lhs_hint = false} : vector<512x64xf32>, vector<32x64xf32>, vector<512x32xf32> -> vector<512x32xf32>
    %get3A_470 = arith.constant 0 : index
    %get3A_471 = vector.load %arg28[%get3A_470] : memref<32xf32, #tpu.memory_space<vmem>>, vector<32xf32>
    %reshape3A_472 = vector.shape_cast %get3A_471 : vector<32xf32> to vector<1x32xf32>
    %add3A_473 = vector.broadcast %reshape3A_472 : vector<1x32xf32> to vector<512x32xf32>
    %add3A_474 = arith.addf %dot_general3A_469, %add3A_473 : vector<512x32xf32>
    %max3A_475 = arith.constant 0.000000e+00 : f32
    %max3A_476 = vector.broadcast %max3A_475 : f32 to vector<512x32xf32>
    %max3A_477 = arith.maximumf %add3A_474, %max3A_476 : vector<512x32xf32>
    %get3A_478 = arith.constant 0 : index
    %get3A_479 = arith.constant 0 : index
    %get3A_480 = vector.load %arg29[%get3A_478, %get3A_479] : memref<5x32xf32, #tpu.memory_space<vmem>>, vector<5x32xf32>
    %dot_general3A_481 = arith.constant dense<0.000000e+00> : vector<512x5xf32>
    %dot_general3A_482 = tpu.matmul %max3A_477, %get3A_480, %dot_general3A_481 {dimension_numbers = #tpu.dot_dimension_numbers<[1], [1], [0], [0], [0, 0, 1, 0], [], []>, transpose_lhs_hint = false} : vector<512x32xf32>, vector<5x32xf32>, vector<512x5xf32> -> vector<512x5xf32>
    %get3A_483 = arith.constant 0 : index
    %get3A_484 = vector.load %arg30[%get3A_483] : memref<5xf32, #tpu.memory_space<vmem>>, vector<5xf32>
    %reshape3A_485 = vector.shape_cast %get3A_484 : vector<5xf32> to vector<1x5xf32>
    %add3A_486 = vector.broadcast %reshape3A_485 : vector<1x5xf32> to vector<512x5xf32>
    %add3A_487 = arith.addf %dot_general3A_482, %add3A_486 : vector<512x5xf32>
    %reduce_max3A_488 = arith.constant dense<0xFF800000> : vector<512xf32>
    %reduce_max3A_489 = vector.multi_reduction <maximumf>, %add3A_487, %reduce_max3A_488 [1] : vector<512x5xf32> to vector<512xf32>
    %max3A_490 = arith.constant 0xFF800000 : f32
    %max3A_491 = vector.broadcast %max3A_490 : f32 to vector<512xf32>
    %max3A_492 = arith.maximumf %max3A_491, %reduce_max3A_489 : vector<512xf32>
    %broadcast_in_dim3A_493 = vector.shape_cast %max3A_492 : vector<512xf32> to vector<512x1xf32>
    %sub3A = vector.broadcast %broadcast_in_dim3A_493 : vector<512x1xf32> to vector<512x5xf32>
    %sub3A_494 = arith.subf %add3A_487, %sub3A : vector<512x5xf32>
    %exp3A = math.exp %sub3A_494 : vector<512x5xf32>
    %reduce_sum3A = arith.constant dense<0.000000e+00> : vector<512xf32>
    %reduce_sum3A_495 = vector.multi_reduction <add>, %exp3A, %reduce_sum3A [1] : vector<512x5xf32> to vector<512xf32>
    %broadcast_in_dim3A_496 = vector.shape_cast %reduce_sum3A_495 : vector<512xf32> to vector<512x1xf32>
    %div3A = vector.broadcast %broadcast_in_dim3A_496 : vector<512x1xf32> to vector<512x5xf32>
    %div3A_497 = arith.divf %exp3A, %div3A : vector<512x5xf32>
    %reshape3A_498 = vector.shape_cast %div3A_497 : vector<512x5xf32> to vector<8x64x5xf32>
    %transpose3A_499 = tpu.transpose %reshape3A_498, [0, 2, 1] : vector<8x64x5xf32> -> vector<8x5x64xf32>
    %slice3A_500 = vector.extract_strided_slice %transpose3A_499 {offsets = [0, 0, 0], sizes = [1, 5, 64], strides = [1, 1, 1]} : vector<8x5x64xf32> to vector<1x5x64xf32>
    %squeeze3A = vector.shape_cast %slice3A_500 : vector<1x5x64xf32> to vector<5x64xf32>
    %swap3A_501 = arith.constant 0 : index
    %swap3A_502 = arith.constant 0 : index
    %swap3A_503 = arith.constant 0 : index
    %swap3A_504 = vector.load %arg35[%swap3A_501, %swap3A_502, %swap3A_503] : memref<5x8x64xf32, #tpu.memory_space<vmem>>, vector<5x1x64xf32>
    %swap3A_505 = vector.shape_cast %swap3A_504 : vector<5x1x64xf32> to vector<5x64xf32>
    %swap3A_506 = vector.shape_cast %squeeze3A : vector<5x64xf32> to vector<5x1x64xf32>
    tpu.vector_store %arg35[%swap3A_501, %swap3A_502, %swap3A_503], %swap3A_506 {strides = array<i32>} : memref<5x8x64xf32, #tpu.memory_space<vmem>>, vector<5x1x64xf32>,
    %slice3A_507 = vector.extract_strided_slice %transpose3A_499 {offsets = [1, 0, 0], sizes = [1, 5, 64], strides = [1, 1, 1]} : vector<8x5x64xf32> to vector<1x5x64xf32>
    %squeeze3A_508 = vector.shape_cast %slice3A_507 : vector<1x5x64xf32> to vector<5x64xf32>
    %swap3A_509 = arith.constant 0 : index
    %swap3A_510 = arith.constant 1 : index
    %swap3A_511 = arith.constant 0 : index
    %swap3A_512 = vector.load %arg35[%swap3A_509, %swap3A_510, %swap3A_511] : memref<5x8x64xf32, #tpu.memory_space<vmem>>, vector<5x1x64xf32>
    %swap3A_513 = vector.shape_cast %swap3A_512 : vector<5x1x64xf32> to vector<5x64xf32>
    %swap3A_514 = vector.shape_cast %squeeze3A_508 : vector<5x64xf32> to vector<5x1x64xf32>
    tpu.vector_store %arg35[%swap3A_509, %swap3A_510, %swap3A_511], %swap3A_514 {strides = array<i32>} : memref<5x8x64xf32, #tpu.memory_space<vmem>>, vector<5x1x64xf32>,
    %slice3A_515 = vector.extract_strided_slice %transpose3A_499 {offsets = [2, 0, 0], sizes = [1, 5, 64], strides = [1, 1, 1]} : vector<8x5x64xf32> to vector<1x5x64xf32>
    %squeeze3A_516 = vector.shape_cast %slice3A_515 : vector<1x5x64xf32> to vector<5x64xf32>
    %swap3A_517 = arith.constant 0 : index
    %swap3A_518 = arith.constant 2 : index
    %swap3A_519 = arith.constant 0 : index
    %swap3A_520 = vector.load %arg35[%swap3A_517, %swap3A_518, %swap3A_519] : memref<5x8x64xf32, #tpu.memory_space<vmem>>, vector<5x1x64xf32>
    %swap3A_521 = vector.shape_cast %swap3A_520 : vector<5x1x64xf32> to vector<5x64xf32>
    %swap3A_522 = vector.shape_cast %squeeze3A_516 : vector<5x64xf32> to vector<5x1x64xf32>
    tpu.vector_store %arg35[%swap3A_517, %swap3A_518, %swap3A_519], %swap3A_522 {strides = array<i32>} : memref<5x8x64xf32, #tpu.memory_space<vmem>>, vector<5x1x64xf32>,
    %slice3A_523 = vector.extract_strided_slice %transpose3A_499 {offsets = [3, 0, 0], sizes = [1, 5, 64], strides = [1, 1, 1]} : vector<8x5x64xf32> to vector<1x5x64xf32>
    %squeeze3A_524 = vector.shape_cast %slice3A_523 : vector<1x5x64xf32> to vector<5x64xf32>
    %swap3A_525 = arith.constant 0 : index
    %swap3A_526 = arith.constant 3 : index
    %swap3A_527 = arith.constant 0 : index
    %swap3A_528 = vector.load %arg35[%swap3A_525, %swap3A_526, %swap3A_527] : memref<5x8x64xf32, #tpu.memory_space<vmem>>, vector<5x1x64xf32>
    %swap3A_529 = vector.shape_cast %swap3A_528 : vector<5x1x64xf32> to vector<5x64xf32>
    %swap3A_530 = vector.shape_cast %squeeze3A_524 : vector<5x64xf32> to vector<5x1x64xf32>
    tpu.vector_store %arg35[%swap3A_525, %swap3A_526, %swap3A_527], %swap3A_530 {strides = array<i32>} : memref<5x8x64xf32, #tpu.memory_space<vmem>>, vector<5x1x64xf32>,
    %slice3A_531 = vector.extract_strided_slice %transpose3A_499 {offsets = [4, 0, 0], sizes = [1, 5, 64], strides = [1, 1, 1]} : vector<8x5x64xf32> to vector<1x5x64xf32>
    %squeeze3A_532 = vector.shape_cast %slice3A_531 : vector<1x5x64xf32> to vector<5x64xf32>
    %swap3A_533 = arith.constant 0 : index
    %swap3A_534 = arith.constant 4 : index
    %swap3A_535 = arith.constant 0 : index
    %swap3A_536 = vector.load %arg35[%swap3A_533, %swap3A_534, %swap3A_535] : memref<5x8x64xf32, #tpu.memory_space<vmem>>, vector<5x1x64xf32>
    %swap3A_537 = vector.shape_cast %swap3A_536 : vector<5x1x64xf32> to vector<5x64xf32>
    %swap3A_538 = vector.shape_cast %squeeze3A_532 : vector<5x64xf32> to vector<5x1x64xf32>
    tpu.vector_store %arg35[%swap3A_533, %swap3A_534, %swap3A_535], %swap3A_538 {strides = array<i32>} : memref<5x8x64xf32, #tpu.memory_space<vmem>>, vector<5x1x64xf32>,
    %slice3A_539 = vector.extract_strided_slice %transpose3A_499 {offsets = [5, 0, 0], sizes = [1, 5, 64], strides = [1, 1, 1]} : vector<8x5x64xf32> to vector<1x5x64xf32>
    %squeeze3A_540 = vector.shape_cast %slice3A_539 : vector<1x5x64xf32> to vector<5x64xf32>
    %swap3A_541 = arith.constant 0 : index
    %swap3A_542 = arith.constant 5 : index
    %swap3A_543 = arith.constant 0 : index
    %swap3A_544 = vector.load %arg35[%swap3A_541, %swap3A_542, %swap3A_543] : memref<5x8x64xf32, #tpu.memory_space<vmem>>, vector<5x1x64xf32>
    %swap3A_545 = vector.shape_cast %swap3A_544 : vector<5x1x64xf32> to vector<5x64xf32>
    %swap3A_546 = vector.shape_cast %squeeze3A_540 : vector<5x64xf32> to vector<5x1x64xf32>
    tpu.vector_store %arg35[%swap3A_541, %swap3A_542, %swap3A_543], %swap3A_546 {strides = array<i32>} : memref<5x8x64xf32, #tpu.memory_space<vmem>>, vector<5x1x64xf32>,
    %slice3A_547 = vector.extract_strided_slice %transpose3A_499 {offsets = [6, 0, 0], sizes = [1, 5, 64], strides = [1, 1, 1]} : vector<8x5x64xf32> to vector<1x5x64xf32>
    %squeeze3A_548 = vector.shape_cast %slice3A_547 : vector<1x5x64xf32> to vector<5x64xf32>
    %swap3A_549 = arith.constant 0 : index
    %swap3A_550 = arith.constant 6 : index
    %swap3A_551 = arith.constant 0 : index
    %swap3A_552 = vector.load %arg35[%swap3A_549, %swap3A_550, %swap3A_551] : memref<5x8x64xf32, #tpu.memory_space<vmem>>, vector<5x1x64xf32>
    %swap3A_553 = vector.shape_cast %swap3A_552 : vector<5x1x64xf32> to vector<5x64xf32>
    %swap3A_554 = vector.shape_cast %squeeze3A_548 : vector<5x64xf32> to vector<5x1x64xf32>
    tpu.vector_store %arg35[%swap3A_549, %swap3A_550, %swap3A_551], %swap3A_554 {strides = array<i32>} : memref<5x8x64xf32, #tpu.memory_space<vmem>>, vector<5x1x64xf32>,
    %slice3A_555 = vector.extract_strided_slice %transpose3A_499 {offsets = [7, 0, 0], sizes = [1, 5, 64], strides = [1, 1, 1]} : vector<8x5x64xf32> to vector<1x5x64xf32>
    %squeeze3A_556 = vector.shape_cast %slice3A_555 : vector<1x5x64xf32> to vector<5x64xf32>
    %swap3A_557 = arith.constant 0 : index
    %swap3A_558 = arith.constant 7 : index
    %swap3A_559 = arith.constant 0 : index
    %swap3A_560 = vector.load %arg35[%swap3A_557, %swap3A_558, %swap3A_559] : memref<5x8x64xf32, #tpu.memory_space<vmem>>, vector<5x1x64xf32>
    %swap3A_561 = vector.shape_cast %swap3A_560 : vector<5x1x64xf32> to vector<5x64xf32>
    %swap3A_562 = vector.shape_cast %squeeze3A_556 : vector<5x64xf32> to vector<5x1x64xf32>
    tpu.vector_store %arg35[%swap3A_557, %swap3A_558, %swap3A_559], %swap3A_562 {strides = array<i32>} : memref<5x8x64xf32, #tpu.memory_space<vmem>>, vector<5x1x64xf32>,
    %get3A_563 = arith.constant 0 : index
    %get3A_564 = arith.constant 0 : index
    %get3A_565 = vector.load %arg31[%get3A_563, %get3A_564] : memref<32x64xf32, #tpu.memory_space<vmem>>, vector<32x64xf32>
    %dot_general3A_566 = arith.constant dense<0.000000e+00> : vector<512x32xf32>
    %dot_general3A_567 = tpu.matmul %add3A_459, %get3A_565, %dot_general3A_566 {dimension_numbers = #tpu.dot_dimension_numbers<[1], [1], [0], [0], [0, 0, 1, 0], [], []>, transpose_lhs_hint = false} : vector<512x64xf32>, vector<32x64xf32>, vector<512x32xf32> -> vector<512x32xf32>
    %get3A_568 = arith.constant 0 : index
    %get3A_569 = vector.load %arg32[%get3A_568] : memref<32xf32, #tpu.memory_space<vmem>>, vector<32xf32>
    %reshape3A_570 = vector.shape_cast %get3A_569 : vector<32xf32> to vector<1x32xf32>
    %add3A_571 = vector.broadcast %reshape3A_570 : vector<1x32xf32> to vector<512x32xf32>
    %add3A_572 = arith.addf %dot_general3A_567, %add3A_571 : vector<512x32xf32>
    %max3A_573 = arith.constant 0.000000e+00 : f32
    %max3A_574 = vector.broadcast %max3A_573 : f32 to vector<512x32xf32>
    %max3A_575 = arith.maximumf %add3A_572, %max3A_574 : vector<512x32xf32>
    %get3A_576 = arith.constant 0 : index
    %get3A_577 = arith.constant 0 : index
    %get3A_578 = vector.load %arg33[%get3A_576, %get3A_577] : memref<1x32xf32, #tpu.memory_space<vmem>>, vector<1x32xf32>
    %mul3A = vector.broadcast %get3A_578 : vector<1x32xf32> to vector<512x32xf32>
    %mul3A_579 = arith.mulf %max3A_575, %mul3A : vector<512x32xf32>
    %reduce_sum3A_580 = arith.constant dense<0.000000e+00> : vector<512xf32>
    %reduce_sum3A_581 = vector.multi_reduction <add>, %mul3A_579, %reduce_sum3A_580 [1] : vector<512x32xf32> to vector<512xf32>
    %broadcast_in_dim3A_582 = vector.shape_cast %reduce_sum3A_581 : vector<512xf32> to vector<512x1xf32>
    %get3A_583 = arith.constant 0 : index
    %get3A_584 = arith.constant 0 : index
    %get3A_585 = vector.load %arg34[%get3A_583, %get3A_584] : memref<1x1xf32, #tpu.memory_space<vmem>>, vector<1x1xf32>
    %add3A_586 = vector.broadcast %get3A_585 : vector<1x1xf32> to vector<512x1xf32>
    %add3A_587 = arith.addf %broadcast_in_dim3A_582, %add3A_586 : vector<512x1xf32>
    %logistic3A = arith.negf %add3A_587 : vector<512x1xf32>
    %logistic3A_588 = math.exp %logistic3A : vector<512x1xf32>
    %logistic3A_589 = arith.constant 1.000000e+00 : f32
    %logistic3A_590 = vector.broadcast %logistic3A_589 : f32 to vector<512x1xf32>
    %logistic3A_591 = arith.addf %logistic3A_590, %logistic3A_588 : vector<512x1xf32>
    %logistic3A_592 = arith.divf %logistic3A_590, %logistic3A_591 : vector<512x1xf32>
    %reshape3A_593 = vector.shape_cast %logistic3A_592 : vector<512x1xf32> to vector<8x64x1xf32>
    %transpose3A_594 = tpu.transpose %reshape3A_593, [0, 2, 1] : vector<8x64x1xf32> -> vector<8x1x64xf32>
    %slice3A_595 = vector.extract_strided_slice %transpose3A_594 {offsets = [0, 0, 0], sizes = [1, 1, 64], strides = [1, 1, 1]} : vector<8x1x64xf32> to vector<1x1x64xf32>
    %squeeze3A_596 = vector.shape_cast %slice3A_595 : vector<1x1x64xf32> to vector<1x64xf32>
    %swap3A_597 = arith.constant 0 : index
    %swap3A_598 = arith.constant 0 : index
    %swap3A_599 = vector.load %arg36[%swap3A_597, %swap3A_598] : memref<8x64xf32, #tpu.memory_space<vmem>>, vector<1x64xf32>
    tpu.vector_store %arg36[%swap3A_597, %swap3A_598], %squeeze3A_596 {strides = array<i32>} : memref<8x64xf32, #tpu.memory_space<vmem>>, vector<1x64xf32>,
    %slice3A_600 = vector.extract_strided_slice %transpose3A_594 {offsets = [1, 0, 0], sizes = [1, 1, 64], strides = [1, 1, 1]} : vector<8x1x64xf32> to vector<1x1x64xf32>
    %squeeze3A_601 = vector.shape_cast %slice3A_600 : vector<1x1x64xf32> to vector<1x64xf32>
    %swap3A_602 = arith.constant 1 : index
    %swap3A_603 = arith.constant 0 : index
    %swap3A_604 = vector.load %arg36[%swap3A_602, %swap3A_603] : memref<8x64xf32, #tpu.memory_space<vmem>>, vector<1x64xf32>
    tpu.vector_store %arg36[%swap3A_602, %swap3A_603], %squeeze3A_601 {strides = array<i32>} : memref<8x64xf32, #tpu.memory_space<vmem>>, vector<1x64xf32>,
    %slice3A_605 = vector.extract_strided_slice %transpose3A_594 {offsets = [2, 0, 0], sizes = [1, 1, 64], strides = [1, 1, 1]} : vector<8x1x64xf32> to vector<1x1x64xf32>
    %squeeze3A_606 = vector.shape_cast %slice3A_605 : vector<1x1x64xf32> to vector<1x64xf32>
    %swap3A_607 = arith.constant 2 : index
    %swap3A_608 = arith.constant 0 : index
    %swap3A_609 = vector.load %arg36[%swap3A_607, %swap3A_608] : memref<8x64xf32, #tpu.memory_space<vmem>>, vector<1x64xf32>
    tpu.vector_store %arg36[%swap3A_607, %swap3A_608], %squeeze3A_606 {strides = array<i32>} : memref<8x64xf32, #tpu.memory_space<vmem>>, vector<1x64xf32>,
    %slice3A_610 = vector.extract_strided_slice %transpose3A_594 {offsets = [3, 0, 0], sizes = [1, 1, 64], strides = [1, 1, 1]} : vector<8x1x64xf32> to vector<1x1x64xf32>
    %squeeze3A_611 = vector.shape_cast %slice3A_610 : vector<1x1x64xf32> to vector<1x64xf32>
    %swap3A_612 = arith.constant 3 : index
    %swap3A_613 = arith.constant 0 : index
    %swap3A_614 = vector.load %arg36[%swap3A_612, %swap3A_613] : memref<8x64xf32, #tpu.memory_space<vmem>>, vector<1x64xf32>
    tpu.vector_store %arg36[%swap3A_612, %swap3A_613], %squeeze3A_611 {strides = array<i32>} : memref<8x64xf32, #tpu.memory_space<vmem>>, vector<1x64xf32>,
    %slice3A_615 = vector.extract_strided_slice %transpose3A_594 {offsets = [4, 0, 0], sizes = [1, 1, 64], strides = [1, 1, 1]} : vector<8x1x64xf32> to vector<1x1x64xf32>
    %squeeze3A_616 = vector.shape_cast %slice3A_615 : vector<1x1x64xf32> to vector<1x64xf32>
    %swap3A_617 = arith.constant 4 : index
    %swap3A_618 = arith.constant 0 : index
    %swap3A_619 = vector.load %arg36[%swap3A_617, %swap3A_618] : memref<8x64xf32, #tpu.memory_space<vmem>>, vector<1x64xf32>
    tpu.vector_store %arg36[%swap3A_617, %swap3A_618], %squeeze3A_616 {strides = array<i32>} : memref<8x64xf32, #tpu.memory_space<vmem>>, vector<1x64xf32>,
    %slice3A_620 = vector.extract_strided_slice %transpose3A_594 {offsets = [5, 0, 0], sizes = [1, 1, 64], strides = [1, 1, 1]} : vector<8x1x64xf32> to vector<1x1x64xf32>
    %squeeze3A_621 = vector.shape_cast %slice3A_620 : vector<1x1x64xf32> to vector<1x64xf32>
    %swap3A_622 = arith.constant 5 : index
    %swap3A_623 = arith.constant 0 : index
    %swap3A_624 = vector.load %arg36[%swap3A_622, %swap3A_623] : memref<8x64xf32, #tpu.memory_space<vmem>>, vector<1x64xf32>
    tpu.vector_store %arg36[%swap3A_622, %swap3A_623], %squeeze3A_621 {strides = array<i32>} : memref<8x64xf32, #tpu.memory_space<vmem>>, vector<1x64xf32>,
    %slice3A_625 = vector.extract_strided_slice %transpose3A_594 {offsets = [6, 0, 0], sizes = [1, 1, 64], strides = [1, 1, 1]} : vector<8x1x64xf32> to vector<1x1x64xf32>
    %squeeze3A_626 = vector.shape_cast %slice3A_625 : vector<1x1x64xf32> to vector<1x64xf32>
    %swap3A_627 = arith.constant 6 : index
    %swap3A_628 = arith.constant 0 : index
    %swap3A_629 = vector.load %arg36[%swap3A_627, %swap3A_628] : memref<8x64xf32, #tpu.memory_space<vmem>>, vector<1x64xf32>
    tpu.vector_store %arg36[%swap3A_627, %swap3A_628], %squeeze3A_626 {strides = array<i32>} : memref<8x64xf32, #tpu.memory_space<vmem>>, vector<1x64xf32>,
    %slice3A_630 = vector.extract_strided_slice %transpose3A_594 {offsets = [7, 0, 0], sizes = [1, 1, 64], strides = [1, 1, 1]} : vector<8x1x64xf32> to vector<1x1x64xf32>
    %squeeze3A_631 = vector.shape_cast %slice3A_630 : vector<1x1x64xf32> to vector<1x64xf32>
    %swap3A_632 = arith.constant 7 : index
    %swap3A_633 = arith.constant 0 : index
    %swap3A_634 = vector.load %arg36[%swap3A_632, %swap3A_633] : memref<8x64xf32, #tpu.memory_space<vmem>>, vector<1x64xf32>
    tpu.vector_store %arg36[%swap3A_632, %swap3A_633], %squeeze3A_631 {strides = array<i32>} : memref<8x64xf32, #tpu.memory_space<vmem>>, vector<1x64xf32>,
    return
  }
  func.func @transform_0(%arg0: i32) -> (i32, i32, i32) {
    %c0_i32 = arith.constant 0 : i32
    %c0_i32_0 = arith.constant 0 : i32
    %c0_i32_1 = arith.constant 0 : i32
    %c0_i32_2 = arith.constant 0 : i32
    return %c0_i32, %c0_i32_0, %c0_i32_1 : i32, i32, i32
  }
  func.func @transform_1(%arg0: i32) -> (i32, i32, i32) {
    %c0_i32 = arith.constant 0 : i32
    %c0_i32_0 = arith.constant 0 : i32
    %c0_i32_1 = arith.constant 0 : i32
    %c0_i32_2 = arith.constant 0 : i32
    return %c0_i32, %c0_i32_0, %c0_i32_1 : i32, i32, i32
  }
  func.func @transform_2(%arg0: i32) -> (i32, i32, i32) {
    %c0_i32 = arith.constant 0 : i32
    %c0_i32_0 = arith.constant 0 : i32
    %c0_i32_1 = arith.constant 0 : i32
    %c0_i32_2 = arith.constant 0 : i32
    return %c0_i32, %c0_i32_0, %c0_i32_1 : i32, i32, i32
  }
  func.func @transform_3(%arg0: i32) -> i32 {
    %c0_i32 = arith.constant 0 : i32
    %c0_i32_0 = arith.constant 0 : i32
    return %c0_i32 : i32
  }
  func.func @transform_4(%arg0: i32) -> (i32, i32) {
    %c0_i32 = arith.constant 0 : i32
    %c0_i32_0 = arith.constant 0 : i32
    %c0_i32_1 = arith.constant 0 : i32
    return %c0_i32, %c0_i32_0 : i32, i32
  }
  func.func @transform_5(%arg0: i32) -> i32 {
    %c0_i32 = arith.constant 0 : i32
    %c0_i32_0 = arith.constant 0 : i32
    return %c0_i32 : i32
  }
  func.func @transform_6(%arg0: i32) -> (i32, i32) {
    %c0_i32 = arith.constant 0 : i32
    %c0_i32_0 = arith.constant 0 : i32
    %c0_i32_1 = arith.constant 0 : i32
    return %c0_i32, %c0_i32_0 : i32, i32
  }
  func.func @transform_7(%arg0: i32) -> i32 {
    %c0_i32 = arith.constant 0 : i32
    %c0_i32_0 = arith.constant 0 : i32
    return %c0_i32 : i32
  }
  func.func @transform_8(%arg0: i32) -> (i32, i32) {
    %c0_i32 = arith.constant 0 : i32
    %c0_i32_0 = arith.constant 0 : i32
    %c0_i32_1 = arith.constant 0 : i32
    return %c0_i32, %c0_i32_0 : i32, i32
  }
  func.func @transform_9(%arg0: i32) -> i32 {
    %c0_i32 = arith.constant 0 : i32
    %c0_i32_0 = arith.constant 0 : i32
    return %c0_i32 : i32
  }
  func.func @transform_10(%arg0: i32) -> (i32, i32) {
    %c0_i32 = arith.constant 0 : i32
    %c0_i32_0 = arith.constant 0 : i32
    %c0_i32_1 = arith.constant 0 : i32
    return %c0_i32, %c0_i32_0 : i32, i32
  }
  func.func @transform_11(%arg0: i32) -> i32 {
    %c0_i32 = arith.constant 0 : i32
    %c0_i32_0 = arith.constant 0 : i32
    return %c0_i32 : i32
  }
  func.func @transform_12(%arg0: i32) -> (i32, i32) {
    %c0_i32 = arith.constant 0 : i32
    %c0_i32_0 = arith.constant 0 : i32
    %c0_i32_1 = arith.constant 0 : i32
    return %c0_i32, %c0_i32_0 : i32, i32
  }
  func.func @transform_13(%arg0: i32) -> i32 {
    %c0_i32 = arith.constant 0 : i32
    %c0_i32_0 = arith.constant 0 : i32
    return %c0_i32 : i32
  }
  func.func @transform_14(%arg0: i32) -> (i32, i32) {
    %c0_i32 = arith.constant 0 : i32
    %c0_i32_0 = arith.constant 0 : i32
    %c0_i32_1 = arith.constant 0 : i32
    return %c0_i32, %c0_i32_0 : i32, i32
  }
  func.func @transform_15(%arg0: i32) -> i32 {
    %c0_i32 = arith.constant 0 : i32
    %c0_i32_0 = arith.constant 0 : i32
    return %c0_i32 : i32
  }
  func.func @transform_16(%arg0: i32) -> (i32, i32) {
    %c0_i32 = arith.constant 0 : i32
    %c0_i32_0 = arith.constant 0 : i32
    %c0_i32_1 = arith.constant 0 : i32
    return %c0_i32, %c0_i32_0 : i32, i32
  }
  func.func @transform_17(%arg0: i32) -> i32 {
    %c0_i32 = arith.constant 0 : i32
    %c0_i32_0 = arith.constant 0 : i32
    return %c0_i32 : i32
  }
  func.func @transform_18(%arg0: i32) -> (i32, i32) {
    %c0_i32 = arith.constant 0 : i32
    %c0_i32_0 = arith.constant 0 : i32
    %c0_i32_1 = arith.constant 0 : i32
    return %c0_i32, %c0_i32_0 : i32, i32
  }
  func.func @transform_19(%arg0: i32) -> i32 {
    %c0_i32 = arith.constant 0 : i32
    %c0_i32_0 = arith.constant 0 : i32
    return %c0_i32 : i32
  }
  func.func @transform_20(%arg0: i32) -> (i32, i32) {
    %c0_i32 = arith.constant 0 : i32
    %c0_i32_0 = arith.constant 0 : i32
    %c0_i32_1 = arith.constant 0 : i32
    return %c0_i32, %c0_i32_0 : i32, i32
  }
  func.func @transform_21(%arg0: i32) -> i32 {
    %c0_i32 = arith.constant 0 : i32
    %c0_i32_0 = arith.constant 0 : i32
    return %c0_i32 : i32
  }
  func.func @transform_22(%arg0: i32) -> (i32, i32) {
    %c0_i32 = arith.constant 0 : i32
    %c0_i32_0 = arith.constant 0 : i32
    %c0_i32_1 = arith.constant 0 : i32
    return %c0_i32, %c0_i32_0 : i32, i32
  }
  func.func @transform_23(%arg0: i32) -> i32 {
    %c0_i32 = arith.constant 0 : i32
    %c0_i32_0 = arith.constant 0 : i32
    return %c0_i32 : i32
  }
  func.func @transform_24(%arg0: i32) -> (i32, i32) {
    %c0_i32 = arith.constant 0 : i32
    %c0_i32_0 = arith.constant 0 : i32
    %c0_i32_1 = arith.constant 0 : i32
    return %c0_i32, %c0_i32_0 : i32, i32
  }
  func.func @transform_25(%arg0: i32) -> i32 {
    %c0_i32 = arith.constant 0 : i32
    %c0_i32_0 = arith.constant 0 : i32
    return %c0_i32 : i32
  }
  func.func @transform_26(%arg0: i32) -> (i32, i32) {
    %c0_i32 = arith.constant 0 : i32
    %c0_i32_0 = arith.constant 0 : i32
    %c0_i32_1 = arith.constant 0 : i32
    return %c0_i32, %c0_i32_0 : i32, i32
  }
  func.func @transform_27(%arg0: i32) -> i32 {
    %c0_i32 = arith.constant 0 : i32
    %c0_i32_0 = arith.constant 0 : i32
    return %c0_i32 : i32
  }
  func.func @transform_28(%arg0: i32) -> (i32, i32) {
    %c0_i32 = arith.constant 0 : i32
    %c0_i32_0 = arith.constant 0 : i32
    %c0_i32_1 = arith.constant 0 : i32
    return %c0_i32, %c0_i32_0 : i32, i32
  }
  func.func @transform_29(%arg0: i32) -> i32 {
    %c0_i32 = arith.constant 0 : i32
    %c0_i32_0 = arith.constant 0 : i32
    return %c0_i32 : i32
  }
  func.func @transform_30(%arg0: i32) -> (i32, i32) {
    %c0_i32 = arith.constant 0 : i32
    %c0_i32_0 = arith.constant 0 : i32
    %c0_i32_1 = arith.constant 0 : i32
    return %c0_i32, %c0_i32_0 : i32, i32
  }
  func.func @transform_31(%arg0: i32) -> i32 {
    %c0_i32 = arith.constant 0 : i32
    %c0_i32_0 = arith.constant 0 : i32
    return %c0_i32 : i32
  }
  func.func @transform_32(%arg0: i32) -> (i32, i32) {
    %c0_i32 = arith.constant 0 : i32
    %c0_i32_0 = arith.constant 0 : i32
    %c0_i32_1 = arith.constant 0 : i32
    return %c0_i32, %c0_i32_0 : i32, i32
  }
  func.func @transform_33(%arg0: i32) -> (i32, i32) {
    %c0_i32 = arith.constant 0 : i32
    %c0_i32_0 = arith.constant 0 : i32
    %c0_i32_1 = arith.constant 0 : i32
    return %c0_i32, %c0_i32_0 : i32, i32
  }
  func.func @transform_34(%arg0: i32) -> (i32, i32, i32) {
    %c0_i32 = arith.constant 0 : i32
    %c0_i32_0 = arith.constant 0 : i32
    %c0_i32_1 = arith.constant 0 : i32
    %c0_i32_2 = arith.constant 0 : i32
    return %c0_i32, %c0_i32_0, %c0_i32_1 : i32, i32, i32
  }
  func.func @transform_35(%arg0: i32) -> (i32, i32) {
    %c0_i32 = arith.constant 0 : i32
    %c0_i32_0 = arith.constant 0 : i32
    %c0_i32_1 = arith.constant 0 : i32
    return %c0_i32, %c0_i32_0 : i32, i32
  }
  func.func @transform_36(%arg0: i32) -> (i32, i32, i32) {
    %c0_i32 = arith.constant 0 : i32
    %c0_i32_0 = arith.constant 0 : i32
    %c0_i32_1 = arith.constant 0 : i32
    %c0_i32_2 = arith.constant 0 : i32
    return %c0_i32, %c0_i32_0, %c0_i32_1 : i32, i32, i32
  }
  func.func @transform_37(%arg0: i32) -> (i32, i32, i32) {
    %c0_i32 = arith.constant 0 : i32
    %c0_i32_0 = arith.constant 0 : i32
    %c0_i32_1 = arith.constant 0 : i32
    %c0_i32_2 = arith.constant 0 : i32
    return %c0_i32, %c0_i32_0, %c0_i32_1 : i32, i32, i32
  }
}

</mosaic_0001>

<sc_bundles>
// kernel: kernel.4.cloned.1.call-start
scs
__scs_entry_jumppad:
0x0: {  	(pc) =	sbr.rel $0x88, $3  }
0x1: {  	(tag) =	ssettag $0x0;
	lr =	simm.s32 $0x1  }
0x2: {  	[smem:$0x3F7F] =	sst lr;
	_ =	strace $0xD0000000  }
0x3: {  	_ = 	snop  }
0x4: {  	_ = 	snop  }
0x5: {  	_ = 	snop  }
0x6: {  	_ = 	snop  }
0x7: {  	_ = 	snop  }
__scs_overlays_trampoline_lowered:
0x8: {  	[smem:$0x3F8E] =	sst s0  }
0x9: {  	[smem:$0x3F8F] =	sst s1  }
0xa: {  	[smem:$0x3F90] =	sst s2  }
0xb: {  	[smem:$0x3F91] =	sst s3  }
0xc: {  	[smem:$0x3F92] =	sst s4  }
0xd: {  	[smem:$0x3F93] =	sst s5  }
0xe: {  	[smem:$0x3F94] =	sst s6  }
0xf: {  	[smem:$0x3F95] =	sst s7  }
0x10: {  	[smem:$0x3F96] =	sst s8  }
0x11: {  	[smem:$0x3F97] =	sst s9;
	s0 =	simm.s32 @!p0 $0x0  }
0x12: {  	s1 =	sld [smem:$0x3F7D];
	s0 =	simm.s32 @p0 $0x1  }
0x13: {  	[smem:$0x3F98] =	sst s0;
	s0 =	simm.s32 @!p1 $0x0  }
0x14: {  	s2 =	sld [smem:$0x3F7C];
	s0 =	simm.s32 @p1 $0x1  }
0x15: {  	[smem:$0x3F99] =	sst s0;
	s0 =	simm.s32 @!p2 $0x0  }
0x16: {  	s3 =	sld [smem:$0x3FDB];
	s0 =	simm.s32 @p2 $0x1  }
0x17: {  	s4 =	simm.s32 $0x1BF5;
	[smem:$0x3F9B] =	sst s0  }
0x18: {  	s0 =	sld [smem:$0x3F7E];
	_ =	swait.ge [sflag:s4], $0x0  }
0x19: {  	s7 =	sld [smem:$0x3F7F]  }
0x1a: {  	s8 =	sadd.s32 $0xFFFFE003, lr  }
0x1b: {  	s9 =	sadd.s32 $0xFFFFFEF7, lr;
	s5 =	simm.s32 $0xFFFFFFFF;
	p2 =	slt.u32 s8, $0xFFFFF086  }
0x1c: {  	p1 =	slt.u32 s9, $0xF7A;
	s5 =	simm.s32 @!p2 $0x0  }
0x1d: {  	s5 =	simm.s32 @p1 $0x1;
	p0 =	seq.s32 s7, s2  }
0x1e: {  	s7 =	smul.u32 @!p0 $0xF7A, s2;
	p2 =	seq.s32 @!p0 s5, $0x0  }
0x1f: {  	s9 =	smul.u32 $0xF7A, s1;
	s8 =	simm.s32 @!p0 $0x1BF5;
	p2 =	por !p2, p0  }
0x20: {  	[sflag:s8] =	ssyncset.s32 @!p0 $0xFFFFF086;
	s6 =	sadd.s32 @!p0 s3, s7;
	s7 =	simm.s32 @!p0 $0x108  }
0x21: {  	s3 =	sadd.s32 s3, s9;
	s6 =	sadd.s32 @!p0 $0x88, s6;
	s7 =	simm.s32 @p2 $0x1082  }
0x22: {  	[simem:s7], [sflag:s8] =	dma.local @!p0 [hbm:s6], $0xF7A  }
0x23: {  	s9 =	sor.u32 $0xD0000000, s2;
	s6 =	simm.s32 $0x108;
	_ =	swait.ge @!p0 [sflag:s8], $0x0  }
0x24: {  	s3 =	sadd.s32 $0x88, s3;
	s6 =	simm.s32 @!p1 $0x1082;
	[sflag:s4] =	ssyncset.s32 $0xFFFFF086  }
0x25: {  	[simem:s6], [sflag:s4] =	dma.local [hbm:s3], $0xF7A  }
0x26: {  	[smem:$0x3F7F] =	sst s1;
	(tag) =	ssettag s2;
	_ =	strace s9  }
0x27: {  	s1 =	sld [smem:$0x3F8F]  }
0x28: {  	s2 =	sld [smem:$0x3F90]  }
0x29: {  	s4 =	sld [smem:$0x3F92]  }
0x2a: {  	p0 =	seq.s32 s5, $0x0;
	s5 =	sld [smem:$0x3F93]  }
0x2b: {  	s6 =	sld [smem:$0x3F94]  }
0x2c: {  	s7 =	sld [smem:$0x3F95]  }
0x2d: {  	s3 =	simm.s32 $0x108;
	s8 =	sld [smem:$0x3F96]  }
0x2e: {  	s3 =	simm.s32 @!p0 $0x1082;
	s9 =	sld [smem:$0x3F97]  }
0x2f: {  	lr =	sadd.s32 s0, s3;
	s0 =	sld [smem:$0x3F8E]  }
0x30: {  	s3 =	sld [smem:$0x3F91]  }
0x31: {  	[smem:$0x3F9A] =	sst s10  }
0x32: {  	s10 =	sld [smem:$0x3F98];
	_ =	sdelay $0x3  }
0x33: {  	p0 =	seq.s32 s10, $0x1;
	s10 =	sld [smem:$0x3F9A];
	_ =	sdelay $0x3  }
0x34: {  	[smem:$0x3F9A] =	sst s10  }
0x35: {  	s10 =	sld [smem:$0x3F99];
	_ =	sdelay $0x3  }
0x36: {  	p1 =	seq.s32 s10, $0x1;
	s10 =	sld [smem:$0x3F9A];
	_ =	sdelay $0x3  }
0x37: {  	[smem:$0x3F9A] =	sst s10  }
0x38: {  	s10 =	sld [smem:$0x3F9B]  }
0x39: {  	_ = 	snop;
	(pc) =	sbr.ind lr, $3  }
0x3a: {  	_ = 	snop  }
0x3b: {  	_ = 	snop  }
0x3c: {  	p2 =	seq.s32 s10, $0x1;
	s10 =	sld [smem:$0x3F9A]  }
0x3d: {  	_ =	shalt  }
0x3e: {  	_ =	shalt  }
0x3f: {  	_ =	shalt  }
0x40: {  	_ =	shalt  }
0x41: {  	_ =	shalt  }
0x42: {  	_ =	shalt  }
0x43: {  	_ =	shalt  }
0x44: {  	_ =	shalt  }
0x45: {  	_ =	shalt  }
0x46: {  	_ =	shalt  }
0x47: {  	_ =	shalt  }
0x48: {  	_ =	shalt  }
0x49: {  	_ =	shalt  }
0x4a: {  	_ =	shalt  }
0x4b: {  	_ =	shalt  }
0x4c: {  	_ =	shalt  }
0x4d: {  	_ =	shalt  }
0x4e: {  	_ =	shalt  }
0x4f: {  	_ =	shalt  }
0x50: {  	_ =	shalt  }
0x51: {  	_ =	shalt  }
0x52: {  	_ =	shalt  }
0x53: {  	_ =	shalt  }
0x54: {  	_ =	shalt  }
0x55: {  	_ =	shalt  }
0x56: {  	_ =	shalt  }
0x57: {  	_ =	shalt  }
0x58: {  	_ =	shalt  }
0x59: {  	_ =	shalt  }
0x5a: {  	_ =	shalt  }
0x5b: {  	_ =	shalt  }
0x5c: {  	_ =	shalt  }
0x5d: {  	_ =	shalt  }
0x5e: {  	_ =	shalt  }
0x5f: {  	_ =	shalt  }
0x60: {  	_ =	shalt  }
0x61: {  	_ =	shalt  }
0x62: {  	_ =	shalt  }
0x63: {  	_ =	shalt  }
0x64: {  	_ =	shalt  }
0x65: {  	_ =	shalt  }
0x66: {  	_ =	shalt  }
0x67: {  	_ =	shalt  }
0x68: {  	_ =	shalt  }
0x69: {  	_ =	shalt  }
0x6a: {  	_ =	shalt  }
0x6b: {  	_ =	shalt  }
0x6c: {  	_ =	shalt  }
0x6d: {  	_ =	shalt  }
0x6e: {  	_ =	shalt  }
0x6f: {  	_ =	shalt  }
0x70: {  	_ =	shalt  }
0x71: {  	_ =	shalt  }
0x72: {  	_ =	shalt  }
0x73: {  	_ =	shalt  }
0x74: {  	_ =	shalt  }
0x75: {  	_ =	shalt  }
0x76: {  	_ =	shalt  }
0x77: {  	_ =	shalt  }
0x78: {  	_ =	shalt  }
0x79: {  	_ =	shalt  }
0x7a: {  	_ =	shalt  }
0x7b: {  	_ =	shalt  }
0x7c: {  	_ =	shalt  }
0x7d: {  	_ =	shalt  }
0x7e: {  	_ =	shalt  }
0x7f: {  	_ =	shalt  }
0x80: {  	_ =	shalt  }
0x81: {  	_ =	shalt  }
0x82: {  	_ =	shalt  }
0x83: {  	_ =	shalt  }
0x84: {  	_ =	shalt  }
0x85: {  	_ =	shalt  }
0x86: {  	_ =	shalt  }
0x87: {  	_ =	shalt  }
.Lfunc_end0:
.L_simem_size_0:
called_computation_lowered:
.L_overlay_start_0:
0x88: {  	s2 =	sld [smem:$0x3FD9]  }
0x89: {  	s3 =	sld [smem:$0x3FFE];
	_ =	sdelay $0x1  }
0x8a: {  	s1 =	srdreg.scid  }
0x8b: {  	s0 =	sand.u32 $0x1, s1  }
0x8c: {  	s15 =	sshll.u32 s0, $0xA;
	s2 =	sadd.s32 s3, s2  }
0x8d: {  	s2 =	sadd.s32 s2, s15  }
0x8e: {  	[smem:$0x3FA6] =	sst s2  }
0x8f: {  	_ = 	snop  }
0x90: {  	s2 =	sld [smem:$0x3FD0];
	_ =	sdelay $0x2  }
0x91: {  	s4 =	simm.s32 $0xA;
	s5 =	simm.s32 $0x10;
	s16 =	sld [smem:$0x3FC9]  }
0x92: {  	[smem:s5], [sflag:s4] =	dma.local [hbm:s2], $0x1  }
0x93: {  	_ =	swait.eq [sflag:s4], $0x1  }
0x94: {  	[sflag:s4] =	ssyncset.done $0x0  }
0x95: {  	s17 =	sld [smem:$0x11];
	[sflag:s4] =	ssyncadd.s32 $0xFFFFFFFF  }
0x96: {  	s18 =	sld [smem:$0x12];
	(tm) =	ssettm $0x1  }
0x97: {  	s19 =	sld [smem:$0x3FFB];
	_ =	sdelay $0x3  }
0x98: {  	_ =	strace s19  }
0x99: {  	s5 =	sld [smem:$0x3FFC];
	_ =	sdelay $0x3  }
0x9a: {  	_ =	strace s5  }
0x9b: {  	s5 =	sld [smem:$0x3FFD];
	_ =	sdelay $0x3  }
0x9c: {  	_ =	strace s5  }
0x9d: {  	_ =	strace $0x8FFFFFFF  }
0x9e: {  	s20 =	sld [smem:$0x3FDB];
	_ =	sdelay $0x1  }
0x9f: {  	s6 =	simm.s32 $_scs_section_size  }
0xa0: {  	s7 =	simm.s32 $_size__tile_overlayer_lowered;
	s8 =	simm.s32 $_tile_overlayer_lowered  }
0xa1: {  	s23 =	simm.s32 $0x1BFF;
	s22 =	sshll.u32 s8, $0x1;
	s5 =	sadd.s32 s6, s20  }
0xa2: {  	s9 =	simm.s32 $0x0;
	s21 =	sshll.u32 s7, $0x1;
	s7 =	sadd.s32 s22, s5  }
0xa3: {  	[timem:s9], [sflag:s23] =	dma.local [hbm:s7], s21  }
0xa4: {  	_ =	swait.ge [sflag:s23], s21  }
0xa5: {  	s6 =	ssub.s32 $0x0, s21;
	[sflag:s23] =	ssyncset.done $0x0  }
0xa6: {  	[sflag:s23] =	ssyncadd.s32 s6;
	_ =	sdelay $0x1  }
0xa7: {  	s24 =	simm.s32 $0x1B8B  }
0xa8: {  	_ =	swait.ge [sflag:s24], $0x1  }
0xa9: {  	[sflag:s24] =	ssyncset.done $0x0  }
0xaa: {  	s25 =	simm.s32 $0x1B8E;
	[sflag:s24] =	ssyncadd.s32 $0xFFFFFFFF  }
0xab: {  	s26 =	simm.s32 $execute0_lowered;
	[smem:$0x3FD2] =	sst s25  }
0xac: {  	s6 =	sshll.u32 s26, $0x1;
	_ =	strace $0x80000046;
	[dreg:$0x1] =	wrdreg $0xFFFFFFFF  }
0xad: {  	s28 =	simm.s32 $_size_execute0_lowered;
	s5 =	sadd.s32 s5, s6;
	[dreg:$0x0] =	wrdreg $0x0  }
0xae: {  	s6 =	sshll.u32 s28, $0x1;
	[dreg:$0x2] =	wrdreg s5  }
0xaf: {  	[dreg:$0x3] =	wrdreg s6  }
0xb0: {  	[dreg:$0x4] =	wrdreg $0xC0  }
0xb1: {  	_ =	task [dreg:s9], $0x5FFFF  }
0xb2: {  	[dreg:$0x1] =	wrdreg $0xFFFFFFFF  }
0xb3: {  	[dreg:$0x0] =	wrdreg $0x60  }
0xb4: {  	[dreg:$0x2] =	wrdreg s16  }
0xb5: {  	[dreg:$0x3] =	wrdreg s18  }
0xb6: {  	[dreg:$0x4] =	wrdreg s17  }
0xb7: {  	[dreg:$0x5] =	wrdreg $0x9  }
0xb8: {  	_ =	task.clear_ibuf [dreg:s9], $0x6FFFF;
	_ =	strace $0x90000046  }
0xb9: {  	s29 =	simm.s32 $0x9;
	_ =	strace $0x80000048  }
0xba: {  	_ =	swait.ge [sflag:s29], $0x1  }
0xbb: {  	[sflag:s29] =	ssyncadd.s32 $0xFFFFFFFF  }
0xbc: {  	_ =	strace $0x90000048  }
0xbd: {  	_ =	sfence  }
0xbe: {  	s30 =	sld [smem:$0x0];
	_ =	sdelay $0x2  }
0xbf: {  	s31 =	sshll.u32 s1, $0xD;
	s1 =	sshrl.u32 s1, $0x2  }
0xc0: {  	s3 =	sand.u32 $0x4000, s31;
	s1 =	sadd.s32 s1, s30  }
0xc1: {  	s0 =	sor.u32 s3, s0;
	s1 =	sshll.u32 s1, $0x11  }
0xc2: {  	s0 =	sor.u32 s1, s0  }
0xc3: {  	s0 =	sadd.s32 $0x8F2B, s0  }
0xc4: {  	[sflag:s0] =	ssyncadd.remote.s32 $0x1  }
0xc5: {  	_ =	sfence.sel $0xFFFF  }
0xc6: {  	[dreg:$0x0] =	wrdreg $0xFFFFFFFF;
	(pc) =	sbr.abs _section_cstart, $3  }
0xc7: {  	[dreg:$0x1] =	wrdreg $0xFFFFFFFF  }
0xc8: {  	_ =	task.clear_ibuf [dreg:s9], $0x2FFFF;
	_ =	strace $0x9FFFFFFF  }
0xc9: {  	(tm) =	ssettm $0x7FFFFFFF  }
tec
execute0_lowered:
.L_overlay_start_1:
0x0: {  	(tag) =	ssettag $0x1  }
0x1: {  	s4 =	rddreg [dreg:$0x0]  }
0x2: {  	s2 =	rddreg [dreg:$0x1];
	s0 =	srdreg.scid  }
0x3: {  	s7 =	rddreg [dreg:$0x2];
	s1 =	stileid.u32;
	s3 =	simm.s32 $0x0  }
0x4: {  	s11 =	simm.s32 $0x6080;
	s12 =	simm.s32 $0x6100;
	s13 =	simm.s32 $0x6200  }
0x5: {  	s5 =	sand.u32 $0x1, s0;
	s0 =	rddreg [dreg:$0x3];
	s6 =	sshll.u32 s1, $0x2  }
0x6: {  	s30 =	sshll.u32 s1, $0x3;
	[smem:$0x7FF] =	sst s3;
	s8 =	sshll.u32 s5, $0x1  }
0x7: {  	s5 =	ssub.s32 $0x2, s5;
	_ =	strace $0x80000047;
	s8 =	sor.u32 s8, s6  }
0x8: {  	s6 =	sand.u32 $0x70, s30;
	s10 =	sshrl.u32 s5, $0x1;
	s9 =	sand.u32 $0x6, s8  }
0x9: {  	s31 =	ssub.s32 s5, s10;
	s7 =	sadd.s32 s7, s8;
	s6 =	sor.u32 s6, s9  }
0xa: {  	s10 =	simm.s32 $0x6000;
	s8 =	smax.u32 s31, $0x1;
	s4 =	sadd.s32 s4, s6  }
0xb: {  	v0 =	vimm.s32 $0x0;
	s9 =	simm.s32 $0x1;
	s5 =	sadd.s32 $0x4000, s4;
	s6 =	sadd.s32 $0x8000, s4  }
.LBB2_1:
0xc: {  	[tilespmem:s3], [sflag:$0x1] =	stream.linear.gather [hbm4b:s2+s3], $0x6000, $0x38;
	[tilespmem:$0x6280] =	vst v63  }
0xd: {  	_ =	swait.ge [sflag:s9], $0x6000  }
0xe: {  	[sflag:s9] =	ssyncset.done $0x0  }
0xf: {  	[sflag:s9] =	ssyncadd.s32 $0xFFFFA000  }
0x10: {  	[tilespmem:s10], [sflag:$0x1] =	stream.linear.gather [hbm4b:s4+s3], $0x10, $0x38;
	[tilespmem:$0x6280] =	vst v63  }
0x11: {  	_ =	swait.ge [sflag:s9], $0x10  }
0x12: {  	[sflag:s9] =	ssyncset.done $0x0  }
0x13: {  	[sflag:s9] =	ssyncadd.s32 $0xFFFFFFF0  }
0x14: {  	[tilespmem:s11], [sflag:$0x1] =	stream.linear.gather [hbm4b:s5+s3], $0x10, $0x38;
	[tilespmem:$0x6280] =	vst v63  }
0x15: {  	_ =	swait.ge [sflag:s9], $0x10  }
0x16: {  	[sflag:s9] =	ssyncset.done $0x0  }
0x17: {  	[sflag:s9] =	ssyncadd.s32 $0xFFFFFFF0  }
0x18: {  	[tilespmem:s12], [sflag:$0x1] =	stream.linear.gather [hbm4b:s6+s3], $0x10, $0x38;
	[tilespmem:$0x6280] =	vst v63  }
0x19: {  	_ =	swait.ge [sflag:s9], $0x10  }
0x1a: {  	[sflag:s9] =	ssyncset.done $0x0  }
0x1b: {  	[sflag:s9] =	ssyncadd.s32 $0xFFFFFFF0  }
0x1c: {  	v1 =	vld [tilespmem:$0x6000]  }
0x1d: {  	v2 =	vld [tilespmem:$0x6080]  }
0x1e: {  	v4 =	vld [tilespmem:$0x0]  }
0x1f: {  	v5 =	vld [tilespmem:$0x2000]  }
0x20: {  	v3 =	vld [tilespmem:$0x6100]  }
0x21: {  	v6 =	vld [tilespmem:$0x4000]  }
0x22: {  	v7 =	vld [tilespmem:$0x80]  }
0x23: {  	v8 =	vld [tilespmem:$0x2080]  }
0x24: {  	v9 =	vld [tilespmem:$0x4080]  }
0x25: {  	v10 =	vld [tilespmem:$0x100]  }
0x26: {  	v11 =	vld [tilespmem:$0x2100]  }
0x27: {  	v12 =	vld [tilespmem:$0x180]  }
0x28: {  	v13 =	vld [tilespmem:$0x4180]  }
0x29: {  	v14 =	vld [tilespmem:$0x2200]  }
0x2a: {  	v63 =	vld [tilespmem:$0x4200]  }
0x2b: {  	v19 =	vld [tilespmem:$0x280]  }
0x2c: {  	v24 =	vld [tilespmem:$0x300];
	v4 =	vsub.f32 v1, v4  }
0x2d: {  	v30 =	vld [tilespmem:$0x4300];
	v5 =	vsub.f32 v2, v5;
	v6 =	vsub.f32 v3, v6  }
0x2e: {  	v32 =	vld [tilespmem:$0x380];
	v7 =	vsub.f32 v1, v7;
	v8 =	vsub.f32 v2, v8  }
0x2f: {  	v34 =	vld [tilespmem:$0x2380];
	v9 =	vsub.f32 v3, v9;
	v10 =	vsub.f32 v1, v10  }
0x30: {  	v36 =	vld [tilespmem:$0x4380];
	v11 =	vsub.f32 v2, v11;
	v12 =	vsub.f32 v1, v12  }
0x31: {  	v38 =	vld [tilespmem:$0x400];
	v18 =	vsub.f32 v3, v13;
	v23 =	vsub.f32 v2, v14  }
0x32: {  	v44 =	vld [tilespmem:$0x480];
	v26 =	vsub.f32 v3, v63;
	v13 =	vsub.f32 v1, v19  }
0x33: {  	v56 =	vld [tilespmem:$0x4100];
	v33 =	vsub.f32 v1, v24;
	v37 =	vsub.f32 v3, v30  }
0x34: {  	v61 =	vld [tilespmem:$0x200];
	v42 =	vsub.f32 v1, v32;
	v43 =	vsub.f32 v2, v34  }
0x35: {  	v22 =	vld [tilespmem:$0x4280];
	v46 =	vsub.f32 v3, v36;
	v4 =	vmul.f32 v4, v4;
	v5 =	vmul.f32 v5, v5  }
0x36: {  	v50 =	vld [tilespmem:$0x4480];
	v49 =	vsub.f32 v1, v38;
	v55 =	vmul.f32 v6, v6;
	v7 =	vmul.f32 v7, v7  }
0x37: {  	v52 =	vld [tilespmem:$0x500];
	v53 =	vsub.f32 v1, v44;
	v8 =	vmul.f32 v8, v8;
	v58 =	vmul.f32 v9, v9  }
0x38: {  	v57 =	vld [tilespmem:$0x2180];
	v6 =	vsub.f32 v3, v56;
	v59 =	vmul.f32 v10, v10;
	v60 =	vmul.f32 v11, v11  }
0x39: {  	v12 =	vmul.f32 v12, v12;
	v21 =	vmul.f32 v18, v18;
	v11 =	vsub.f32 v1, v61  }
0x3a: {  	v20 =	vld [tilespmem:$0x2280];
	v28 =	vmul.f32 v23, v23;
	v10 =	vsub.f32 v3, v22;
	v31 =	vmul.f32 v13, v13  }
0x3b: {  	v40 =	vmul.f32 v37, v37;
	v47 =	vmul.f32 v42, v42;
	v56 =	vsub.f32 v3, v50  }
0x3c: {  	v48 =	vmul.f32 v43, v43;
	v61 =	vsub.f32 v1, v52;
	v4 =	vadd.f32 v5, v4  }
0x3d: {  	v54 =	vld [tilespmem:$0x2500];
	v51 =	vmul.f32 v49, v49;
	v7 =	vadd.f32 v8, v7;
	v5 =	vsub.f32 v2, v57  }
0x3e: {  	v42 =	vld [tilespmem:$0x4780];
	v62 =	vadd.f32 v60, v59;
	v6 =	vmul.f32 v6, v6;
	v27 =	vmul.f32 v11, v11  }
0x3f: {  	v8 =	vsub.f32 v2, v20;
	v35 =	vmul.f32 v10, v10;
	v10 =	vadd.f32 v48, v47;
	v57 =	vld [tilespmem:$0x580]  }
0x40: {  	v59 =	vmul.f32 v56, v56;
	v20 =	vmul.f32 v61, v61;
	v47 =	vld [tilespmem:$0x4800];
	v4 =	vadd.f32 v55, v4  }
0x41: {  	v63 =	vld [tilespmem:$0x600];
	v7 =	vadd.f32 v58, v7;
	v5 =	vmul.f32 v5, v5;
	v6 =	vadd.f32 v6, v62  }
0x42: {  	v9 =	vadd.f32 v28, v27;
	v8 =	vmul.f32 v8, v8;
	v55 =	vld [tilespmem:$0x4500];
	v62 =	vsub.f32 v2, v54  }
0x43: {  	v27 =	vld [tilespmem:$0x2680];
	v48 =	vsub.f32 v3, v42;
	vm0 =	vlt.f32 v4, $3.399999950e+38;
	v5 =	vadd.f32 v5, v12  }
0x44: {  	v28 =	vld [tilespmem:$0x4680];
	v8 =	vadd.f32 v8, v31;
	v4 =	vnsel vm0, $0x7F7FC99E, v4;
	v22 =	vsub.f32 v1, v57  }
0x45: {  	v25 =	vld [tilespmem:$0x2300];
	v57 =	vsub.f32 v3, v47;
	vm0 =	vlt.f32 v7, v4;
	v5 =	vadd.f32 v21, v5  }
0x46: {  	v39 =	vld [tilespmem:$0x2400];
	v8 =	vadd.f32 v35, v8;
	v21 =	vmul.f32 v62, v62;
	v4 =	vsel vm0, v7, v4  }
0x47: {  	v41 =	vld [tilespmem:$0x4400];
	v15 =	vsel vm0, $0x1, v0;
	v7 =	vmul.f32 v26, v26;
	v19 =	vsub.f32 v3, v55  }
0x48: {  	v23 =	vld [tilespmem:$0x4600];
	v24 =	vmul.f32 v22, v22;
	v26 =	vsub.f32 v1, v63;
	vm1 =	vlt.f32 v6, v4  }
0x49: {  	v45 =	vld [tilespmem:$0x2480];
	v35 =	vsub.f32 v2, v27;
	v38 =	vsub.f32 v3, v28;
	v4 =	vsel vm1, v6, v4  }
0x4a: {  	v30 =	vld [tilespmem:$0x700];
	v29 =	vsel vm1, $0x2, v15;
	v6 =	vsub.f32 v2, v25;
	vm4 =	vlt.f32 v5, v4  }
0x4b: {  	v36 =	vld [tilespmem:$0x780];
	v7 =	vadd.f32 v7, v9;
	v9 =	vsub.f32 v2, v39;
	v4 =	vsel vm4, v5, v4  }
0x4c: {  	v25 =	vld [tilespmem:$0x680];
	v5 =	vmul.f32 v33, v33;
	v6 =	vmul.f32 v6, v6;
	v12 =	vsel vm4, $0x3, v29  }
0x4d: {  	v9 =	vmul.f32 v9, v9;
	v29 =	vsub.f32 v3, v23;
	vm5 =	vlt.f32 v7, v4  }
0x4e: {  	v4 =	vsel vm5, v7, v4;
	v5 =	vadd.f32 v6, v5;
	v7 =	vsub.f32 v3, v41  }
0x4f: {  	v44 =	vld [tilespmem:$0x800];
	v12 =	vsel vm5, $0x4, v12;
	v6 =	vsub.f32 v2, v45;
	v9 =	vadd.f32 v9, v51  }
0x50: {  	v58 =	vld [tilespmem:$0x2580];
	v32 =	vmul.f32 v29, v29;
	v41 =	vsub.f32 v1, v30;
	v45 =	vsub.f32 v1, v36  }
0x51: {  	v61 =	vld [tilespmem:$0x4900];
	v51 =	vmul.f32 v48, v48;
	vm6 =	vlt.f32 v8, v4;
	v34 =	vsub.f32 v1, v25  }
0x52: {  	v18 =	vld [tilespmem:$0x2600];
	v4 =	vsel vm6, v8, v4;
	v5 =	vadd.f32 v40, v5;
	v8 =	vmul.f32 v46, v46  }
0x53: {  	v49 =	vld [tilespmem:$0x880];
	v12 =	vsel vm6, $0x5, v12;
	v7 =	vmul.f32 v7, v7;
	v6 =	vmul.f32 v6, v6  }
0x54: {  	v60 =	vld [tilespmem:$0x4580];
	v40 =	vmul.f32 v35, v35;
	v43 =	vmul.f32 v41, v41;
	v8 =	vadd.f32 v8, v10  }
0x55: {  	v46 =	vld [tilespmem:$0x2800];
	v39 =	vmul.f32 v34, v34;
	v7 =	vadd.f32 v7, v9;
	v9 =	vsub.f32 v2, v58  }
0x56: {  	v55 =	vld [tilespmem:$0x900];
	vm7 =	vlt.f32 v5, v4;
	v10 =	vadd.f32 v21, v20;
	v21 =	vsub.f32 v3, v61  }
0x57: {  	v4 =	vsel vm7, v5, v4;
	v5 =	vmul.f32 v53, v53;
	v12 =	vsel vm7, $0x6, v12  }
0x58: {  	v53 =	vsub.f32 v1, v44;
	vm8 =	vlt.f32 v8, v4;
	v9 =	vmul.f32 v9, v9  }
0x59: {  	v37 =	vld [tilespmem:$0x2780];
	v4 =	vsel vm8, v8, v4;
	v5 =	vadd.f32 v6, v5;
	v8 =	vsub.f32 v3, v60  }
0x5a: {  	v20 =	vld [tilespmem:$0x4980];
	v12 =	vsel vm8, $0x7, v12;
	v6 =	vsub.f32 v2, v18;
	v54 =	vsub.f32 v2, v46  }
0x5b: {  	v31 =	vld [tilespmem:$0x2700];
	v58 =	vmul.f32 v53, v53;
	v60 =	vsub.f32 v1, v49;
	v18 =	vsub.f32 v1, v55  }
0x5c: {  	v34 =	vld [tilespmem:$0x4A80];
	vm9 =	vlt.f32 v7, v4;
	v9 =	vadd.f32 v9, v24;
	v24 =	vmul.f32 v21, v21  }
0x5d: {  	v63 =	vld [tilespmem:$0x980];
	v4 =	vsel vm9, v7, v4;
	v5 =	vadd.f32 v59, v5;
	v7 =	vmul.f32 v19, v19  }
0x5e: {  	v22 =	vld [tilespmem:$0xA00];
	v12 =	vsel vm9, $0x8, v12;
	v8 =	vmul.f32 v8, v8;
	v6 =	vmul.f32 v6, v6  }
0x5f: {  	v33 =	vld [tilespmem:$0x4700];
	v59 =	vmul.f32 v54, v54;
	v30 =	vsub.f32 v3, v20;
	v7 =	vadd.f32 v7, v10  }
0x60: {  	v62 =	vmul.f32 v60, v60;
	v19 =	vld [tilespmem:$0x2980];
	v8 =	vadd.f32 v8, v9;
	v9 =	vsub.f32 v2, v31  }
0x61: {  	v28 =	vld [tilespmem:$0xA80];
	vm10 =	vlt.f32 v5, v4;
	v10 =	vadd.f32 v40, v39;
	v40 =	vsub.f32 v3, v34  }
0x62: {  	v4 =	vsel vm10, v5, v4;
	v5 =	vmul.f32 v26, v26;
	v12 =	vsel vm10, $0x9, v12  }
0x63: {  	v26 =	vsub.f32 v1, v63;
	vm11 =	vlt.f32 v7, v4;
	v9 =	vmul.f32 v9, v9  }
0x64: {  	v50 =	vld [tilespmem:$0x2880];
	v4 =	vsel vm11, v7, v4;
	v5 =	vadd.f32 v6, v5;
	v7 =	vsub.f32 v3, v33  }
0x65: {  	v39 =	vld [tilespmem:$0x4B00];
	v12 =	vsel vm11, $0xA, v12;
	v6 =	vsub.f32 v2, v37;
	v27 =	vsub.f32 v2, v19  }
0x66: {  	v52 =	vld [tilespmem:$0x4880];
	v31 =	vmul.f32 v26, v26;
	v33 =	vsub.f32 v1, v22;
	v37 =	vsub.f32 v1, v28  }
0x67: {  	v53 =	vld [tilespmem:$0x4C00];
	vm12 =	vlt.f32 v8, v4;
	v9 =	vadd.f32 v9, v43;
	v43 =	vmul.f32 v40, v40  }
0x68: {  	v56 =	vld [tilespmem:$0x2900];
	v4 =	vsel vm12, v8, v4;
	v5 =	vadd.f32 v32, v5;
	v8 =	vmul.f32 v38, v38  }
0x69: {  	v36 =	vld [tilespmem:$0xB00];
	v12 =	vsel vm12, $0xB, v12;
	v7 =	vmul.f32 v7, v7;
	v6 =	vmul.f32 v6, v6  }
0x6a: {  	v47 =	vld [tilespmem:$0xC00];
	v32 =	vmul.f32 v27, v27;
	v49 =	vsub.f32 v3, v39;
	v8 =	vadd.f32 v8, v10  }
0x6b: {  	v35 =	vmul.f32 v33, v33;
	v38 =	vld [tilespmem:$0x2B00];
	v7 =	vadd.f32 v7, v9;
	v9 =	vsub.f32 v2, v50  }
0x6c: {  	v41 =	vld [tilespmem:$0xB80];
	vm13 =	vlt.f32 v5, v4;
	v10 =	vadd.f32 v59, v58;
	v59 =	vsub.f32 v3, v53  }
0x6d: {  	v4 =	vsel vm13, v5, v4;
	v5 =	vmul.f32 v45, v45;
	v12 =	vsel vm13, $0xC, v12  }
0x6e: {  	v45 =	vsub.f32 v1, v36;
	vm14 =	vlt.f32 v8, v4;
	v9 =	vmul.f32 v9, v9  }
0x6f: {  	v23 =	vld [tilespmem:$0x2A00];
	v4 =	vsel vm14, v8, v4;
	v5 =	vadd.f32 v6, v5;
	v8 =	vsub.f32 v3, v52  }
0x70: {  	v58 =	vld [tilespmem:$0x4C80];
	v12 =	vsel vm14, $0xD, v12;
	v6 =	vsub.f32 v2, v56;
	v46 =	vsub.f32 v2, v38  }
0x71: {  	v29 =	vld [tilespmem:$0x2A80];
	v50 =	vmul.f32 v45, v45;
	v52 =	vsub.f32 v1, v41;
	v56 =	vsub.f32 v1, v47  }
0x72: {  	v26 =	vld [tilespmem:$0x4D80];
	vm15 =	vlt.f32 v7, v4;
	v9 =	vadd.f32 v9, v62;
	v62 =	vmul.f32 v59, v59  }
0x73: {  	v25 =	vld [tilespmem:$0x4A00];
	v4 =	vsel vm15, v7, v4;
	v5 =	vadd.f32 v51, v5;
	v7 =	vmul.f32 v57, v57  }
0x74: {  	v55 =	vld [tilespmem:$0xC80];
	v12 =	vsel vm15, $0xE, v12;
	v8 =	vmul.f32 v8, v8;
	v6 =	vmul.f32 v6, v6  }
0x75: {  	v60 =	vld [tilespmem:$0xD00];
	v51 =	vmul.f32 v46, v46;
	v22 =	vsub.f32 v3, v58;
	v7 =	vadd.f32 v7, v10  }
0x76: {  	v54 =	vmul.f32 v52, v52;
	v57 =	vld [tilespmem:$0x2C80];
	v8 =	vadd.f32 v8, v9;
	v9 =	vsub.f32 v2, v23  }
0x77: {  	v20 =	vld [tilespmem:$0xD80];
	vm4 =	vlt.f32 v5, v4;
	v10 =	vadd.f32 v32, v31;
	v32 =	vsub.f32 v3, v26  }
0x78: {  	v4 =	vsel vm4, v5, v4;
	v5 =	vmul.f32 v18, v18;
	v12 =	vsel vm4, $0xF, v12  }
0x79: {  	v18 =	vsub.f32 v1, v55;
	vm5 =	vlt.f32 v7, v4;
	v9 =	vmul.f32 v9, v9  }
0x7a: {  	v42 =	vld [tilespmem:$0x2B80];
	v4 =	vsel vm5, v7, v4;
	v5 =	vadd.f32 v6, v5;
	v7 =	vsub.f32 v3, v25  }
0x7b: {  	v31 =	vld [tilespmem:$0x4E00];
	v12 =	vsel vm5, $0x10, v12;
	v6 =	vsub.f32 v2, v29;
	v19 =	vsub.f32 v2, v57  }
0x7c: {  	v48 =	vld [tilespmem:$0x2C00];
	v23 =	vmul.f32 v18, v18;
	v25 =	vsub.f32 v1, v60;
	v29 =	vsub.f32 v1, v20  }
0x7d: {  	v45 =	vld [tilespmem:$0x4F00];
	vm6 =	vlt.f32 v8, v4;
	v9 =	vadd.f32 v9, v35;
	v35 =	vmul.f32 v32, v32  }
0x7e: {  	v44 =	vld [tilespmem:$0x4B80];
	v4 =	vsel vm6, v8, v4;
	v5 =	vadd.f32 v24, v5;
	v8 =	vmul.f32 v30, v30  }
0x7f: {  	v28 =	vld [tilespmem:$0xE00];
	v12 =	vsel vm6, $0x11, v12;
	v7 =	vmul.f32 v7, v7;
	v6 =	vmul.f32 v6, v6  }
0x80: {  	v33 =	vld [tilespmem:$0xE80];
	v24 =	vmul.f32 v19, v19;
	v41 =	vsub.f32 v3, v31;
	v8 =	vadd.f32 v8, v10  }
0x81: {  	v27 =	vmul.f32 v25, v25;
	v30 =	vld [tilespmem:$0x2E00];
	v7 =	vadd.f32 v7, v9;
	v9 =	vsub.f32 v2, v42  }
0x82: {  	v39 =	vld [tilespmem:$0xF00];
	vm7 =	vlt.f32 v5, v4;
	v10 =	vadd.f32 v51, v50;
	v51 =	vsub.f32 v3, v45  }
0x83: {  	v4 =	vsel vm7, v5, v4;
	v5 =	vmul.f32 v37, v37;
	v12 =	vsel vm7, $0x12, v12  }
0x84: {  	v37 =	vsub.f32 v1, v28;
	vm8 =	vlt.f32 v8, v4;
	v9 =	vmul.f32 v9, v9  }
0x85: {  	v61 =	vld [tilespmem:$0x2D00];
	v4 =	vsel vm8, v8, v4;
	v5 =	vadd.f32 v6, v5;
	v8 =	vsub.f32 v3, v44  }
0x86: {  	v50 =	vld [tilespmem:$0x4F80];
	v12 =	vsel vm8, $0x13, v12;
	v6 =	vsub.f32 v2, v48;
	v38 =	vsub.f32 v2, v30  }
0x87: {  	v21 =	vld [tilespmem:$0x2D80];
	v42 =	vmul.f32 v37, v37;
	v44 =	vsub.f32 v1, v33;
	v48 =	vsub.f32 v1, v39  }
0x88: {  	v18 =	vld [tilespmem:$0x5080];
	vm9 =	vlt.f32 v7, v4;
	v9 =	vadd.f32 v9, v54;
	v54 =	vmul.f32 v51, v51  }
0x89: {  	v63 =	vld [tilespmem:$0x4D00];
	v4 =	vsel vm9, v7, v4;
	v5 =	vadd.f32 v43, v5;
	v7 =	vmul.f32 v49, v49  }
0x8a: {  	v47 =	vld [tilespmem:$0xF80];
	v12 =	vsel vm9, $0x14, v12;
	v8 =	vmul.f32 v8, v8;
	v6 =	vmul.f32 v6, v6  }
0x8b: {  	v52 =	vld [tilespmem:$0x1000];
	v43 =	vmul.f32 v38, v38;
	v60 =	vsub.f32 v3, v50;
	v7 =	vadd.f32 v7, v10  }
0x8c: {  	v46 =	vmul.f32 v44, v44;
	v49 =	vld [tilespmem:$0x2F80];
	v8 =	vadd.f32 v8, v9;
	v9 =	vsub.f32 v2, v61  }
0x8d: {  	v58 =	vld [tilespmem:$0x1080];
	vm10 =	vlt.f32 v5, v4;
	v10 =	vadd.f32 v24, v23;
	v24 =	vsub.f32 v3, v18  }
0x8e: {  	v4 =	vsel vm10, v5, v4;
	v5 =	vmul.f32 v56, v56;
	v12 =	vsel vm10, $0x15, v12  }
0x8f: {  	v56 =	vsub.f32 v1, v47;
	vm11 =	vlt.f32 v7, v4;
	v9 =	vmul.f32 v9, v9  }
0x90: {  	v34 =	vld [tilespmem:$0x2E80];
	v4 =	vsel vm11, v7, v4;
	v5 =	vadd.f32 v6, v5;
	v7 =	vsub.f32 v3, v63  }
0x91: {  	v23 =	vld [tilespmem:$0x5100];
	v12 =	vsel vm11, $0x16, v12;
	v6 =	vsub.f32 v2, v21;
	v57 =	vsub.f32 v2, v49  }
0x92: {  	v40 =	vld [tilespmem:$0x2F00];
	v61 =	vmul.f32 v56, v56;
	v63 =	vsub.f32 v1, v52;
	v21 =	vsub.f32 v1, v58  }
0x93: {  	v37 =	vld [tilespmem:$0x5200];
	vm12 =	vlt.f32 v8, v4;
	v9 =	vadd.f32 v9, v27;
	v27 =	vmul.f32 v24, v24  }
0x94: {  	v36 =	vld [tilespmem:$0x4E80];
	v4 =	vsel vm12, v8, v4;
	v5 =	vadd.f32 v62, v5;
	v8 =	vmul.f32 v22, v22  }
0x95: {  	v20 =	vld [tilespmem:$0x1100];
	v12 =	vsel vm12, $0x17, v12;
	v7 =	vmul.f32 v7, v7;
	v6 =	vmul.f32 v6, v6  }
0x96: {  	v25 =	vld [tilespmem:$0x1180];
	v62 =	vmul.f32 v57, v57;
	v33 =	vsub.f32 v3, v23;
	v8 =	vadd.f32 v8, v10  }
0x97: {  	v19 =	vmul.f32 v63, v63;
	v22 =	vld [tilespmem:$0x3100];
	v7 =	vadd.f32 v7, v9;
	v9 =	vsub.f32 v2, v34  }
0x98: {  	v31 =	vld [tilespmem:$0x1200];
	vm13 =	vlt.f32 v5, v4;
	v10 =	vadd.f32 v43, v42;
	v43 =	vsub.f32 v3, v37  }
0x99: {  	v4 =	vsel vm13, v5, v4;
	v5 =	vmul.f32 v29, v29;
	v12 =	vsel vm13, $0x18, v12  }
0x9a: {  	v29 =	vsub.f32 v1, v20;
	vm14 =	vlt.f32 v8, v4;
	v9 =	vmul.f32 v9, v9  }
0x9b: {  	v53 =	vld [tilespmem:$0x3000];
	v4 =	vsel vm14, v8, v4;
	v5 =	vadd.f32 v6, v5;
	v8 =	vsub.f32 v3, v36  }
0x9c: {  	v42 =	vld [tilespmem:$0x5280];
	v12 =	vsel vm14, $0x19, v12;
	v6 =	vsub.f32 v2, v40;
	v30 =	vsub.f32 v2, v22  }
0x9d: {  	v59 =	vld [tilespmem:$0x3080];
	v34 =	vmul.f32 v29, v29;
	v36 =	vsub.f32 v1, v25;
	v40 =	vsub.f32 v1, v31  }
0x9e: {  	v56 =	vld [tilespmem:$0x5380];
	vm15 =	vlt.f32 v7, v4;
	v9 =	vadd.f32 v9, v46;
	v46 =	vmul.f32 v43, v43  }
0x9f: {  	v55 =	vld [tilespmem:$0x5000];
	v4 =	vsel vm15, v7, v4;
	v5 =	vadd.f32 v35, v5;
	v7 =	vmul.f32 v41, v41  }
0xa0: {  	v39 =	vld [tilespmem:$0x1280];
	v12 =	vsel vm15, $0x1A, v12;
	v8 =	vmul.f32 v8, v8;
	v6 =	vmul.f32 v6, v6  }
0xa1: {  	v44 =	vld [tilespmem:$0x1300];
	v35 =	vmul.f32 v30, v30;
	v52 =	vsub.f32 v3, v42;
	v7 =	vadd.f32 v7, v10  }
0xa2: {  	v38 =	vmul.f32 v36, v36;
	v41 =	vld [tilespmem:$0x3280];
	v8 =	vadd.f32 v8, v9;
	v9 =	vsub.f32 v2, v53  }
0xa3: {  	v50 =	vld [tilespmem:$0x1380];
	vm4 =	vlt.f32 v5, v4;
	v10 =	vadd.f32 v62, v61;
	v62 =	vsub.f32 v3, v56  }
0xa4: {  	v4 =	vsel vm4, v5, v4;
	v5 =	vmul.f32 v48, v48;
	v12 =	vsel vm4, $0x1B, v12  }
0xa5: {  	v48 =	vsub.f32 v1, v39;
	vm5 =	vlt.f32 v7, v4;
	v9 =	vmul.f32 v9, v9  }
0xa6: {  	v26 =	vld [tilespmem:$0x3180];
	v4 =	vsel vm5, v7, v4;
	v5 =	vadd.f32 v6, v5;
	v7 =	vsub.f32 v3, v55  }
0xa7: {  	v61 =	vld [tilespmem:$0x5400];
	v12 =	vsel vm5, $0x1C, v12;
	v6 =	vsub.f32 v2, v59;
	v49 =	vsub.f32 v2, v41  }
0xa8: {  	v32 =	vld [tilespmem:$0x3200];
	v53 =	vmul.f32 v48, v48;
	v55 =	vsub.f32 v1, v44;
	v59 =	vsub.f32 v1, v50  }
0xa9: {  	v29 =	vld [tilespmem:$0x5500];
	vm6 =	vlt.f32 v8, v4;
	v9 =	vadd.f32 v9, v19;
	v19 =	vmul.f32 v62, v62  }
0xaa: {  	v28 =	vld [tilespmem:$0x5180];
	v4 =	vsel vm6, v8, v4;
	v5 =	vadd.f32 v54, v5;
	v8 =	vmul.f32 v60, v60  }
0xab: {  	v58 =	vld [tilespmem:$0x1400];
	v12 =	vsel vm6, $0x1D, v12;
	v7 =	vmul.f32 v7, v7;
	v6 =	vmul.f32 v6, v6  }
0xac: {  	v63 =	vld [tilespmem:$0x1480];
	v54 =	vmul.f32 v49, v49;
	v25 =	vsub.f32 v3, v61;
	v8 =	vadd.f32 v8, v10  }
0xad: {  	v57 =	vmul.f32 v55, v55;
	v60 =	vld [tilespmem:$0x3400];
	v7 =	vadd.f32 v7, v9;
	v9 =	vsub.f32 v2, v26  }
0xae: {  	v23 =	vld [tilespmem:$0x1500];
	vm7 =	vlt.f32 v5, v4;
	v10 =	vadd.f32 v35, v34;
	v35 =	vsub.f32 v3, v29  }
0xaf: {  	v4 =	vsel vm7, v5, v4;
	v5 =	vmul.f32 v21, v21;
	v12 =	vsel vm7, $0x1E, v12  }
0xb0: {  	v21 =	vsub.f32 v1, v58;
	vm8 =	vlt.f32 v8, v4;
	v9 =	vmul.f32 v9, v9  }
0xb1: {  	v45 =	vld [tilespmem:$0x3300];
	v4 =	vsel vm8, v8, v4;
	v5 =	vadd.f32 v6, v5;
	v8 =	vsub.f32 v3, v28  }
0xb2: {  	v34 =	vld [tilespmem:$0x5580];
	v12 =	vsel vm8, $0x1F, v12;
	v6 =	vsub.f32 v2, v32;
	v22 =	vsub.f32 v2, v60  }
0xb3: {  	v51 =	vld [tilespmem:$0x3380];
	v26 =	vmul.f32 v21, v21;
	v28 =	vsub.f32 v1, v63;
	v32 =	vsub.f32 v1, v23  }
0xb4: {  	v48 =	vld [tilespmem:$0x5680];
	vm9 =	vlt.f32 v7, v4;
	v9 =	vadd.f32 v9, v38;
	v38 =	vmul.f32 v35, v35  }
0xb5: {  	v47 =	vld [tilespmem:$0x5300];
	v4 =	vsel vm9, v7, v4;
	v5 =	vadd.f32 v27, v5;
	v7 =	vmul.f32 v33, v33  }
0xb6: {  	v31 =	vld [tilespmem:$0x1580];
	v12 =	vsel vm9, $0x20, v12;
	v8 =	vmul.f32 v8, v8;
	v6 =	vmul.f32 v6, v6  }
0xb7: {  	v36 =	vld [tilespmem:$0x1600];
	v27 =	vmul.f32 v22, v22;
	v44 =	vsub.f32 v3, v34;
	v7 =	vadd.f32 v7, v10  }
0xb8: {  	v30 =	vmul.f32 v28, v28;
	v33 =	vld [tilespmem:$0x3580];
	v8 =	vadd.f32 v8, v9;
	v9 =	vsub.f32 v2, v45  }
0xb9: {  	v42 =	vld [tilespmem:$0x1680];
	vm10 =	vlt.f32 v5, v4;
	v10 =	vadd.f32 v54, v53;
	v54 =	vsub.f32 v3, v48  }
0xba: {  	v16 =	vld [tilespmem:$0x3A80];
	v4 =	vsel vm10, v5, v4;
	v5 =	vmul.f32 v40, v40;
	v12 =	vsel vm10, $0x21, v12  }
0xbb: {  	v18 =	vld [tilespmem:$0x3480];
	v40 =	vsub.f32 v1, v31;
	vm11 =	vlt.f32 v7, v4;
	v9 =	vmul.f32 v9, v9  }
0xbc: {  	v24 =	vld [tilespmem:$0x3500];
	v4 =	vsel vm11, v7, v4;
	v5 =	vadd.f32 v6, v5;
	v7 =	vsub.f32 v3, v47  }
0xbd: {  	v53 =	vld [tilespmem:$0x5700];
	v12 =	vsel vm11, $0x22, v12;
	v6 =	vsub.f32 v2, v51;
	v41 =	vsub.f32 v2, v33  }
0xbe: {  	v20 =	vld [tilespmem:$0x5480];
	v45 =	vmul.f32 v40, v40;
	v47 =	vsub.f32 v1, v36;
	v51 =	vsub.f32 v1, v42  }
0xbf: {  	v21 =	vld [tilespmem:$0x5800];
	vm12 =	vlt.f32 v8, v4;
	v9 =	vadd.f32 v9, v57;
	v57 =	vmul.f32 v54, v54  }
0xc0: {  	v50 =	vld [tilespmem:$0x1700];
	v4 =	vsel vm12, v8, v4;
	v5 =	vadd.f32 v46, v5;
	v8 =	vmul.f32 v52, v52  }
0xc1: {  	v42 =	vld [tilespmem:$0x1A00];
	v12 =	vsel vm12, $0x23, v12;
	v7 =	vmul.f32 v7, v7;
	v6 =	vmul.f32 v6, v6  }
0xc2: {  	v55 =	vld [tilespmem:$0x1780];
	v46 =	vmul.f32 v41, v41;
	v63 =	vsub.f32 v3, v53;
	v8 =	vadd.f32 v8, v10  }
0xc3: {  	v49 =	vmul.f32 v47, v47;
	v52 =	vld [tilespmem:$0x3700];
	v7 =	vadd.f32 v7, v9;
	v9 =	vsub.f32 v2, v18  }
0xc4: {  	v61 =	vld [tilespmem:$0x1800];
	vm13 =	vlt.f32 v5, v4;
	v10 =	vadd.f32 v27, v26;
	v27 =	vsub.f32 v3, v21  }
0xc5: {  	v47 =	vld [tilespmem:$0x1A80];
	v4 =	vsel vm13, v5, v4;
	v5 =	vmul.f32 v59, v59;
	v12 =	vsel vm13, $0x24, v12  }
0xc6: {  	v59 =	vsub.f32 v1, v50;
	v50 =	vsub.f32 v1, v42;
	vm14 =	vlt.f32 v8, v4  }
0xc7: {  	v17 =	vld [tilespmem:$0x1C80];
	v4 =	vsel vm14, v8, v4;
	v5 =	vadd.f32 v6, v5;
	v8 =	vsub.f32 v3, v20  }
0xc8: {  	v9 =	vmul.f32 v9, v9;
	v6 =	vsub.f32 v2, v24;
	v60 =	vsub.f32 v2, v52  }
0xc9: {  	v37 =	vld [tilespmem:$0x3600];
	v12 =	vsel vm14, $0x25, v12;
	v20 =	vsub.f32 v1, v55;
	v24 =	vsub.f32 v1, v61  }
0xca: {  	v26 =	vld [tilespmem:$0x5880];
	v18 =	vmul.f32 v59, v59;
	v54 =	vsub.f32 v1, v47;
	v55 =	vsub.f32 v2, v16  }
0xcb: {  	v43 =	vld [tilespmem:$0x3680];
	vm15 =	vlt.f32 v7, v4;
	v9 =	vadd.f32 v9, v30;
	v30 =	vmul.f32 v27, v27  }
0xcc: {  	v40 =	vld [tilespmem:$0x5980];
	v27 =	vsub.f32 v1, v17;
	v4 =	vsel vm15, v7, v4;
	v7 =	vmul.f32 v25, v25  }
0xcd: {  	v23 =	vld [tilespmem:$0x1880];
	v5 =	vadd.f32 v19, v5;
	v8 =	vmul.f32 v8, v8;
	v6 =	vmul.f32 v6, v6  }
0xce: {  	v52 =	vld [tilespmem:$0x1B00];
	v12 =	vsel vm15, $0x26, v12;
	v19 =	vmul.f32 v60, v60;
	v22 =	vmul.f32 v20, v20  }
0xcf: {  	v39 =	vld [tilespmem:$0x5600];
	v36 =	vsub.f32 v3, v26;
	v14 =	vmul.f32 v55, v55;
	v7 =	vadd.f32 v7, v10  }
0xd0: {  	v28 =	vld [tilespmem:$0x1900];
	v15 =	vmul.f32 v27, v27;
	v8 =	vadd.f32 v8, v9;
	v9 =	vsub.f32 v2, v37  }
0xd1: {  	v25 =	vld [tilespmem:$0x3880];
	vm4 =	vlt.f32 v5, v4;
	v10 =	vadd.f32 v46, v45;
	v46 =	vsub.f32 v3, v40  }
0xd2: {  	v34 =	vld [tilespmem:$0x1980];
	v4 =	vsel vm4, v5, v4;
	v5 =	vmul.f32 v32, v32;
	v12 =	vsel vm4, $0x27, v12  }
0xd3: {  	v60 =	vld [tilespmem:$0x5B80];
	v32 =	vsub.f32 v1, v23;
	v59 =	vsub.f32 v1, v52;
	vm5 =	vlt.f32 v7, v4  }
0xd4: {  	v9 =	vmul.f32 v9, v9;
	v48 =	vmul.f32 v46, v46;
	v4 =	vsel vm5, v7, v4  }
0xd5: {  	v5 =	vadd.f32 v6, v5;
	v12 =	vsel vm5, $0x28, v12;
	v7 =	vsub.f32 v3, v39  }
0xd6: {  	v6 =	vsub.f32 v2, v43;
	v33 =	vsub.f32 v2, v25;
	v37 =	vmul.f32 v32, v32  }
0xd7: {  	v56 =	vld [tilespmem:$0x3780];
	v39 =	vsub.f32 v1, v28;
	v43 =	vsub.f32 v1, v34;
	vm6 =	vlt.f32 v8, v4  }
0xd8: {  	v13 =	vsub.f32 v3, v60;
	v9 =	vadd.f32 v9, v49;
	v4 =	vsel vm6, v8, v4  }
0xd9: {  	v62 =	vld [tilespmem:$0x3800];
	v5 =	vadd.f32 v38, v5;
	v8 =	vmul.f32 v44, v44;
	v7 =	vmul.f32 v7, v7  }
0xda: {  	v58 =	vld [tilespmem:$0x5780];
	v12 =	vsel vm6, $0x29, v12;
	v6 =	vmul.f32 v6, v6;
	v38 =	vmul.f32 v33, v33  }
0xdb: {  	v41 =	vmul.f32 v39, v39;
	v44 =	vld [tilespmem:$0x3A00];
	vm7 =	vlt.f32 v5, v4;
	v8 =	vadd.f32 v8, v10  }
0xdc: {  	v7 =	vadd.f32 v7, v9;
	v9 =	vsub.f32 v2, v56;
	v4 =	vsel vm7, v5, v4  }
0xdd: {  	v10 =	vadd.f32 v19, v18;
	v56 =	vld [tilespmem:$0x5B00];
	v5 =	vmul.f32 v51, v51;
	vm8 =	vlt.f32 v8, v4  }
0xde: {  	v18 =	vld [tilespmem:$0x1D80];
	v12 =	vsel vm7, $0x2A, v12;
	v9 =	vmul.f32 v9, v9;
	v4 =	vsel vm8, v8, v4  }
0xdf: {  	v42 =	vld [tilespmem:$0x1E80];
	v5 =	vadd.f32 v6, v5;
	v12 =	vsel vm8, $0x2B, v12;
	v8 =	vsub.f32 v3, v58  }
0xe0: {  	v29 =	vld [tilespmem:$0x3900];
	v6 =	vsub.f32 v2, v62;
	v51 =	vsub.f32 v2, v44;
	vm9 =	vlt.f32 v7, v4  }
0xe1: {  	v28 =	vld [tilespmem:$0x1D00];
	v9 =	vadd.f32 v9, v22;
	v4 =	vsel vm9, v7, v4;
	v5 =	vadd.f32 v57, v5  }
0xe2: {  	v35 =	vld [tilespmem:$0x3980];
	v12 =	vsel vm9, $0x2C, v12;
	v7 =	vmul.f32 v63, v63;
	v8 =	vmul.f32 v8, v8  }
0xe3: {  	v58 =	vld [tilespmem:$0x3B80];
	v6 =	vmul.f32 v6, v6;
	v62 =	vsub.f32 v3, v56;
	v40 =	vsub.f32 v1, v18  }
0xe4: {  	v31 =	vld [tilespmem:$0x5900];
	v11 =	vmul.f32 v51, v51;
	v51 =	vsub.f32 v1, v42;
	v7 =	vadd.f32 v7, v10  }
0xe5: {  	v57 =	vld [tilespmem:$0x1B80];
	vm10 =	vlt.f32 v5, v4;
	v8 =	vadd.f32 v8, v9;
	v9 =	vsub.f32 v2, v29  }
0xe6: {  	v63 =	vld [tilespmem:$0x3C00];
	v10 =	vadd.f32 v38, v37;
	v20 =	vmul.f32 v62, v62;
	v37 =	vsub.f32 v1, v28  }
0xe7: {  	v4 =	vsel vm10, v5, v4;
	v5 =	vmul.f32 v24, v24;
	v12 =	vsel vm10, $0x2D, v12  }
0xe8: {  	v25 =	vsub.f32 v2, v58;
	vm11 =	vlt.f32 v7, v4;
	v9 =	vmul.f32 v9, v9  }
0xe9: {  	v29 =	vld [tilespmem:$0x3D00];
	v4 =	vsel vm11, v7, v4;
	v5 =	vadd.f32 v6, v5;
	v7 =	vsub.f32 v3, v31  }
0xea: {  	v45 =	vld [tilespmem:$0x5A00];
	v12 =	vsel vm11, $0x2E, v12;
	v6 =	vsub.f32 v2, v35;
	v23 =	vsub.f32 v1, v57  }
0xeb: {  	v49 =	vld [tilespmem:$0x5A80];
	v26 =	vsub.f32 v2, v63;
	vm12 =	vlt.f32 v8, v4;
	v9 =	vadd.f32 v9, v41  }
0xec: {  	v31 =	vld [tilespmem:$0x3D80];
	v4 =	vsel vm12, v8, v4;
	v5 =	vadd.f32 v30, v5;
	v8 =	vmul.f32 v36, v36  }
0xed: {  	v41 =	vld [tilespmem:$0x5E00];
	v12 =	vsel vm12, $0x2F, v12;
	v7 =	vmul.f32 v7, v7;
	v6 =	vmul.f32 v6, v6  }
0xee: {  	v53 =	vld [tilespmem:$0x3B00];
	v30 =	vmul.f32 v13, v13;
	v38 =	vsub.f32 v2, v29;
	v8 =	vadd.f32 v8, v10  }
0xef: {  	v39 =	vld [tilespmem:$0x3E00];
	vm13 =	vlt.f32 v5, v4;
	v7 =	vadd.f32 v7, v9;
	v10 =	vsub.f32 v3, v45  }
0xf0: {  	v36 =	vld [tilespmem:$0x1E00];
	v9 =	vsub.f32 v3, v49;
	v4 =	vsel vm13, v5, v4;
	v5 =	vmul.f32 v43, v43  }
0xf1: {  	v12 =	vsel vm13, $0x30, v12;
	v13 =	vsub.f32 v2, v31;
	vm14 =	vlt.f32 v8, v4  }
0xf2: {  	v24 =	vld [tilespmem:$0x5C80];
	v10 =	vmul.f32 v10, v10;
	v9 =	vmul.f32 v9, v9;
	v52 =	vsub.f32 v3, v41  }
0xf3: {  	v43 =	vld [tilespmem:$0x3E80];
	v5 =	vadd.f32 v6, v5;
	v4 =	vsel vm14, v8, v4;
	v12 =	vsel vm14, $0x31, v12  }
0xf4: {  	v8 =	vmul.f32 v50, v50;
	v6 =	vsub.f32 v2, v53;
	v13 =	vmul.f32 v13, v13  }
0xf5: {  	v61 =	vld [tilespmem:$0x1C00];
	v49 =	vsub.f32 v1, v36;
	v50 =	vsub.f32 v2, v39;
	vm15 =	vlt.f32 v7, v4  }
0xf6: {  	v56 =	vmul.f32 v52, v52;
	v5 =	vadd.f32 v48, v5;
	v4 =	vsel vm15, v7, v4  }
0xf7: {  	v21 =	vld [tilespmem:$0x3C80];
	v8 =	vadd.f32 v11, v8;
	v7 =	vmul.f32 v54, v54;
	v6 =	vmul.f32 v6, v6  }
0xf8: {  	v12 =	vsel vm15, $0x32, v12;
	v11 =	vsub.f32 v3, v24;
	v53 =	vsub.f32 v2, v43  }
0xf9: {  	v22 =	vld [tilespmem:$0x5C00];
	vm2 =	vlt.f32 v5, v4;
	v8 =	vadd.f32 v10, v8;
	v7 =	vadd.f32 v14, v7  }
0xfa: {  	v54 =	vld [tilespmem:$0x5F00];
	v10 =	vsub.f32 v1, v61;
	v14 =	vmul.f32 v26, v26;
	v11 =	vmul.f32 v11, v11  }
0xfb: {  	v32 =	vld [tilespmem:$0x5D00];
	v4 =	vsel vm2, v5, v4;
	v5 =	vmul.f32 v59, v59;
	v12 =	vsel vm2, $0x33, v12  }
0xfc: {  	vm4 =	vlt.f32 v8, v4;
	v7 =	vadd.f32 v9, v7;
	v9 =	vsub.f32 v2, v21  }
0xfd: {  	v10 =	vmul.f32 v10, v10;
	v5 =	vadd.f32 v6, v5;
	v4 =	vsel vm4, v8, v4  }
0xfe: {  	v45 =	vld [tilespmem:$0x5E80];
	v6 =	vmul.f32 v23, v23;
	v8 =	vsub.f32 v3, v22;
	v12 =	vsel vm4, $0x34, v12  }
0xff: {  	v62 =	vsub.f32 v3, v54;
	vm5 =	vlt.f32 v7, v4;
	v10 =	vadd.f32 v14, v10  }
0x100: {  	v33 =	vld [tilespmem:$0x5D80];
	v9 =	vmul.f32 v9, v9;
	v14 =	vsub.f32 v3, v32;
	v5 =	vadd.f32 v20, v5  }
0x101: {  	v59 =	vld [tilespmem:$0x5F80];
	v4 =	vsel vm5, v7, v4;
	v7 =	vmul.f32 v25, v25;
	v8 =	vmul.f32 v8, v8  }
0x102: {  	v12 =	vsel vm5, $0x35, v12;
	v63 =	vmul.f32 v62, v62;
	v9 =	vadd.f32 v9, v15  }
0x103: {  	v44 =	vmul.f32 v14, v14;
	v14 =	vsub.f32 v3, v45;
	v15 =	vmul.f32 v53, v53  }
0x104: {  	v6 =	vadd.f32 v7, v6;
	vm6 =	vlt.f32 v5, v4;
	v34 =	vadd.f32 v8, v10  }
0x105: {  	v48 =	vld [tilespmem:$0x3F00];
	v10 =	vmul.f32 v37, v37;
	v7 =	vsub.f32 v3, v33;
	v8 =	vmul.f32 v50, v50  }
0x106: {  	v58 =	vld [tilespmem:$0x3F80];
	v3 =	vsub.f32 v3, v59;
	v4 =	vsel vm6, v5, v4;
	v6 =	vadd.f32 v30, v6  }
0x107: {  	v35 =	vadd.f32 v11, v9;
	v11 =	vmul.f32 v38, v38;
	v47 =	vsel vm6, $0x36, v12  }
0x108: {  	v9 =	vmul.f32 v51, v51;
	v57 =	vmul.f32 v14, v14;
	vm7 =	vlt.f32 v6, v4  }
0x109: {  	v10 =	vadd.f32 v11, v10;
	v4 =	vsel vm7, v6, v4;
	v6 =	vmul.f32 v40, v40  }
0x10a: {  	v46 =	vld [tilespmem:$0x1F00];
	v7 =	vmul.f32 v7, v7;
	v11 =	vsub.f32 v2, v48;
	v9 =	vadd.f32 v15, v9  }
0x10b: {  	v55 =	vld [tilespmem:$0x1F80];
	v2 =	vsub.f32 v2, v58;
	vm8 =	vlt.f32 v34, v4;
	v6 =	vadd.f32 v13, v6  }
0x10c: {  	v10 =	vadd.f32 v44, v10;
	v11 =	vmul.f32 v11, v11;
	v4 =	vsel vm8, v34, v4  }
0x10d: {  	vm9 =	vlt.f32 v35, v4;
	v6 =	vadd.f32 v7, v6;
	v7 =	vmul.f32 v49, v49  }
0x10e: {  	v5 =	vsel vm7, $0x37, v47;
	v60 =	vadd.f32 v57, v9;
	v4 =	vsel vm9, v35, v4  }
0x10f: {  	v13 =	vsub.f32 v1, v46;
	vm10 =	vlt.f32 v10, v4;
	v7 =	vadd.f32 v8, v7  }
0x110: {  	v2 =	vmul.f32 v2, v2;
	v1 =	vsub.f32 v1, v55;
	v4 =	vsel vm10, v10, v4  }
0x111: {  	v13 =	vmul.f32 v13, v13;
	vm11 =	vlt.f32 v6, v4;
	v7 =	vadd.f32 v56, v7  }
0x112: {  	v5 =	vsel vm8, $0x38, v5;
	v1 =	vmul.f32 v1, v1;
	v4 =	vsel vm11, v6, v4  }
0x113: {  	v5 =	vsel vm9, $0x39, v5;
	v61 =	vadd.f32 v11, v13;
	vm12 =	vlt.f32 v7, v4  }
0x114: {  	v5 =	vsel vm10, $0x3A, v5;
	v1 =	vadd.f32 v2, v1;
	v4 =	vsel vm12, v7, v4  }
0x115: {  	v2 =	vmul.f32 v3, v3;
	v6 =	vadd.f32 v63, v61;
	vm13 =	vlt.f32 v60, v4  }
0x116: {  	v3 =	vsel vm11, $0x3B, v5;
	v4 =	vsel vm13, v60, v4  }
0x117: {  	v1 =	vadd.f32 v2, v1;
	v3 =	vsel vm12, $0x3C, v3;
	vm14 =	vlt.f32 v6, v4  }
0x118: {  	v2 =	vsel vm13, $0x3D, v3;
	v3 =	vsel vm14, v6, v4  }
0x119: {  	v2 =	vsel vm14, $0x3E, v2;
	vm15 =	vlt.f32 v1, v3  }
0x11a: {  	p0 =	sne.s32 s8, $0x1;
	v1 =	vsel vm15, $0x3F, v2  }
.Ltmp0:
0x11b: {  	[tilespmem:$0x6200] =	vst v1;
	(pc) =	sbr.rel @p0 .LBB2_1-.Ltmp0, $4  }
0x11c: {  	[hbm4b:s7+s3] =	stream.linear.scatter [tilespmem:s13], [sflag:$0x1], $0x10, $0x38;
	[tilespmem:$0x6280] =	vst v63  }
0x11d: {  	_ =	swait.ge [sflag:s9], $0x10  }
0x11e: {  	[sflag:s9] =	ssyncset.done $0x0  }
0x11f: {  	s8 =	sadd.s32 $0xFFFFFFFF, s8;
	[sflag:s9] =	ssyncadd.s32 $0xFFFFFFF0  }
0x120: {  	_ =	sfence.sel $0x180000  }
0x121: {  	[bflag:$0x0] =	sbarrier.arrive $0xFFFF  }
0x122: {  	p0 =	sne.s32 s1, $0x0;
	_ =	strace $0x90000047  }
0x123: {  	s0 =	sadd.s32 @!p0 $0x100000, s0;
	[bflag:$0x2] =	sbarrier.arrive $0xFFFF  }
0x124: {  	[sflag:s0] =	ssyncadd.tile.s32 @!p0 $0x1;
	_ =	shalt  }
.Lfunc_end2:
_tile_overlayer_lowered:
.L_overlay_start_2:
0x125: {  	(tag) =	ssettag $0x2  }
0x126: {  	s0 =	rddreg [dreg:$0x0];
	s2 =	stileid.u32  }
0x127: {  	s1 =	rddreg [dreg:$0x1];
	p0 =	sne.s32 s2, $0x0  }
0x128: {  	s3 =	rddreg [dreg:$0x2];
	[bflag:$0x3] =	sbarrier.arrive $0xFFFF;
	s2 =	simm.s32 @!p0 $0x1C01  }
0x129: {  	[timem:s3], [sflag:s2] =	dma.local @!p0 [hbm:s0], s1  }
0x12a: {  	s0 =	simm.s32 @!p0 $0x1  }
0x12b: {  	_ =	swait.ge @!p0 [sflag:s0], s1  }
0x12c: {  	s1 =	ssub.s32 @!p0 $0x0, s1;
	[sflag:s0] =	ssyncset.done @!p0 $0x0  }
0x12d: {  	[sflag:s0] =	ssyncadd.s32 @!p0 s1  }
0x12e: {  	[bflag:$0x3] =	sbarrier.arrive $0xFFFF  }
0x12f: {  	_ =	shalt  }

</sc_bundles>
